<compile_context>
chip_gen: v7x
topology: tpu7x:2x2x1
jax: 0.10.2.dev20260603
libtpu: 0.0.44.dev20260713+nightly
codegen_flags: <defaults>
</compile_context>

<pallas_src>
import functools

import jax
import jax.numpy as jnp
from jax import lax
from jax.experimental import pallas as pl
from jax.experimental.pallas import tpu as pltpu
from jax.experimental.pallas import tpu_sc as plsc

N = 10000
E = 160000
NP = 10240
EP = 163840
CH = 128
NCH = EP // (32 * CH)
ROWS_PER_TILE = NP // 16

_mesh = plsc.VectorSubcoreMesh(core_axis_name="c", subcore_axis_name="s")


def _zero_fill(buf, nrows, ncols):
    def row(i, _):
        def col(j, _):
            buf[i, pl.ds(j * 16, 16)] = jnp.zeros((16,), jnp.float32)
            return 0
        return lax.fori_loop(0, ncols // 16, col, 0)
    lax.fori_loop(0, nrows, row, 0)


def _deg_call(dst2d):
    @functools.partial(
        pl.kernel,
        out_type=jax.ShapeDtypeStruct((2, NP, 16), jnp.float32),
        mesh=_mesh,
        scratch_types=[
            pltpu.VMEM((NCH, CH), jnp.int32),
            pltpu.VMEM((CH, 16), jnp.float32),
            pltpu.VMEM_SHARED((NP, 16), jnp.float32),
            pltpu.SemaphoreType.DMA,
        ],
    )
    def deg_kernel(dst_hbm, out_hbm, didx, buf, acc, dsem):
        c = lax.axis_index("c")
        s = lax.axis_index("s")
        wid = c * 16 + s
        _zero_fill(buf, CH, 16)
        for b in range(ROWS_PER_TILE // CH):
            pltpu.sync_copy(buf, acc.at[pl.ds(s * ROWS_PER_TILE + b * CH, CH), :])
        plsc.subcore_barrier()
        pltpu.sync_copy(dst_hbm.at[pl.ds(wid * NCH, NCH), :], didx)
        def fill_one(i, _):
            buf[i] = jnp.ones((16,), jnp.float32)
            return 0
        lax.fori_loop(0, CH, fill_one, 0)
        def chunk(jj, _):
            for b in range(8):
                pltpu.async_copy(buf, acc.at[didx.at[jj * 8 + b]], dsem, add=True)
            for b in range(8):
                pltpu.make_async_copy(buf, acc.at[didx.at[jj * 8 + b]], dsem).wait()
            return 0
        lax.fori_loop(0, NCH // 8, chunk, 0)
        plsc.subcore_barrier()
        for b in range(ROWS_PER_TILE // CH):
            r0 = s * ROWS_PER_TILE + b * CH
            pltpu.sync_copy(acc.at[pl.ds(r0, CH), :], buf)
            pltpu.sync_copy(buf, out_hbm.at[c, pl.ds(r0, CH), :])

    return deg_kernel(dst2d)


def _prop_call(g, src2d, dst2d):
    F = 128

    @functools.partial(
        pl.kernel,
        out_type=jax.ShapeDtypeStruct((2, NP, F), jnp.float32),
        mesh=_mesh,
        scratch_types=[
            pltpu.VMEM((NCH, CH), jnp.int32),
            pltpu.VMEM((NCH, CH), jnp.int32),
            [pltpu.VMEM((CH, F), jnp.float32)] * 2,
            pltpu.VMEM_SHARED((NP, F), jnp.float32),
            [pltpu.SemaphoreType.DMA] * 2,
            [pltpu.SemaphoreType.DMA] * 2,
        ],
    )
    def prop_kernel(g_hbm, src_hbm, dst_hbm, out_hbm,
                    sidx, didx, rows, acc, gsem, ssem):
        c = lax.axis_index("c")
        s = lax.axis_index("s")
        wid = c * 16 + s
        _zero_fill(rows[0], CH, F)
        for b in range(ROWS_PER_TILE // CH):
            pltpu.sync_copy(rows[0], acc.at[pl.ds(s * ROWS_PER_TILE + b * CH, CH), :])
        plsc.subcore_barrier()
        pltpu.sync_copy(src_hbm.at[pl.ds(wid * NCH, NCH), :], sidx)
        pltpu.sync_copy(dst_hbm.at[pl.ds(wid * NCH, NCH), :], didx)

        def step(j, _):
            i0, i1 = 2 * j, 2 * j + 1
            pltpu.async_copy(g_hbm.at[sidx.at[i0]], rows[0], gsem[0])
            pltpu.async_copy(g_hbm.at[sidx.at[i1]], rows[1], gsem[1])
            pltpu.make_async_copy(g_hbm.at[sidx.at[i0]], rows[0], gsem[0]).wait()
            pltpu.async_copy(rows[0], acc.at[didx.at[i0]], ssem[0], add=True)
            pltpu.make_async_copy(g_hbm.at[sidx.at[i1]], rows[1], gsem[1]).wait()
            pltpu.async_copy(rows[1], acc.at[didx.at[i1]], ssem[1], add=True)
            pltpu.make_async_copy(rows[0], acc.at[didx.at[i0]], ssem[0]).wait()
            pltpu.make_async_copy(rows[1], acc.at[didx.at[i1]], ssem[1]).wait()
            return 0
        lax.fori_loop(0, NCH // 2, step, 0)
        plsc.subcore_barrier()
        for b in range(ROWS_PER_TILE // CH):
            r0 = s * ROWS_PER_TILE + b * CH
            pltpu.sync_copy(acc.at[pl.ds(r0, CH), :], rows[0])
            pltpu.sync_copy(rows[0], out_hbm.at[c, pl.ds(r0, CH), :])

    return prop_kernel(g, src2d, dst2d)


_BM = 1000


def _dis_block(degb):
    return lax.rsqrt(degb[0, :, :1] + degb[1, :, :1] + 1.0)


def _mm1_call(x, w1p, deg16):
    def body(xb, wb, degb, ob):
        dis = _dis_block(degb)
        acc = jnp.dot(xb[...], wb[...], preferred_element_type=jnp.float32,
                      precision=lax.Precision.HIGHEST)
        ob[...] = acc * dis

    return pl.pallas_call(
        body,
        grid=(N // _BM,),
        in_specs=[
            pl.BlockSpec((_BM, 972), lambda i: (i, 0)),
            pl.BlockSpec((972, 128), lambda i: (0, 0)),
            pl.BlockSpec((2, _BM, 16), lambda i: (0, i, 0)),
        ],
        out_specs=pl.BlockSpec((_BM, 128), lambda i: (i, 0)),
        out_shape=jax.ShapeDtypeStruct((NP, 128), jnp.float32),
    )(x, w1p, deg16)


def _mm2_call(deg16, s1, g1, b1r, w2p):
    def body(degb, sb, gb, bb, wb, ob):
        dis = _dis_block(degb)
        h = jnp.maximum((sb[0] + sb[1] + gb[...]) * dis + bb[...], 0.0)
        acc = jnp.dot(h, wb[...], preferred_element_type=jnp.float32,
                      precision=lax.Precision.HIGHEST)
        ob[...] = acc * dis

    return pl.pallas_call(
        body,
        grid=(N // _BM,),
        in_specs=[
            pl.BlockSpec((2, _BM, 16), lambda i: (0, i, 0)),
            pl.BlockSpec((2, _BM, 128), lambda i: (0, i, 0)),
            pl.BlockSpec((_BM, 128), lambda i: (i, 0)),
            pl.BlockSpec((1, 128), lambda i: (0, 0)),
            pl.BlockSpec((128, 128), lambda i: (0, 0)),
        ],
        out_specs=pl.BlockSpec((_BM, 128), lambda i: (i, 0)),
        out_shape=jax.ShapeDtypeStruct((NP, 128), jnp.float32),
    )(deg16, s1, g1, b1r, w2p)


def _final_call(deg16, s2, g2, b2r):
    def body(degb, sb, gb, bb, ob):
        dis = _dis_block(degb)
        ob[...] = (sb[0, :, :64] + sb[1, :, :64] + gb[:, :64]) * dis + bb[...]

    return pl.pallas_call(
        body,
        grid=(N // _BM,),
        in_specs=[
            pl.BlockSpec((2, _BM, 16), lambda i: (0, i, 0)),
            pl.BlockSpec((2, _BM, 128), lambda i: (0, i, 0)),
            pl.BlockSpec((_BM, 128), lambda i: (i, 0)),
            pl.BlockSpec((1, 64), lambda i: (0, 0)),
        ],
        out_specs=pl.BlockSpec((_BM, 64), lambda i: (i, 0)),
        out_shape=jax.ShapeDtypeStruct((N, 64), jnp.float32),
    )(deg16, s2, g2, b2r)


def kernel(x, edge_index, W1, b1, W2, b2):
    ei = edge_index.astype(jnp.int32)
    pad_idx = jnp.full((EP - E,), N, jnp.int32)
    src2d = jnp.concatenate([ei[0], pad_idx]).reshape(EP // CH, CH)
    dst2d = jnp.concatenate([ei[1], pad_idx]).reshape(EP // CH, CH)
    w1p = jnp.pad(W1, ((972 - 384, 0), (0, 0)))
    w2p = jnp.pad(W2, ((0, 0), (0, 64)))

    deg16 = _deg_call(dst2d)
    g1 = _mm1_call(x, w1p, deg16)
    s1 = _prop_call(g1, src2d, dst2d)
    g2 = _mm2_call(deg16, s1, g1, b1.reshape(1, 128), w2p)
    s2 = _prop_call(g2, src2d, dst2d)
    return _final_call(deg16, s2, g2, b2.reshape(1, 64))

# --- scband reference (transcript-rebuilt; emitter-appended) ---
"""Pipeline reference for scband-gae-net-51453708206756 (READ-ONLY COPY).

The authoritative reference and input builder live on the scoring server;
editing this copy changes nothing except your own understanding.
"""

import jax, jax.numpy as jnp
import numpy as np

N_NODES = 10000
N_EDGES = 160000

def gcn_conv(x, edge_index, W, b):
    N = x.shape[0]
    loops = jnp.arange(N, dtype=edge_index.dtype)
    src = jnp.concatenate([edge_index[0], loops])
    dst = jnp.concatenate([edge_index[1], loops])
    deg = jnp.zeros((N,), dtype=x.dtype).at[dst].add(1.0)
    deg_inv_sqrt = jnp.where(deg > 0, 1.0 / jnp.sqrt(deg), 0.0)
    norm = deg_inv_sqrt[src] * deg_inv_sqrt[dst]
    h = x @ W
    msg = h[src] * norm[:, None]
    out = jnp.zeros((N, h.shape[1]), dtype=x.dtype).at[dst].add(msg)
    return out + b

def setup_inputs(seed: int = 0) -> dict:
    key = jax.random.key(seed)
    k1, k2, k3, k4, k5, k6 = jax.random.split(key, 6)
    x = jax.random.normal(k1, (N_NODES, 972), dtype=jnp.float32)
    edge_index = jax.random.randint(k2, (2, N_EDGES), 0, N_NODES, dtype=jnp.int64)
    # conv1: GCNConv(384, out_channels*2=128); conv2: GCNConv(128, 64)
    W1 = jax.random.normal(k3, (384, 128), dtype=jnp.float32) * (1.0 / np.sqrt(384))
    b1 = jnp.zeros((128,), dtype=jnp.float32)
    W2 = jax.random.normal(k4, (128, 64), dtype=jnp.float32) * (1.0 / np.sqrt(128))
    b2 = jnp.zeros((64,), dtype=jnp.float32)
    return {"x": x, "edge_index": edge_index, "W1": W1, "b1": b1, "W2": W2, "b2": b2}

def reference(x, edge_index, W1, b1, W2, b2):
    # encode(x, edge_index)
    xs = x[:, 588:]
    h = jax.nn.relu(gcn_conv(xs, edge_index, W1, b1))
    z = gcn_conv(h, edge_index, W2, b2)
    return z

if __name__ == "__main__":
    import jax
    _d = setup_inputs()
    print(jax.jit(kernel)(*tuple(_d.values())))

</pallas_src>

<mosaic_0001>
#map = affine_map<(d0, d1) -> (0, 0)>
#map1 = affine_map<(d0, d1) -> (0, 0, 0)>
module attributes {stable_mosaic.version = 14 : i64} {
  func.func @prop_kernel(%arg0: i32, %arg1: i32, %arg2: memref<10240x128xf32, #tpu.memory_space<hbm>>, %arg3: memref<1280x128xi32, #tpu.memory_space<hbm>>, %arg4: memref<1280x128xi32, #tpu.memory_space<hbm>>, %arg5: memref<2x10240x128xf32, #tpu.memory_space<hbm>>, %arg6: memref<40x128xi32, #tpu.memory_space<vmem>>, %arg7: memref<40x128xi32, #tpu.memory_space<vmem>>, %arg8: memref<128x128xf32, #tpu.memory_space<vmem>>, %arg9: memref<128x128xf32, #tpu.memory_space<vmem>>, %arg10: memref<10240x128xf32, #tpu.memory_space<vmem_shared>>, %arg11: memref<!tpu.dma_semaphore, #tpu.memory_space<semaphore_mem>>, %arg12: memref<!tpu.dma_semaphore, #tpu.memory_space<semaphore_mem>>, %arg13: memref<!tpu.dma_semaphore, #tpu.memory_space<semaphore_mem>>, %arg14: memref<!tpu.dma_semaphore, #tpu.memory_space<semaphore_mem>>) attributes {dimension_semantics = [#tpu.dimension_semantics<core_parallel>, #tpu.dimension_semantics<subcore_parallel>], iteration_bounds = array<i64: 2, 16>, scalar_prefetch = 0 : i64, scratch_operands = 9 : i64, tpu.core_type = #tpu.core_type<sc_vector_subcore>, window_params = [{transform_indices = #map}, {transform_indices = #map}, {transform_indices = #map}, {transform_indices = #map1}]} {
    %mul3A = arith.constant 16 : i32
    %mul3A_0 = arith.muli %arg0, %mul3A : i32
    %add3A = arith.addi %mul3A_0, %arg1 : i32
    %scan3A = arith.constant 0 : i32
    %scan3A_1 = arith.constant 0 : i32
    %scan3A_2 = arith.constant 128 : i32
    %scan3A_3 = arith.addi %scan3A_1, %scan3A_2 : i32
    %scan3A_4 = arith.constant 1 : i32
    %scan3A_5 = scf.for %scan3A_59 = %scan3A_1 to %scan3A_3 step %scan3A_4 iter_args(%scan3A_60 = %scan3A) -> (i32)  : i32 {
      %scan3A_61 = arith.constant 0 : i32
      %scan3A_62 = arith.constant 0 : i32
      %scan3A_63 = arith.constant 8 : i32
      %scan3A_64 = arith.addi %scan3A_62, %scan3A_63 : i32
      %scan3A_65 = arith.constant 1 : i32
      %scan3A_66 = scf.for %scan3A_68 = %scan3A_62 to %scan3A_64 step %scan3A_65 iter_args(%scan3A_69 = %scan3A_61) -> (i32)  : i32 {
        %broadcast_in_dim3A = arith.constant 0.000000e+00 : f32
        %broadcast_in_dim3A_70 = vector.broadcast %broadcast_in_dim3A : f32 to vector<16xf32>
        %mul3A_71 = arith.constant 16 : i32
        %mul3A_72 = arith.muli %scan3A_68, %mul3A_71 : i32
        %swap3A = arith.index_cast %scan3A_59 : i32 to index
        %swap3A_73 = arith.index_cast %mul3A_72 : i32 to index
        %swap3A_74 = tpu.vector_load %arg8[%swap3A, %swap3A_73] {strides = array<i32>} : memref<128x128xf32, #tpu.memory_space<vmem>>, vector<1x16xf32>,
        %swap3A_75 = vector.shape_cast %swap3A_74 : vector<1x16xf32> to vector<16xf32>
        %swap3A_76 = vector.shape_cast %broadcast_in_dim3A_70 : vector<16xf32> to vector<1x16xf32>
        tpu.vector_store %arg8[%swap3A, %swap3A_73], %swap3A_76 {strides = array<i32>} : memref<128x128xf32, #tpu.memory_space<vmem>>, vector<1x16xf32>,
        %scan3A_77 = arith.constant 0 : i32
        scf.yield %scan3A_77 : i32
      }
      %scan3A_67 = arith.constant 8 : i32
      scf.yield %scan3A_66 : i32
    }
    %scan3A_6 = arith.constant 128 : i32
    %mul3A_7 = arith.constant 640 : i32
    %mul3A_8 = arith.muli %arg1, %mul3A_7 : i32
    %add3A_9 = arith.constant 0 : i32
    %add3A_10 = arith.addi %mul3A_8, %add3A_9 : i32
    "tpu.region"() ({
      %run_scoped3A = tpu.sem_alloc : memref<!tpu.dma_semaphore, #tpu.memory_space<semaphore_mem>>
      %dma_start3A = arith.constant 0 : i32
      %dma_start3A_59 = tpu.memref_slice %arg10[%add3A_10, %dma_start3A] : memref<10240x128xf32, #tpu.memory_space<vmem_shared>> -> memref<128x128xf32, #tpu.memory_space<vmem_shared>>
      %dma_start3A_60 = arith.constant 0 : i32
      %dma_start3A_61 = tpu.memref_slice %arg10[%add3A_10, %dma_start3A_60] : memref<10240x128xf32, #tpu.memory_space<vmem_shared>> -> memref<128x128xf32, #tpu.memory_space<vmem_shared>>
      tpu.enqueue_dma source(%arg8 : memref<128x128xf32, #tpu.memory_space<vmem>>) target(%dma_start3A_61 : memref<128x128xf32, #tpu.memory_space<vmem_shared>>) target_semaphore(%run_scoped3A : memref<!tpu.dma_semaphore, #tpu.memory_space<semaphore_mem>>)
      %dma_wait3A = arith.constant 0 : i32
      %dma_wait3A_62 = tpu.memref_slice %arg10[%add3A_10, %dma_wait3A] : memref<10240x128xf32, #tpu.memory_space<vmem_shared>> -> memref<128x128xf32, #tpu.memory_space<vmem_shared>>
      %dma_wait3A_63 = arith.constant 0 : i32
      %dma_wait3A_64 = tpu.memref_slice %arg10[%add3A_10, %dma_wait3A_63] : memref<10240x128xf32, #tpu.memory_space<vmem_shared>> -> memref<128x128xf32, #tpu.memory_space<vmem_shared>>
      tpu.wait_dma2 semaphore(%run_scoped3A : memref<!tpu.dma_semaphore, #tpu.memory_space<semaphore_mem>>) src(%arg8 : memref<128x128xf32, #tpu.memory_space<vmem>>) dst(%dma_wait3A_64 : memref<128x128xf32, #tpu.memory_space<vmem_shared>>)
      tpu.yield
    }) : () -> ()
    %mul3A_11 = arith.constant 640 : i32
    %mul3A_12 = arith.muli %arg1, %mul3A_11 : i32
    %add3A_13 = arith.constant 128 : i32
    %add3A_14 = arith.addi %mul3A_12, %add3A_13 : i32
    "tpu.region"() ({
      %run_scoped3A = tpu.sem_alloc : memref<!tpu.dma_semaphore, #tpu.memory_space<semaphore_mem>>
      %dma_start3A = arith.constant 0 : i32
      %dma_start3A_59 = tpu.memref_slice %arg10[%add3A_14, %dma_start3A] : memref<10240x128xf32, #tpu.memory_space<vmem_shared>> -> memref<128x128xf32, #tpu.memory_space<vmem_shared>>
      %dma_start3A_60 = arith.constant 0 : i32
      %dma_start3A_61 = tpu.memref_slice %arg10[%add3A_14, %dma_start3A_60] : memref<10240x128xf32, #tpu.memory_space<vmem_shared>> -> memref<128x128xf32, #tpu.memory_space<vmem_shared>>
      tpu.enqueue_dma source(%arg8 : memref<128x128xf32, #tpu.memory_space<vmem>>) target(%dma_start3A_61 : memref<128x128xf32, #tpu.memory_space<vmem_shared>>) target_semaphore(%run_scoped3A : memref<!tpu.dma_semaphore, #tpu.memory_space<semaphore_mem>>)
      %dma_wait3A = arith.constant 0 : i32
      %dma_wait3A_62 = tpu.memref_slice %arg10[%add3A_14, %dma_wait3A] : memref<10240x128xf32, #tpu.memory_space<vmem_shared>> -> memref<128x128xf32, #tpu.memory_space<vmem_shared>>
      %dma_wait3A_63 = arith.constant 0 : i32
      %dma_wait3A_64 = tpu.memref_slice %arg10[%add3A_14, %dma_wait3A_63] : memref<10240x128xf32, #tpu.memory_space<vmem_shared>> -> memref<128x128xf32, #tpu.memory_space<vmem_shared>>
      tpu.wait_dma2 semaphore(%run_scoped3A : memref<!tpu.dma_semaphore, #tpu.memory_space<semaphore_mem>>) src(%arg8 : memref<128x128xf32, #tpu.memory_space<vmem>>) dst(%dma_wait3A_64 : memref<128x128xf32, #tpu.memory_space<vmem_shared>>)
      tpu.yield
    }) : () -> ()
    %mul3A_15 = arith.constant 640 : i32
    %mul3A_16 = arith.muli %arg1, %mul3A_15 : i32
    %add3A_17 = arith.constant 256 : i32
    %add3A_18 = arith.addi %mul3A_16, %add3A_17 : i32
    "tpu.region"() ({
      %run_scoped3A = tpu.sem_alloc : memref<!tpu.dma_semaphore, #tpu.memory_space<semaphore_mem>>
      %dma_start3A = arith.constant 0 : i32
      %dma_start3A_59 = tpu.memref_slice %arg10[%add3A_18, %dma_start3A] : memref<10240x128xf32, #tpu.memory_space<vmem_shared>> -> memref<128x128xf32, #tpu.memory_space<vmem_shared>>
      %dma_start3A_60 = arith.constant 0 : i32
      %dma_start3A_61 = tpu.memref_slice %arg10[%add3A_18, %dma_start3A_60] : memref<10240x128xf32, #tpu.memory_space<vmem_shared>> -> memref<128x128xf32, #tpu.memory_space<vmem_shared>>
      tpu.enqueue_dma source(%arg8 : memref<128x128xf32, #tpu.memory_space<vmem>>) target(%dma_start3A_61 : memref<128x128xf32, #tpu.memory_space<vmem_shared>>) target_semaphore(%run_scoped3A : memref<!tpu.dma_semaphore, #tpu.memory_space<semaphore_mem>>)
      %dma_wait3A = arith.constant 0 : i32
      %dma_wait3A_62 = tpu.memref_slice %arg10[%add3A_18, %dma_wait3A] : memref<10240x128xf32, #tpu.memory_space<vmem_shared>> -> memref<128x128xf32, #tpu.memory_space<vmem_shared>>
      %dma_wait3A_63 = arith.constant 0 : i32
      %dma_wait3A_64 = tpu.memref_slice %arg10[%add3A_18, %dma_wait3A_63] : memref<10240x128xf32, #tpu.memory_space<vmem_shared>> -> memref<128x128xf32, #tpu.memory_space<vmem_shared>>
      tpu.wait_dma2 semaphore(%run_scoped3A : memref<!tpu.dma_semaphore, #tpu.memory_space<semaphore_mem>>) src(%arg8 : memref<128x128xf32, #tpu.memory_space<vmem>>) dst(%dma_wait3A_64 : memref<128x128xf32, #tpu.memory_space<vmem_shared>>)
      tpu.yield
    }) : () -> ()
    %mul3A_19 = arith.constant 640 : i32
    %mul3A_20 = arith.muli %arg1, %mul3A_19 : i32
    %add3A_21 = arith.constant 384 : i32
    %add3A_22 = arith.addi %mul3A_20, %add3A_21 : i32
    "tpu.region"() ({
      %run_scoped3A = tpu.sem_alloc : memref<!tpu.dma_semaphore, #tpu.memory_space<semaphore_mem>>
      %dma_start3A = arith.constant 0 : i32
      %dma_start3A_59 = tpu.memref_slice %arg10[%add3A_22, %dma_start3A] : memref<10240x128xf32, #tpu.memory_space<vmem_shared>> -> memref<128x128xf32, #tpu.memory_space<vmem_shared>>
      %dma_start3A_60 = arith.constant 0 : i32
      %dma_start3A_61 = tpu.memref_slice %arg10[%add3A_22, %dma_start3A_60] : memref<10240x128xf32, #tpu.memory_space<vmem_shared>> -> memref<128x128xf32, #tpu.memory_space<vmem_shared>>
      tpu.enqueue_dma source(%arg8 : memref<128x128xf32, #tpu.memory_space<vmem>>) target(%dma_start3A_61 : memref<128x128xf32, #tpu.memory_space<vmem_shared>>) target_semaphore(%run_scoped3A : memref<!tpu.dma_semaphore, #tpu.memory_space<semaphore_mem>>)
      %dma_wait3A = arith.constant 0 : i32
      %dma_wait3A_62 = tpu.memref_slice %arg10[%add3A_22, %dma_wait3A] : memref<10240x128xf32, #tpu.memory_space<vmem_shared>> -> memref<128x128xf32, #tpu.memory_space<vmem_shared>>
      %dma_wait3A_63 = arith.constant 0 : i32
      %dma_wait3A_64 = tpu.memref_slice %arg10[%add3A_22, %dma_wait3A_63] : memref<10240x128xf32, #tpu.memory_space<vmem_shared>> -> memref<128x128xf32, #tpu.memory_space<vmem_shared>>
      tpu.wait_dma2 semaphore(%run_scoped3A : memref<!tpu.dma_semaphore, #tpu.memory_space<semaphore_mem>>) src(%arg8 : memref<128x128xf32, #tpu.memory_space<vmem>>) dst(%dma_wait3A_64 : memref<128x128xf32, #tpu.memory_space<vmem_shared>>)
      tpu.yield
    }) : () -> ()
    %mul3A_23 = arith.constant 640 : i32
    %mul3A_24 = arith.muli %arg1, %mul3A_23 : i32
    %add3A_25 = arith.constant 512 : i32
    %add3A_26 = arith.addi %mul3A_24, %add3A_25 : i32
    "tpu.region"() ({
      %run_scoped3A = tpu.sem_alloc : memref<!tpu.dma_semaphore, #tpu.memory_space<semaphore_mem>>
      %dma_start3A = arith.constant 0 : i32
      %dma_start3A_59 = tpu.memref_slice %arg10[%add3A_26, %dma_start3A] : memref<10240x128xf32, #tpu.memory_space<vmem_shared>> -> memref<128x128xf32, #tpu.memory_space<vmem_shared>>
      %dma_start3A_60 = arith.constant 0 : i32
      %dma_start3A_61 = tpu.memref_slice %arg10[%add3A_26, %dma_start3A_60] : memref<10240x128xf32, #tpu.memory_space<vmem_shared>> -> memref<128x128xf32, #tpu.memory_space<vmem_shared>>
      tpu.enqueue_dma source(%arg8 : memref<128x128xf32, #tpu.memory_space<vmem>>) target(%dma_start3A_61 : memref<128x128xf32, #tpu.memory_space<vmem_shared>>) target_semaphore(%run_scoped3A : memref<!tpu.dma_semaphore, #tpu.memory_space<semaphore_mem>>)
      %dma_wait3A = arith.constant 0 : i32
      %dma_wait3A_62 = tpu.memref_slice %arg10[%add3A_26, %dma_wait3A] : memref<10240x128xf32, #tpu.memory_space<vmem_shared>> -> memref<128x128xf32, #tpu.memory_space<vmem_shared>>
      %dma_wait3A_63 = arith.constant 0 : i32
      %dma_wait3A_64 = tpu.memref_slice %arg10[%add3A_26, %dma_wait3A_63] : memref<10240x128xf32, #tpu.memory_space<vmem_shared>> -> memref<128x128xf32, #tpu.memory_space<vmem_shared>>
      tpu.wait_dma2 semaphore(%run_scoped3A : memref<!tpu.dma_semaphore, #tpu.memory_space<semaphore_mem>>) src(%arg8 : memref<128x128xf32, #tpu.memory_space<vmem>>) dst(%dma_wait3A_64 : memref<128x128xf32, #tpu.memory_space<vmem_shared>>)
      tpu.yield
    }) : () -> ()
    %barrier3A = arith.constant 0 : index
    tpu.barrier barrier_id(%barrier3A)
    %mul3A_27 = arith.constant 40 : i32
    %mul3A_28 = arith.muli %add3A, %mul3A_27 : i32
    "tpu.region"() ({
      %run_scoped3A = tpu.sem_alloc : memref<!tpu.dma_semaphore, #tpu.memory_space<semaphore_mem>>
      %dma_start3A = arith.constant 0 : i32
      %dma_start3A_59 = tpu.memref_slice %arg3[%mul3A_28, %dma_start3A] : memref<1280x128xi32, #tpu.memory_space<hbm>> -> memref<40x128xi32, #tpu.memory_space<hbm>>
      %dma_start3A_60 = arith.constant 0 : i32
      %dma_start3A_61 = tpu.memref_slice %arg3[%mul3A_28, %dma_start3A_60] : memref<1280x128xi32, #tpu.memory_space<hbm>> -> memref<40x128xi32, #tpu.memory_space<hbm>>
      tpu.enqueue_dma source(%dma_start3A_61 : memref<40x128xi32, #tpu.memory_space<hbm>>) target(%arg6 : memref<40x128xi32, #tpu.memory_space<vmem>>) target_semaphore(%run_scoped3A : memref<!tpu.dma_semaphore, #tpu.memory_space<semaphore_mem>>)
      %dma_wait3A = arith.constant 0 : i32
      %dma_wait3A_62 = tpu.memref_slice %arg3[%mul3A_28, %dma_wait3A] : memref<1280x128xi32, #tpu.memory_space<hbm>> -> memref<40x128xi32, #tpu.memory_space<hbm>>
      %dma_wait3A_63 = arith.constant 0 : i32
      %dma_wait3A_64 = tpu.memref_slice %arg3[%mul3A_28, %dma_wait3A_63] : memref<1280x128xi32, #tpu.memory_space<hbm>> -> memref<40x128xi32, #tpu.memory_space<hbm>>
      tpu.wait_dma2 semaphore(%run_scoped3A : memref<!tpu.dma_semaphore, #tpu.memory_space<semaphore_mem>>) src(%dma_wait3A_64 : memref<40x128xi32, #tpu.memory_space<hbm>>) dst(%arg6 : memref<40x128xi32, #tpu.memory_space<vmem>>)
      tpu.yield
    }) : () -> ()
    %mul3A_29 = arith.constant 40 : i32
    %mul3A_30 = arith.muli %add3A, %mul3A_29 : i32
    "tpu.region"() ({
      %run_scoped3A = tpu.sem_alloc : memref<!tpu.dma_semaphore, #tpu.memory_space<semaphore_mem>>
      %dma_start3A = arith.constant 0 : i32
      %dma_start3A_59 = tpu.memref_slice %arg4[%mul3A_30, %dma_start3A] : memref<1280x128xi32, #tpu.memory_space<hbm>> -> memref<40x128xi32, #tpu.memory_space<hbm>>
      %dma_start3A_60 = arith.constant 0 : i32
      %dma_start3A_61 = tpu.memref_slice %arg4[%mul3A_30, %dma_start3A_60] : memref<1280x128xi32, #tpu.memory_space<hbm>> -> memref<40x128xi32, #tpu.memory_space<hbm>>
      tpu.enqueue_dma source(%dma_start3A_61 : memref<40x128xi32, #tpu.memory_space<hbm>>) target(%arg7 : memref<40x128xi32, #tpu.memory_space<vmem>>) target_semaphore(%run_scoped3A : memref<!tpu.dma_semaphore, #tpu.memory_space<semaphore_mem>>)
      %dma_wait3A = arith.constant 0 : i32
      %dma_wait3A_62 = tpu.memref_slice %arg4[%mul3A_30, %dma_wait3A] : memref<1280x128xi32, #tpu.memory_space<hbm>> -> memref<40x128xi32, #tpu.memory_space<hbm>>
      %dma_wait3A_63 = arith.constant 0 : i32
      %dma_wait3A_64 = tpu.memref_slice %arg4[%mul3A_30, %dma_wait3A_63] : memref<1280x128xi32, #tpu.memory_space<hbm>> -> memref<40x128xi32, #tpu.memory_space<hbm>>
      tpu.wait_dma2 semaphore(%run_scoped3A : memref<!tpu.dma_semaphore, #tpu.memory_space<semaphore_mem>>) src(%dma_wait3A_64 : memref<40x128xi32, #tpu.memory_space<hbm>>) dst(%arg7 : memref<40x128xi32, #tpu.memory_space<vmem>>)
      tpu.yield
    }) : () -> ()
    %scan3A_31 = arith.constant 0 : i32
    %scan3A_32 = arith.constant 0 : i32
    %scan3A_33 = arith.constant 20 : i32
    %scan3A_34 = arith.addi %scan3A_32, %scan3A_33 : i32
    %scan3A_35 = arith.constant 1 : i32
    %scan3A_36 = scf.for %scan3A_59 = %scan3A_32 to %scan3A_34 step %scan3A_35 iter_args(%scan3A_60 = %scan3A_31) -> (i32)  : i32 {
      %mul3A_61 = arith.constant 2 : i32
      %mul3A_62 = arith.muli %mul3A_61, %scan3A_59 : i32
      %mul3A_63 = arith.constant 2 : i32
      %mul3A_64 = arith.muli %mul3A_63, %scan3A_59 : i32
      %add3A_65 = arith.constant 1 : i32
      %add3A_66 = arith.addi %mul3A_64, %add3A_65 : i32
      %dma_start3A = arith.constant 0 : i32
      %dma_start3A_67 = tpu.memref_slice %arg6[%mul3A_62, %dma_start3A] : memref<40x128xi32, #tpu.memory_space<vmem>> -> memref<1x128xi32, #tpu.memory_space<vmem>>
      %dma_start3A_68 = tpu.memref_squeeze %dma_start3A_67 : memref<1x128xi32, #tpu.memory_space<vmem>> -> memref<128xi32, #tpu.memory_space<vmem>>
      %dma_start3A_69 = arith.constant 0 : i32
      %dma_start3A_70 = arith.constant 0 : i32
      %dma_start3A_71 = tpu.memref_slice %arg2[%dma_start3A_69, %dma_start3A_70] : memref<10240x128xf32, #tpu.memory_space<hbm>> -> memref<10240x128xf32, #tpu.memory_space<hbm>>
      tpu.enqueue_indirect_dma source(%dma_start3A_71 : memref<10240x128xf32, #tpu.memory_space<hbm>>) target(%arg8 : memref<128x128xf32, #tpu.memory_space<vmem>>) offsets(%dma_start3A_68 : memref<128xi32, #tpu.memory_space<vmem>>) semaphore(%arg11 : memref<!tpu.dma_semaphore, #tpu.memory_space<semaphore_mem>>)
      %dma_start3A_72 = arith.constant 0 : i32
      %dma_start3A_73 = tpu.memref_slice %arg6[%add3A_66, %dma_start3A_72] : memref<40x128xi32, #tpu.memory_space<vmem>> -> memref<1x128xi32, #tpu.memory_space<vmem>>
      %dma_start3A_74 = tpu.memref_squeeze %dma_start3A_73 : memref<1x128xi32, #tpu.memory_space<vmem>> -> memref<128xi32, #tpu.memory_space<vmem>>
      %dma_start3A_75 = arith.constant 0 : i32
      %dma_start3A_76 = arith.constant 0 : i32
      %dma_start3A_77 = tpu.memref_slice %arg2[%dma_start3A_75, %dma_start3A_76] : memref<10240x128xf32, #tpu.memory_space<hbm>> -> memref<10240x128xf32, #tpu.memory_space<hbm>>
      tpu.enqueue_indirect_dma source(%dma_start3A_77 : memref<10240x128xf32, #tpu.memory_space<hbm>>) target(%arg9 : memref<128x128xf32, #tpu.memory_space<vmem>>) offsets(%dma_start3A_74 : memref<128xi32, #tpu.memory_space<vmem>>) semaphore(%arg12 : memref<!tpu.dma_semaphore, #tpu.memory_space<semaphore_mem>>)
      %dma_wait3A = arith.constant 0 : i32
      %dma_wait3A_78 = tpu.memref_slice %arg6[%mul3A_62, %dma_wait3A] : memref<40x128xi32, #tpu.memory_space<vmem>> -> memref<1x128xi32, #tpu.memory_space<vmem>>
      %dma_wait3A_79 = tpu.memref_squeeze %dma_wait3A_78 : memref<1x128xi32, #tpu.memory_space<vmem>> -> memref<128xi32, #tpu.memory_space<vmem>>
      %dma_wait3A_80 = arith.constant 0 : i32
      %dma_wait3A_81 = arith.constant 0 : i32
      %dma_wait3A_82 = tpu.memref_slice %arg2[%dma_wait3A_80, %dma_wait3A_81] : memref<10240x128xf32, #tpu.memory_space<hbm>> -> memref<10240x128xf32, #tpu.memory_space<hbm>>
      tpu.wait_indirect_dma semaphore(%arg11 : memref<!tpu.dma_semaphore, #tpu.memory_space<semaphore_mem>>) src(%dma_wait3A_82 : memref<10240x128xf32, #tpu.memory_space<hbm>>) dst(%arg8 : memref<128x128xf32, #tpu.memory_space<vmem>>)
      %dma_start3A_83 = arith.constant 0 : i32
      %dma_start3A_84 = tpu.memref_slice %arg7[%mul3A_62, %dma_start3A_83] : memref<40x128xi32, #tpu.memory_space<vmem>> -> memref<1x128xi32, #tpu.memory_space<vmem>>
      %dma_start3A_85 = tpu.memref_squeeze %dma_start3A_84 : memref<1x128xi32, #tpu.memory_space<vmem>> -> memref<128xi32, #tpu.memory_space<vmem>>
      %dma_start3A_86 = arith.constant 0 : i32
      %dma_start3A_87 = arith.constant 0 : i32
      %dma_start3A_88 = tpu.memref_slice %arg10[%dma_start3A_86, %dma_start3A_87] : memref<10240x128xf32, #tpu.memory_space<vmem_shared>> -> memref<10240x128xf32, #tpu.memory_space<vmem_shared>>
      tpu.enqueue_indirect_dma source(%arg8 : memref<128x128xf32, #tpu.memory_space<vmem>>) target(%dma_start3A_88 : memref<10240x128xf32, #tpu.memory_space<vmem_shared>>) offsets(%dma_start3A_85 : memref<128xi32, #tpu.memory_space<vmem>>) semaphore(%arg13 : memref<!tpu.dma_semaphore, #tpu.memory_space<semaphore_mem>>) {add = true}
      %dma_wait3A_89 = arith.constant 0 : i32
      %dma_wait3A_90 = tpu.memref_slice %arg6[%add3A_66, %dma_wait3A_89] : memref<40x128xi32, #tpu.memory_space<vmem>> -> memref<1x128xi32, #tpu.memory_space<vmem>>
      %dma_wait3A_91 = tpu.memref_squeeze %dma_wait3A_90 : memref<1x128xi32, #tpu.memory_space<vmem>> -> memref<128xi32, #tpu.memory_space<vmem>>
      %dma_wait3A_92 = arith.constant 0 : i32
      %dma_wait3A_93 = arith.constant 0 : i32
      %dma_wait3A_94 = tpu.memref_slice %arg2[%dma_wait3A_92, %dma_wait3A_93] : memref<10240x128xf32, #tpu.memory_space<hbm>> -> memref<10240x128xf32, #tpu.memory_space<hbm>>
      tpu.wait_indirect_dma semaphore(%arg12 : memref<!tpu.dma_semaphore, #tpu.memory_space<semaphore_mem>>) src(%dma_wait3A_94 : memref<10240x128xf32, #tpu.memory_space<hbm>>) dst(%arg9 : memref<128x128xf32, #tpu.memory_space<vmem>>)
      %dma_start3A_95 = arith.constant 0 : i32
      %dma_start3A_96 = tpu.memref_slice %arg7[%add3A_66, %dma_start3A_95] : memref<40x128xi32, #tpu.memory_space<vmem>> -> memref<1x128xi32, #tpu.memory_space<vmem>>
      %dma_start3A_97 = tpu.memref_squeeze %dma_start3A_96 : memref<1x128xi32, #tpu.memory_space<vmem>> -> memref<128xi32, #tpu.memory_space<vmem>>
      %dma_start3A_98 = arith.constant 0 : i32
      %dma_start3A_99 = arith.constant 0 : i32
      %dma_start3A_100 = tpu.memref_slice %arg10[%dma_start3A_98, %dma_start3A_99] : memref<10240x128xf32, #tpu.memory_space<vmem_shared>> -> memref<10240x128xf32, #tpu.memory_space<vmem_shared>>
      tpu.enqueue_indirect_dma source(%arg9 : memref<128x128xf32, #tpu.memory_space<vmem>>) target(%dma_start3A_100 : memref<10240x128xf32, #tpu.memory_space<vmem_shared>>) offsets(%dma_start3A_97 : memref<128xi32, #tpu.memory_space<vmem>>) semaphore(%arg14 : memref<!tpu.dma_semaphore, #tpu.memory_space<semaphore_mem>>) {add = true}
      %dma_wait3A_101 = arith.constant 0 : i32
      %dma_wait3A_102 = tpu.memref_slice %arg7[%mul3A_62, %dma_wait3A_101] : memref<40x128xi32, #tpu.memory_space<vmem>> -> memref<1x128xi32, #tpu.memory_space<vmem>>
      %dma_wait3A_103 = tpu.memref_squeeze %dma_wait3A_102 : memref<1x128xi32, #tpu.memory_space<vmem>> -> memref<128xi32, #tpu.memory_space<vmem>>
      %dma_wait3A_104 = arith.constant 0 : i32
      %dma_wait3A_105 = arith.constant 0 : i32
      %dma_wait3A_106 = tpu.memref_slice %arg10[%dma_wait3A_104, %dma_wait3A_105] : memref<10240x128xf32, #tpu.memory_space<vmem_shared>> -> memref<10240x128xf32, #tpu.memory_space<vmem_shared>>
      tpu.wait_indirect_dma semaphore(%arg13 : memref<!tpu.dma_semaphore, #tpu.memory_space<semaphore_mem>>) src(%arg8 : memref<128x128xf32, #tpu.memory_space<vmem>>) dst(%dma_wait3A_106 : memref<10240x128xf32, #tpu.memory_space<vmem_shared>>)
      %dma_wait3A_107 = arith.constant 0 : i32
      %dma_wait3A_108 = tpu.memref_slice %arg7[%add3A_66, %dma_wait3A_107] : memref<40x128xi32, #tpu.memory_space<vmem>> -> memref<1x128xi32, #tpu.memory_space<vmem>>
      %dma_wait3A_109 = tpu.memref_squeeze %dma_wait3A_108 : memref<1x128xi32, #tpu.memory_space<vmem>> -> memref<128xi32, #tpu.memory_space<vmem>>
      %dma_wait3A_110 = arith.constant 0 : i32
      %dma_wait3A_111 = arith.constant 0 : i32
      %dma_wait3A_112 = tpu.memref_slice %arg10[%dma_wait3A_110, %dma_wait3A_111] : memref<10240x128xf32, #tpu.memory_space<vmem_shared>> -> memref<10240x128xf32, #tpu.memory_space<vmem_shared>>
      tpu.wait_indirect_dma semaphore(%arg14 : memref<!tpu.dma_semaphore, #tpu.memory_space<semaphore_mem>>) src(%arg9 : memref<128x128xf32, #tpu.memory_space<vmem>>) dst(%dma_wait3A_112 : memref<10240x128xf32, #tpu.memory_space<vmem_shared>>)
      %scan3A_113 = arith.constant 0 : i32
      scf.yield %scan3A_113 : i32
    }
    %scan3A_37 = arith.constant 20 : i32
    %barrier3A_38 = arith.constant 0 : index
    tpu.barrier barrier_id(%barrier3A_38)
    %mul3A_39 = arith.constant 640 : i32
    %mul3A_40 = arith.muli %arg1, %mul3A_39 : i32
    %add3A_41 = arith.constant 0 : i32
    %add3A_42 = arith.addi %mul3A_40, %add3A_41 : i32
    "tpu.region"() ({
      %run_scoped3A = tpu.sem_alloc : memref<!tpu.dma_semaphore, #tpu.memory_space<semaphore_mem>>
      %dma_start3A = arith.constant 0 : i32
      %dma_start3A_59 = tpu.memref_slice %arg10[%add3A_42, %dma_start3A] : memref<10240x128xf32, #tpu.memory_space<vmem_shared>> -> memref<128x128xf32, #tpu.memory_space<vmem_shared>>
      %dma_start3A_60 = arith.constant 0 : i32
      %dma_start3A_61 = tpu.memref_slice %arg10[%add3A_42, %dma_start3A_60] : memref<10240x128xf32, #tpu.memory_space<vmem_shared>> -> memref<128x128xf32, #tpu.memory_space<vmem_shared>>
      tpu.enqueue_dma source(%dma_start3A_61 : memref<128x128xf32, #tpu.memory_space<vmem_shared>>) target(%arg8 : memref<128x128xf32, #tpu.memory_space<vmem>>) target_semaphore(%run_scoped3A : memref<!tpu.dma_semaphore, #tpu.memory_space<semaphore_mem>>)
      %dma_wait3A = arith.constant 0 : i32
      %dma_wait3A_62 = tpu.memref_slice %arg10[%add3A_42, %dma_wait3A] : memref<10240x128xf32, #tpu.memory_space<vmem_shared>> -> memref<128x128xf32, #tpu.memory_space<vmem_shared>>
      %dma_wait3A_63 = arith.constant 0 : i32
      %dma_wait3A_64 = tpu.memref_slice %arg10[%add3A_42, %dma_wait3A_63] : memref<10240x128xf32, #tpu.memory_space<vmem_shared>> -> memref<128x128xf32, #tpu.memory_space<vmem_shared>>
      tpu.wait_dma2 semaphore(%run_scoped3A : memref<!tpu.dma_semaphore, #tpu.memory_space<semaphore_mem>>) src(%dma_wait3A_64 : memref<128x128xf32, #tpu.memory_space<vmem_shared>>) dst(%arg8 : memref<128x128xf32, #tpu.memory_space<vmem>>)
      tpu.yield
    }) : () -> ()
    "tpu.region"() ({
      %run_scoped3A = tpu.sem_alloc : memref<!tpu.dma_semaphore, #tpu.memory_space<semaphore_mem>>
      %dma_start3A = arith.constant 0 : i32
      %dma_start3A_59 = tpu.memref_slice %arg5[%arg0, %add3A_42, %dma_start3A] : memref<2x10240x128xf32, #tpu.memory_space<hbm>> -> memref<1x128x128xf32, #tpu.memory_space<hbm>>
      %dma_start3A_60 = tpu.memref_squeeze %dma_start3A_59 : memref<1x128x128xf32, #tpu.memory_space<hbm>> -> memref<128x128xf32, #tpu.memory_space<hbm>>
      %dma_start3A_61 = arith.constant 0 : i32
      %dma_start3A_62 = tpu.memref_slice %arg5[%arg0, %add3A_42, %dma_start3A_61] : memref<2x10240x128xf32, #tpu.memory_space<hbm>> -> memref<1x128x128xf32, #tpu.memory_space<hbm>>
      %dma_start3A_63 = tpu.memref_squeeze %dma_start3A_62 : memref<1x128x128xf32, #tpu.memory_space<hbm>> -> memref<128x128xf32, #tpu.memory_space<hbm>>
      tpu.enqueue_dma source(%arg8 : memref<128x128xf32, #tpu.memory_space<vmem>>) target(%dma_start3A_63 : memref<128x128xf32, #tpu.memory_space<hbm>>) target_semaphore(%run_scoped3A : memref<!tpu.dma_semaphore, #tpu.memory_space<semaphore_mem>>)
      %dma_wait3A = arith.constant 0 : i32
      %dma_wait3A_64 = tpu.memref_slice %arg5[%arg0, %add3A_42, %dma_wait3A] : memref<2x10240x128xf32, #tpu.memory_space<hbm>> -> memref<1x128x128xf32, #tpu.memory_space<hbm>>
      %dma_wait3A_65 = tpu.memref_squeeze %dma_wait3A_64 : memref<1x128x128xf32, #tpu.memory_space<hbm>> -> memref<128x128xf32, #tpu.memory_space<hbm>>
      %dma_wait3A_66 = arith.constant 0 : i32
      %dma_wait3A_67 = tpu.memref_slice %arg5[%arg0, %add3A_42, %dma_wait3A_66] : memref<2x10240x128xf32, #tpu.memory_space<hbm>> -> memref<1x128x128xf32, #tpu.memory_space<hbm>>
      %dma_wait3A_68 = tpu.memref_squeeze %dma_wait3A_67 : memref<1x128x128xf32, #tpu.memory_space<hbm>> -> memref<128x128xf32, #tpu.memory_space<hbm>>
      tpu.wait_dma2 semaphore(%run_scoped3A : memref<!tpu.dma_semaphore, #tpu.memory_space<semaphore_mem>>) src(%arg8 : memref<128x128xf32, #tpu.memory_space<vmem>>) dst(%dma_wait3A_68 : memref<128x128xf32, #tpu.memory_space<hbm>>)
      tpu.yield
    }) : () -> ()
    %mul3A_43 = arith.constant 640 : i32
    %mul3A_44 = arith.muli %arg1, %mul3A_43 : i32
    %add3A_45 = arith.constant 128 : i32
    %add3A_46 = arith.addi %mul3A_44, %add3A_45 : i32
    "tpu.region"() ({
      %run_scoped3A = tpu.sem_alloc : memref<!tpu.dma_semaphore, #tpu.memory_space<semaphore_mem>>
      %dma_start3A = arith.constant 0 : i32
      %dma_start3A_59 = tpu.memref_slice %arg10[%add3A_46, %dma_start3A] : memref<10240x128xf32, #tpu.memory_space<vmem_shared>> -> memref<128x128xf32, #tpu.memory_space<vmem_shared>>
      %dma_start3A_60 = arith.constant 0 : i32
      %dma_start3A_61 = tpu.memref_slice %arg10[%add3A_46, %dma_start3A_60] : memref<10240x128xf32, #tpu.memory_space<vmem_shared>> -> memref<128x128xf32, #tpu.memory_space<vmem_shared>>
      tpu.enqueue_dma source(%dma_start3A_61 : memref<128x128xf32, #tpu.memory_space<vmem_shared>>) target(%arg8 : memref<128x128xf32, #tpu.memory_space<vmem>>) target_semaphore(%run_scoped3A : memref<!tpu.dma_semaphore, #tpu.memory_space<semaphore_mem>>)
      %dma_wait3A = arith.constant 0 : i32
      %dma_wait3A_62 = tpu.memref_slice %arg10[%add3A_46, %dma_wait3A] : memref<10240x128xf32, #tpu.memory_space<vmem_shared>> -> memref<128x128xf32, #tpu.memory_space<vmem_shared>>
      %dma_wait3A_63 = arith.constant 0 : i32
      %dma_wait3A_64 = tpu.memref_slice %arg10[%add3A_46, %dma_wait3A_63] : memref<10240x128xf32, #tpu.memory_space<vmem_shared>> -> memref<128x128xf32, #tpu.memory_space<vmem_shared>>
      tpu.wait_dma2 semaphore(%run_scoped3A : memref<!tpu.dma_semaphore, #tpu.memory_space<semaphore_mem>>) src(%dma_wait3A_64 : memref<128x128xf32, #tpu.memory_space<vmem_shared>>) dst(%arg8 : memref<128x128xf32, #tpu.memory_space<vmem>>)
      tpu.yield
    }) : () -> ()
    "tpu.region"() ({
      %run_scoped3A = tpu.sem_alloc : memref<!tpu.dma_semaphore, #tpu.memory_space<semaphore_mem>>
      %dma_start3A = arith.constant 0 : i32
      %dma_start3A_59 = tpu.memref_slice %arg5[%arg0, %add3A_46, %dma_start3A] : memref<2x10240x128xf32, #tpu.memory_space<hbm>> -> memref<1x128x128xf32, #tpu.memory_space<hbm>>
      %dma_start3A_60 = tpu.memref_squeeze %dma_start3A_59 : memref<1x128x128xf32, #tpu.memory_space<hbm>> -> memref<128x128xf32, #tpu.memory_space<hbm>>
      %dma_start3A_61 = arith.constant 0 : i32
      %dma_start3A_62 = tpu.memref_slice %arg5[%arg0, %add3A_46, %dma_start3A_61] : memref<2x10240x128xf32, #tpu.memory_space<hbm>> -> memref<1x128x128xf32, #tpu.memory_space<hbm>>
      %dma_start3A_63 = tpu.memref_squeeze %dma_start3A_62 : memref<1x128x128xf32, #tpu.memory_space<hbm>> -> memref<128x128xf32, #tpu.memory_space<hbm>>
      tpu.enqueue_dma source(%arg8 : memref<128x128xf32, #tpu.memory_space<vmem>>) target(%dma_start3A_63 : memref<128x128xf32, #tpu.memory_space<hbm>>) target_semaphore(%run_scoped3A : memref<!tpu.dma_semaphore, #tpu.memory_space<semaphore_mem>>)
      %dma_wait3A = arith.constant 0 : i32
      %dma_wait3A_64 = tpu.memref_slice %arg5[%arg0, %add3A_46, %dma_wait3A] : memref<2x10240x128xf32, #tpu.memory_space<hbm>> -> memref<1x128x128xf32, #tpu.memory_space<hbm>>
      %dma_wait3A_65 = tpu.memref_squeeze %dma_wait3A_64 : memref<1x128x128xf32, #tpu.memory_space<hbm>> -> memref<128x128xf32, #tpu.memory_space<hbm>>
      %dma_wait3A_66 = arith.constant 0 : i32
      %dma_wait3A_67 = tpu.memref_slice %arg5[%arg0, %add3A_46, %dma_wait3A_66] : memref<2x10240x128xf32, #tpu.memory_space<hbm>> -> memref<1x128x128xf32, #tpu.memory_space<hbm>>
      %dma_wait3A_68 = tpu.memref_squeeze %dma_wait3A_67 : memref<1x128x128xf32, #tpu.memory_space<hbm>> -> memref<128x128xf32, #tpu.memory_space<hbm>>
      tpu.wait_dma2 semaphore(%run_scoped3A : memref<!tpu.dma_semaphore, #tpu.memory_space<semaphore_mem>>) src(%arg8 : memref<128x128xf32, #tpu.memory_space<vmem>>) dst(%dma_wait3A_68 : memref<128x128xf32, #tpu.memory_space<hbm>>)
      tpu.yield
    }) : () -> ()
    %mul3A_47 = arith.constant 640 : i32
    %mul3A_48 = arith.muli %arg1, %mul3A_47 : i32
    %add3A_49 = arith.constant 256 : i32
    %add3A_50 = arith.addi %mul3A_48, %add3A_49 : i32
    "tpu.region"() ({
      %run_scoped3A = tpu.sem_alloc : memref<!tpu.dma_semaphore, #tpu.memory_space<semaphore_mem>>
      %dma_start3A = arith.constant 0 : i32
      %dma_start3A_59 = tpu.memref_slice %arg10[%add3A_50, %dma_start3A] : memref<10240x128xf32, #tpu.memory_space<vmem_shared>> -> memref<128x128xf32, #tpu.memory_space<vmem_shared>>
      %dma_start3A_60 = arith.constant 0 : i32
      %dma_start3A_61 = tpu.memref_slice %arg10[%add3A_50, %dma_start3A_60] : memref<10240x128xf32, #tpu.memory_space<vmem_shared>> -> memref<128x128xf32, #tpu.memory_space<vmem_shared>>
      tpu.enqueue_dma source(%dma_start3A_61 : memref<128x128xf32, #tpu.memory_space<vmem_shared>>) target(%arg8 : memref<128x128xf32, #tpu.memory_space<vmem>>) target_semaphore(%run_scoped3A : memref<!tpu.dma_semaphore, #tpu.memory_space<semaphore_mem>>)
      %dma_wait3A = arith.constant 0 : i32
      %dma_wait3A_62 = tpu.memref_slice %arg10[%add3A_50, %dma_wait3A] : memref<10240x128xf32, #tpu.memory_space<vmem_shared>> -> memref<128x128xf32, #tpu.memory_space<vmem_shared>>
      %dma_wait3A_63 = arith.constant 0 : i32
      %dma_wait3A_64 = tpu.memref_slice %arg10[%add3A_50, %dma_wait3A_63] : memref<10240x128xf32, #tpu.memory_space<vmem_shared>> -> memref<128x128xf32, #tpu.memory_space<vmem_shared>>
      tpu.wait_dma2 semaphore(%run_scoped3A : memref<!tpu.dma_semaphore, #tpu.memory_space<semaphore_mem>>) src(%dma_wait3A_64 : memref<128x128xf32, #tpu.memory_space<vmem_shared>>) dst(%arg8 : memref<128x128xf32, #tpu.memory_space<vmem>>)
      tpu.yield
    }) : () -> ()
    "tpu.region"() ({
      %run_scoped3A = tpu.sem_alloc : memref<!tpu.dma_semaphore, #tpu.memory_space<semaphore_mem>>
      %dma_start3A = arith.constant 0 : i32
      %dma_start3A_59 = tpu.memref_slice %arg5[%arg0, %add3A_50, %dma_start3A] : memref<2x10240x128xf32, #tpu.memory_space<hbm>> -> memref<1x128x128xf32, #tpu.memory_space<hbm>>
      %dma_start3A_60 = tpu.memref_squeeze %dma_start3A_59 : memref<1x128x128xf32, #tpu.memory_space<hbm>> -> memref<128x128xf32, #tpu.memory_space<hbm>>
      %dma_start3A_61 = arith.constant 0 : i32
      %dma_start3A_62 = tpu.memref_slice %arg5[%arg0, %add3A_50, %dma_start3A_61] : memref<2x10240x128xf32, #tpu.memory_space<hbm>> -> memref<1x128x128xf32, #tpu.memory_space<hbm>>
      %dma_start3A_63 = tpu.memref_squeeze %dma_start3A_62 : memref<1x128x128xf32, #tpu.memory_space<hbm>> -> memref<128x128xf32, #tpu.memory_space<hbm>>
      tpu.enqueue_dma source(%arg8 : memref<128x128xf32, #tpu.memory_space<vmem>>) target(%dma_start3A_63 : memref<128x128xf32, #tpu.memory_space<hbm>>) target_semaphore(%run_scoped3A : memref<!tpu.dma_semaphore, #tpu.memory_space<semaphore_mem>>)
      %dma_wait3A = arith.constant 0 : i32
      %dma_wait3A_64 = tpu.memref_slice %arg5[%arg0, %add3A_50, %dma_wait3A] : memref<2x10240x128xf32, #tpu.memory_space<hbm>> -> memref<1x128x128xf32, #tpu.memory_space<hbm>>
      %dma_wait3A_65 = tpu.memref_squeeze %dma_wait3A_64 : memref<1x128x128xf32, #tpu.memory_space<hbm>> -> memref<128x128xf32, #tpu.memory_space<hbm>>
      %dma_wait3A_66 = arith.constant 0 : i32
      %dma_wait3A_67 = tpu.memref_slice %arg5[%arg0, %add3A_50, %dma_wait3A_66] : memref<2x10240x128xf32, #tpu.memory_space<hbm>> -> memref<1x128x128xf32, #tpu.memory_space<hbm>>
      %dma_wait3A_68 = tpu.memref_squeeze %dma_wait3A_67 : memref<1x128x128xf32, #tpu.memory_space<hbm>> -> memref<128x128xf32, #tpu.memory_space<hbm>>
      tpu.wait_dma2 semaphore(%run_scoped3A : memref<!tpu.dma_semaphore, #tpu.memory_space<semaphore_mem>>) src(%arg8 : memref<128x128xf32, #tpu.memory_space<vmem>>) dst(%dma_wait3A_68 : memref<128x128xf32, #tpu.memory_space<hbm>>)
      tpu.yield
    }) : () -> ()
    %mul3A_51 = arith.constant 640 : i32
    %mul3A_52 = arith.muli %arg1, %mul3A_51 : i32
    %add3A_53 = arith.constant 384 : i32
    %add3A_54 = arith.addi %mul3A_52, %add3A_53 : i32
    "tpu.region"() ({
      %run_scoped3A = tpu.sem_alloc : memref<!tpu.dma_semaphore, #tpu.memory_space<semaphore_mem>>
      %dma_start3A = arith.constant 0 : i32
      %dma_start3A_59 = tpu.memref_slice %arg10[%add3A_54, %dma_start3A] : memref<10240x128xf32, #tpu.memory_space<vmem_shared>> -> memref<128x128xf32, #tpu.memory_space<vmem_shared>>
      %dma_start3A_60 = arith.constant 0 : i32
      %dma_start3A_61 = tpu.memref_slice %arg10[%add3A_54, %dma_start3A_60] : memref<10240x128xf32, #tpu.memory_space<vmem_shared>> -> memref<128x128xf32, #tpu.memory_space<vmem_shared>>
      tpu.enqueue_dma source(%dma_start3A_61 : memref<128x128xf32, #tpu.memory_space<vmem_shared>>) target(%arg8 : memref<128x128xf32, #tpu.memory_space<vmem>>) target_semaphore(%run_scoped3A : memref<!tpu.dma_semaphore, #tpu.memory_space<semaphore_mem>>)
      %dma_wait3A = arith.constant 0 : i32
      %dma_wait3A_62 = tpu.memref_slice %arg10[%add3A_54, %dma_wait3A] : memref<10240x128xf32, #tpu.memory_space<vmem_shared>> -> memref<128x128xf32, #tpu.memory_space<vmem_shared>>
      %dma_wait3A_63 = arith.constant 0 : i32
      %dma_wait3A_64 = tpu.memref_slice %arg10[%add3A_54, %dma_wait3A_63] : memref<10240x128xf32, #tpu.memory_space<vmem_shared>> -> memref<128x128xf32, #tpu.memory_space<vmem_shared>>
      tpu.wait_dma2 semaphore(%run_scoped3A : memref<!tpu.dma_semaphore, #tpu.memory_space<semaphore_mem>>) src(%dma_wait3A_64 : memref<128x128xf32, #tpu.memory_space<vmem_shared>>) dst(%arg8 : memref<128x128xf32, #tpu.memory_space<vmem>>)
      tpu.yield
    }) : () -> ()
    "tpu.region"() ({
      %run_scoped3A = tpu.sem_alloc : memref<!tpu.dma_semaphore, #tpu.memory_space<semaphore_mem>>
      %dma_start3A = arith.constant 0 : i32
      %dma_start3A_59 = tpu.memref_slice %arg5[%arg0, %add3A_54, %dma_start3A] : memref<2x10240x128xf32, #tpu.memory_space<hbm>> -> memref<1x128x128xf32, #tpu.memory_space<hbm>>
      %dma_start3A_60 = tpu.memref_squeeze %dma_start3A_59 : memref<1x128x128xf32, #tpu.memory_space<hbm>> -> memref<128x128xf32, #tpu.memory_space<hbm>>
      %dma_start3A_61 = arith.constant 0 : i32
      %dma_start3A_62 = tpu.memref_slice %arg5[%arg0, %add3A_54, %dma_start3A_61] : memref<2x10240x128xf32, #tpu.memory_space<hbm>> -> memref<1x128x128xf32, #tpu.memory_space<hbm>>
      %dma_start3A_63 = tpu.memref_squeeze %dma_start3A_62 : memref<1x128x128xf32, #tpu.memory_space<hbm>> -> memref<128x128xf32, #tpu.memory_space<hbm>>
      tpu.enqueue_dma source(%arg8 : memref<128x128xf32, #tpu.memory_space<vmem>>) target(%dma_start3A_63 : memref<128x128xf32, #tpu.memory_space<hbm>>) target_semaphore(%run_scoped3A : memref<!tpu.dma_semaphore, #tpu.memory_space<semaphore_mem>>)
      %dma_wait3A = arith.constant 0 : i32
      %dma_wait3A_64 = tpu.memref_slice %arg5[%arg0, %add3A_54, %dma_wait3A] : memref<2x10240x128xf32, #tpu.memory_space<hbm>> -> memref<1x128x128xf32, #tpu.memory_space<hbm>>
      %dma_wait3A_65 = tpu.memref_squeeze %dma_wait3A_64 : memref<1x128x128xf32, #tpu.memory_space<hbm>> -> memref<128x128xf32, #tpu.memory_space<hbm>>
      %dma_wait3A_66 = arith.constant 0 : i32
      %dma_wait3A_67 = tpu.memref_slice %arg5[%arg0, %add3A_54, %dma_wait3A_66] : memref<2x10240x128xf32, #tpu.memory_space<hbm>> -> memref<1x128x128xf32, #tpu.memory_space<hbm>>
      %dma_wait3A_68 = tpu.memref_squeeze %dma_wait3A_67 : memref<1x128x128xf32, #tpu.memory_space<hbm>> -> memref<128x128xf32, #tpu.memory_space<hbm>>
      tpu.wait_dma2 semaphore(%run_scoped3A : memref<!tpu.dma_semaphore, #tpu.memory_space<semaphore_mem>>) src(%arg8 : memref<128x128xf32, #tpu.memory_space<vmem>>) dst(%dma_wait3A_68 : memref<128x128xf32, #tpu.memory_space<hbm>>)
      tpu.yield
    }) : () -> ()
    %mul3A_55 = arith.constant 640 : i32
    %mul3A_56 = arith.muli %arg1, %mul3A_55 : i32
    %add3A_57 = arith.constant 512 : i32
    %add3A_58 = arith.addi %mul3A_56, %add3A_57 : i32
    "tpu.region"() ({
      %run_scoped3A = tpu.sem_alloc : memref<!tpu.dma_semaphore, #tpu.memory_space<semaphore_mem>>
      %dma_start3A = arith.constant 0 : i32
      %dma_start3A_59 = tpu.memref_slice %arg10[%add3A_58, %dma_start3A] : memref<10240x128xf32, #tpu.memory_space<vmem_shared>> -> memref<128x128xf32, #tpu.memory_space<vmem_shared>>
      %dma_start3A_60 = arith.constant 0 : i32
      %dma_start3A_61 = tpu.memref_slice %arg10[%add3A_58, %dma_start3A_60] : memref<10240x128xf32, #tpu.memory_space<vmem_shared>> -> memref<128x128xf32, #tpu.memory_space<vmem_shared>>
      tpu.enqueue_dma source(%dma_start3A_61 : memref<128x128xf32, #tpu.memory_space<vmem_shared>>) target(%arg8 : memref<128x128xf32, #tpu.memory_space<vmem>>) target_semaphore(%run_scoped3A : memref<!tpu.dma_semaphore, #tpu.memory_space<semaphore_mem>>)
      %dma_wait3A = arith.constant 0 : i32
      %dma_wait3A_62 = tpu.memref_slice %arg10[%add3A_58, %dma_wait3A] : memref<10240x128xf32, #tpu.memory_space<vmem_shared>> -> memref<128x128xf32, #tpu.memory_space<vmem_shared>>
      %dma_wait3A_63 = arith.constant 0 : i32
      %dma_wait3A_64 = tpu.memref_slice %arg10[%add3A_58, %dma_wait3A_63] : memref<10240x128xf32, #tpu.memory_space<vmem_shared>> -> memref<128x128xf32, #tpu.memory_space<vmem_shared>>
      tpu.wait_dma2 semaphore(%run_scoped3A : memref<!tpu.dma_semaphore, #tpu.memory_space<semaphore_mem>>) src(%dma_wait3A_64 : memref<128x128xf32, #tpu.memory_space<vmem_shared>>) dst(%arg8 : memref<128x128xf32, #tpu.memory_space<vmem>>)
      tpu.yield
    }) : () -> ()
    "tpu.region"() ({
      %run_scoped3A = tpu.sem_alloc : memref<!tpu.dma_semaphore, #tpu.memory_space<semaphore_mem>>
      %dma_start3A = arith.constant 0 : i32
      %dma_start3A_59 = tpu.memref_slice %arg5[%arg0, %add3A_58, %dma_start3A] : memref<2x10240x128xf32, #tpu.memory_space<hbm>> -> memref<1x128x128xf32, #tpu.memory_space<hbm>>
      %dma_start3A_60 = tpu.memref_squeeze %dma_start3A_59 : memref<1x128x128xf32, #tpu.memory_space<hbm>> -> memref<128x128xf32, #tpu.memory_space<hbm>>
      %dma_start3A_61 = arith.constant 0 : i32
      %dma_start3A_62 = tpu.memref_slice %arg5[%arg0, %add3A_58, %dma_start3A_61] : memref<2x10240x128xf32, #tpu.memory_space<hbm>> -> memref<1x128x128xf32, #tpu.memory_space<hbm>>
      %dma_start3A_63 = tpu.memref_squeeze %dma_start3A_62 : memref<1x128x128xf32, #tpu.memory_space<hbm>> -> memref<128x128xf32, #tpu.memory_space<hbm>>
      tpu.enqueue_dma source(%arg8 : memref<128x128xf32, #tpu.memory_space<vmem>>) target(%dma_start3A_63 : memref<128x128xf32, #tpu.memory_space<hbm>>) target_semaphore(%run_scoped3A : memref<!tpu.dma_semaphore, #tpu.memory_space<semaphore_mem>>)
      %dma_wait3A = arith.constant 0 : i32
      %dma_wait3A_64 = tpu.memref_slice %arg5[%arg0, %add3A_58, %dma_wait3A] : memref<2x10240x128xf32, #tpu.memory_space<hbm>> -> memref<1x128x128xf32, #tpu.memory_space<hbm>>
      %dma_wait3A_65 = tpu.memref_squeeze %dma_wait3A_64 : memref<1x128x128xf32, #tpu.memory_space<hbm>> -> memref<128x128xf32, #tpu.memory_space<hbm>>
      %dma_wait3A_66 = arith.constant 0 : i32
      %dma_wait3A_67 = tpu.memref_slice %arg5[%arg0, %add3A_58, %dma_wait3A_66] : memref<2x10240x128xf32, #tpu.memory_space<hbm>> -> memref<1x128x128xf32, #tpu.memory_space<hbm>>
      %dma_wait3A_68 = tpu.memref_squeeze %dma_wait3A_67 : memref<1x128x128xf32, #tpu.memory_space<hbm>> -> memref<128x128xf32, #tpu.memory_space<hbm>>
      tpu.wait_dma2 semaphore(%run_scoped3A : memref<!tpu.dma_semaphore, #tpu.memory_space<semaphore_mem>>) src(%arg8 : memref<128x128xf32, #tpu.memory_space<vmem>>) dst(%dma_wait3A_68 : memref<128x128xf32, #tpu.memory_space<hbm>>)
      tpu.yield
    }) : () -> ()
    return
  }
}

#map = affine_map<(d0, d1) -> (0, 0)>
#map1 = affine_map<(d0, d1) -> (0, 0, 0)>
module attributes {stable_mosaic.version = 14 : i64} {
  func.func @prop_kernel(%arg0: i32, %arg1: i32, %arg2: memref<10240x128xf32, #tpu.memory_space<hbm>>, %arg3: memref<1280x128xi32, #tpu.memory_space<hbm>>, %arg4: memref<1280x128xi32, #tpu.memory_space<hbm>>, %arg5: memref<2x10240x128xf32, #tpu.memory_space<hbm>>, %arg6: memref<40x128xi32, #tpu.memory_space<vmem>>, %arg7: memref<40x128xi32, #tpu.memory_space<vmem>>, %arg8: memref<128x128xf32, #tpu.memory_space<vmem>>, %arg9: memref<128x128xf32, #tpu.memory_space<vmem>>, %arg10: memref<10240x128xf32, #tpu.memory_space<vmem_shared>>, %arg11: memref<!tpu.dma_semaphore, #tpu.memory_space<semaphore_mem>>, %arg12: memref<!tpu.dma_semaphore, #tpu.memory_space<semaphore_mem>>, %arg13: memref<!tpu.dma_semaphore, #tpu.memory_space<semaphore_mem>>, %arg14: memref<!tpu.dma_semaphore, #tpu.memory_space<semaphore_mem>>) attributes {dimension_semantics = [#tpu.dimension_semantics<core_parallel>, #tpu.dimension_semantics<subcore_parallel>], iteration_bounds = array<i64: 2, 16>, scalar_prefetch = 0 : i64, scratch_operands = 9 : i64, tpu.core_type = #tpu.core_type<sc_vector_subcore>, window_params = [{transform_indices = #map}, {transform_indices = #map}, {transform_indices = #map}, {transform_indices = #map1}]} {
    %mul3A = arith.constant 16 : i32
    %mul3A_0 = arith.muli %arg0, %mul3A : i32
    %add3A = arith.addi %mul3A_0, %arg1 : i32
    %scan3A = arith.constant 0 : i32
    %scan3A_1 = arith.constant 0 : i32
    %scan3A_2 = arith.constant 128 : i32
    %scan3A_3 = arith.addi %scan3A_1, %scan3A_2 : i32
    %scan3A_4 = arith.constant 1 : i32
    %scan3A_5 = scf.for %scan3A_59 = %scan3A_1 to %scan3A_3 step %scan3A_4 iter_args(%scan3A_60 = %scan3A) -> (i32)  : i32 {
      %scan3A_61 = arith.constant 0 : i32
      %scan3A_62 = arith.constant 0 : i32
      %scan3A_63 = arith.constant 8 : i32
      %scan3A_64 = arith.addi %scan3A_62, %scan3A_63 : i32
      %scan3A_65 = arith.constant 1 : i32
      %scan3A_66 = scf.for %scan3A_68 = %scan3A_62 to %scan3A_64 step %scan3A_65 iter_args(%scan3A_69 = %scan3A_61) -> (i32)  : i32 {
        %broadcast_in_dim3A = arith.constant 0.000000e+00 : f32
        %broadcast_in_dim3A_70 = vector.broadcast %broadcast_in_dim3A : f32 to vector<16xf32>
        %mul3A_71 = arith.constant 16 : i32
        %mul3A_72 = arith.muli %scan3A_68, %mul3A_71 : i32
        %swap3A = arith.index_cast %scan3A_59 : i32 to index
        %swap3A_73 = arith.index_cast %mul3A_72 : i32 to index
        %swap3A_74 = tpu.vector_load %arg8[%swap3A, %swap3A_73] {strides = array<i32>} : memref<128x128xf32, #tpu.memory_space<vmem>>, vector<1x16xf32>,
        %swap3A_75 = vector.shape_cast %swap3A_74 : vector<1x16xf32> to vector<16xf32>
        %swap3A_76 = vector.shape_cast %broadcast_in_dim3A_70 : vector<16xf32> to vector<1x16xf32>
        tpu.vector_store %arg8[%swap3A, %swap3A_73], %swap3A_76 {strides = array<i32>} : memref<128x128xf32, #tpu.memory_space<vmem>>, vector<1x16xf32>,
        %scan3A_77 = arith.constant 0 : i32
        scf.yield %scan3A_77 : i32
      }
      %scan3A_67 = arith.constant 8 : i32
      scf.yield %scan3A_66 : i32
    }
    %scan3A_6 = arith.constant 128 : i32
    %mul3A_7 = arith.constant 640 : i32
    %mul3A_8 = arith.muli %arg1, %mul3A_7 : i32
    %add3A_9 = arith.constant 0 : i32
    %add3A_10 = arith.addi %mul3A_8, %add3A_9 : i32
    "tpu.region"() ({
      %run_scoped3A = tpu.sem_alloc : memref<!tpu.dma_semaphore, #tpu.memory_space<semaphore_mem>>
      %dma_start3A = arith.constant 0 : i32
      %dma_start3A_59 = tpu.memref_slice %arg10[%add3A_10, %dma_start3A] : memref<10240x128xf32, #tpu.memory_space<vmem_shared>> -> memref<128x128xf32, #tpu.memory_space<vmem_shared>>
      %dma_start3A_60 = arith.constant 0 : i32
      %dma_start3A_61 = tpu.memref_slice %arg10[%add3A_10, %dma_start3A_60] : memref<10240x128xf32, #tpu.memory_space<vmem_shared>> -> memref<128x128xf32, #tpu.memory_space<vmem_shared>>
      tpu.enqueue_dma source(%arg8 : memref<128x128xf32, #tpu.memory_space<vmem>>) target(%dma_start3A_61 : memref<128x128xf32, #tpu.memory_space<vmem_shared>>) target_semaphore(%run_scoped3A : memref<!tpu.dma_semaphore, #tpu.memory_space<semaphore_mem>>)
      %dma_wait3A = arith.constant 0 : i32
      %dma_wait3A_62 = tpu.memref_slice %arg10[%add3A_10, %dma_wait3A] : memref<10240x128xf32, #tpu.memory_space<vmem_shared>> -> memref<128x128xf32, #tpu.memory_space<vmem_shared>>
      %dma_wait3A_63 = arith.constant 0 : i32
      %dma_wait3A_64 = tpu.memref_slice %arg10[%add3A_10, %dma_wait3A_63] : memref<10240x128xf32, #tpu.memory_space<vmem_shared>> -> memref<128x128xf32, #tpu.memory_space<vmem_shared>>
      tpu.wait_dma2 semaphore(%run_scoped3A : memref<!tpu.dma_semaphore, #tpu.memory_space<semaphore_mem>>) src(%arg8 : memref<128x128xf32, #tpu.memory_space<vmem>>) dst(%dma_wait3A_64 : memref<128x128xf32, #tpu.memory_space<vmem_shared>>)
      tpu.yield
    }) : () -> ()
    %mul3A_11 = arith.constant 640 : i32
    %mul3A_12 = arith.muli %arg1, %mul3A_11 : i32
    %add3A_13 = arith.constant 128 : i32
    %add3A_14 = arith.addi %mul3A_12, %add3A_13 : i32
    "tpu.region"() ({
      %run_scoped3A = tpu.sem_alloc : memref<!tpu.dma_semaphore, #tpu.memory_space<semaphore_mem>>
      %dma_start3A = arith.constant 0 : i32
      %dma_start3A_59 = tpu.memref_slice %arg10[%add3A_14, %dma_start3A] : memref<10240x128xf32, #tpu.memory_space<vmem_shared>> -> memref<128x128xf32, #tpu.memory_space<vmem_shared>>
      %dma_start3A_60 = arith.constant 0 : i32
      %dma_start3A_61 = tpu.memref_slice %arg10[%add3A_14, %dma_start3A_60] : memref<10240x128xf32, #tpu.memory_space<vmem_shared>> -> memref<128x128xf32, #tpu.memory_space<vmem_shared>>
      tpu.enqueue_dma source(%arg8 : memref<128x128xf32, #tpu.memory_space<vmem>>) target(%dma_start3A_61 : memref<128x128xf32, #tpu.memory_space<vmem_shared>>) target_semaphore(%run_scoped3A : memref<!tpu.dma_semaphore, #tpu.memory_space<semaphore_mem>>)
      %dma_wait3A = arith.constant 0 : i32
      %dma_wait3A_62 = tpu.memref_slice %arg10[%add3A_14, %dma_wait3A] : memref<10240x128xf32, #tpu.memory_space<vmem_shared>> -> memref<128x128xf32, #tpu.memory_space<vmem_shared>>
      %dma_wait3A_63 = arith.constant 0 : i32
      %dma_wait3A_64 = tpu.memref_slice %arg10[%add3A_14, %dma_wait3A_63] : memref<10240x128xf32, #tpu.memory_space<vmem_shared>> -> memref<128x128xf32, #tpu.memory_space<vmem_shared>>
      tpu.wait_dma2 semaphore(%run_scoped3A : memref<!tpu.dma_semaphore, #tpu.memory_space<semaphore_mem>>) src(%arg8 : memref<128x128xf32, #tpu.memory_space<vmem>>) dst(%dma_wait3A_64 : memref<128x128xf32, #tpu.memory_space<vmem_shared>>)
      tpu.yield
    }) : () -> ()
    %mul3A_15 = arith.constant 640 : i32
    %mul3A_16 = arith.muli %arg1, %mul3A_15 : i32
    %add3A_17 = arith.constant 256 : i32
    %add3A_18 = arith.addi %mul3A_16, %add3A_17 : i32
    "tpu.region"() ({
      %run_scoped3A = tpu.sem_alloc : memref<!tpu.dma_semaphore, #tpu.memory_space<semaphore_mem>>
      %dma_start3A = arith.constant 0 : i32
      %dma_start3A_59 = tpu.memref_slice %arg10[%add3A_18, %dma_start3A] : memref<10240x128xf32, #tpu.memory_space<vmem_shared>> -> memref<128x128xf32, #tpu.memory_space<vmem_shared>>
      %dma_start3A_60 = arith.constant 0 : i32
      %dma_start3A_61 = tpu.memref_slice %arg10[%add3A_18, %dma_start3A_60] : memref<10240x128xf32, #tpu.memory_space<vmem_shared>> -> memref<128x128xf32, #tpu.memory_space<vmem_shared>>
      tpu.enqueue_dma source(%arg8 : memref<128x128xf32, #tpu.memory_space<vmem>>) target(%dma_start3A_61 : memref<128x128xf32, #tpu.memory_space<vmem_shared>>) target_semaphore(%run_scoped3A : memref<!tpu.dma_semaphore, #tpu.memory_space<semaphore_mem>>)
      %dma_wait3A = arith.constant 0 : i32
      %dma_wait3A_62 = tpu.memref_slice %arg10[%add3A_18, %dma_wait3A] : memref<10240x128xf32, #tpu.memory_space<vmem_shared>> -> memref<128x128xf32, #tpu.memory_space<vmem_shared>>
      %dma_wait3A_63 = arith.constant 0 : i32
      %dma_wait3A_64 = tpu.memref_slice %arg10[%add3A_18, %dma_wait3A_63] : memref<10240x128xf32, #tpu.memory_space<vmem_shared>> -> memref<128x128xf32, #tpu.memory_space<vmem_shared>>
      tpu.wait_dma2 semaphore(%run_scoped3A : memref<!tpu.dma_semaphore, #tpu.memory_space<semaphore_mem>>) src(%arg8 : memref<128x128xf32, #tpu.memory_space<vmem>>) dst(%dma_wait3A_64 : memref<128x128xf32, #tpu.memory_space<vmem_shared>>)
      tpu.yield
    }) : () -> ()
    %mul3A_19 = arith.constant 640 : i32
    %mul3A_20 = arith.muli %arg1, %mul3A_19 : i32
    %add3A_21 = arith.constant 384 : i32
    %add3A_22 = arith.addi %mul3A_20, %add3A_21 : i32
    "tpu.region"() ({
      %run_scoped3A = tpu.sem_alloc : memref<!tpu.dma_semaphore, #tpu.memory_space<semaphore_mem>>
      %dma_start3A = arith.constant 0 : i32
      %dma_start3A_59 = tpu.memref_slice %arg10[%add3A_22, %dma_start3A] : memref<10240x128xf32, #tpu.memory_space<vmem_shared>> -> memref<128x128xf32, #tpu.memory_space<vmem_shared>>
      %dma_start3A_60 = arith.constant 0 : i32
      %dma_start3A_61 = tpu.memref_slice %arg10[%add3A_22, %dma_start3A_60] : memref<10240x128xf32, #tpu.memory_space<vmem_shared>> -> memref<128x128xf32, #tpu.memory_space<vmem_shared>>
      tpu.enqueue_dma source(%arg8 : memref<128x128xf32, #tpu.memory_space<vmem>>) target(%dma_start3A_61 : memref<128x128xf32, #tpu.memory_space<vmem_shared>>) target_semaphore(%run_scoped3A : memref<!tpu.dma_semaphore, #tpu.memory_space<semaphore_mem>>)
      %dma_wait3A = arith.constant 0 : i32
      %dma_wait3A_62 = tpu.memref_slice %arg10[%add3A_22, %dma_wait3A] : memref<10240x128xf32, #tpu.memory_space<vmem_shared>> -> memref<128x128xf32, #tpu.memory_space<vmem_shared>>
      %dma_wait3A_63 = arith.constant 0 : i32
      %dma_wait3A_64 = tpu.memref_slice %arg10[%add3A_22, %dma_wait3A_63] : memref<10240x128xf32, #tpu.memory_space<vmem_shared>> -> memref<128x128xf32, #tpu.memory_space<vmem_shared>>
      tpu.wait_dma2 semaphore(%run_scoped3A : memref<!tpu.dma_semaphore, #tpu.memory_space<semaphore_mem>>) src(%arg8 : memref<128x128xf32, #tpu.memory_space<vmem>>) dst(%dma_wait3A_64 : memref<128x128xf32, #tpu.memory_space<vmem_shared>>)
      tpu.yield
    }) : () -> ()
    %mul3A_23 = arith.constant 640 : i32
    %mul3A_24 = arith.muli %arg1, %mul3A_23 : i32
    %add3A_25 = arith.constant 512 : i32
    %add3A_26 = arith.addi %mul3A_24, %add3A_25 : i32
    "tpu.region"() ({
      %run_scoped3A = tpu.sem_alloc : memref<!tpu.dma_semaphore, #tpu.memory_space<semaphore_mem>>
      %dma_start3A = arith.constant 0 : i32
      %dma_start3A_59 = tpu.memref_slice %arg10[%add3A_26, %dma_start3A] : memref<10240x128xf32, #tpu.memory_space<vmem_shared>> -> memref<128x128xf32, #tpu.memory_space<vmem_shared>>
      %dma_start3A_60 = arith.constant 0 : i32
      %dma_start3A_61 = tpu.memref_slice %arg10[%add3A_26, %dma_start3A_60] : memref<10240x128xf32, #tpu.memory_space<vmem_shared>> -> memref<128x128xf32, #tpu.memory_space<vmem_shared>>
      tpu.enqueue_dma source(%arg8 : memref<128x128xf32, #tpu.memory_space<vmem>>) target(%dma_start3A_61 : memref<128x128xf32, #tpu.memory_space<vmem_shared>>) target_semaphore(%run_scoped3A : memref<!tpu.dma_semaphore, #tpu.memory_space<semaphore_mem>>)
      %dma_wait3A = arith.constant 0 : i32
      %dma_wait3A_62 = tpu.memref_slice %arg10[%add3A_26, %dma_wait3A] : memref<10240x128xf32, #tpu.memory_space<vmem_shared>> -> memref<128x128xf32, #tpu.memory_space<vmem_shared>>
      %dma_wait3A_63 = arith.constant 0 : i32
      %dma_wait3A_64 = tpu.memref_slice %arg10[%add3A_26, %dma_wait3A_63] : memref<10240x128xf32, #tpu.memory_space<vmem_shared>> -> memref<128x128xf32, #tpu.memory_space<vmem_shared>>
      tpu.wait_dma2 semaphore(%run_scoped3A : memref<!tpu.dma_semaphore, #tpu.memory_space<semaphore_mem>>) src(%arg8 : memref<128x128xf32, #tpu.memory_space<vmem>>) dst(%dma_wait3A_64 : memref<128x128xf32, #tpu.memory_space<vmem_shared>>)
      tpu.yield
    }) : () -> ()
    %barrier3A = arith.constant 0 : index
    tpu.barrier barrier_id(%barrier3A)
    %mul3A_27 = arith.constant 40 : i32
    %mul3A_28 = arith.muli %add3A, %mul3A_27 : i32
    "tpu.region"() ({
      %run_scoped3A = tpu.sem_alloc : memref<!tpu.dma_semaphore, #tpu.memory_space<semaphore_mem>>
      %dma_start3A = arith.constant 0 : i32
      %dma_start3A_59 = tpu.memref_slice %arg3[%mul3A_28, %dma_start3A] : memref<1280x128xi32, #tpu.memory_space<hbm>> -> memref<40x128xi32, #tpu.memory_space<hbm>>
      %dma_start3A_60 = arith.constant 0 : i32
      %dma_start3A_61 = tpu.memref_slice %arg3[%mul3A_28, %dma_start3A_60] : memref<1280x128xi32, #tpu.memory_space<hbm>> -> memref<40x128xi32, #tpu.memory_space<hbm>>
      tpu.enqueue_dma source(%dma_start3A_61 : memref<40x128xi32, #tpu.memory_space<hbm>>) target(%arg6 : memref<40x128xi32, #tpu.memory_space<vmem>>) target_semaphore(%run_scoped3A : memref<!tpu.dma_semaphore, #tpu.memory_space<semaphore_mem>>)
      %dma_wait3A = arith.constant 0 : i32
      %dma_wait3A_62 = tpu.memref_slice %arg3[%mul3A_28, %dma_wait3A] : memref<1280x128xi32, #tpu.memory_space<hbm>> -> memref<40x128xi32, #tpu.memory_space<hbm>>
      %dma_wait3A_63 = arith.constant 0 : i32
      %dma_wait3A_64 = tpu.memref_slice %arg3[%mul3A_28, %dma_wait3A_63] : memref<1280x128xi32, #tpu.memory_space<hbm>> -> memref<40x128xi32, #tpu.memory_space<hbm>>
      tpu.wait_dma2 semaphore(%run_scoped3A : memref<!tpu.dma_semaphore, #tpu.memory_space<semaphore_mem>>) src(%dma_wait3A_64 : memref<40x128xi32, #tpu.memory_space<hbm>>) dst(%arg6 : memref<40x128xi32, #tpu.memory_space<vmem>>)
      tpu.yield
    }) : () -> ()
    %mul3A_29 = arith.constant 40 : i32
    %mul3A_30 = arith.muli %add3A, %mul3A_29 : i32
    "tpu.region"() ({
      %run_scoped3A = tpu.sem_alloc : memref<!tpu.dma_semaphore, #tpu.memory_space<semaphore_mem>>
      %dma_start3A = arith.constant 0 : i32
      %dma_start3A_59 = tpu.memref_slice %arg4[%mul3A_30, %dma_start3A] : memref<1280x128xi32, #tpu.memory_space<hbm>> -> memref<40x128xi32, #tpu.memory_space<hbm>>
      %dma_start3A_60 = arith.constant 0 : i32
      %dma_start3A_61 = tpu.memref_slice %arg4[%mul3A_30, %dma_start3A_60] : memref<1280x128xi32, #tpu.memory_space<hbm>> -> memref<40x128xi32, #tpu.memory_space<hbm>>
      tpu.enqueue_dma source(%dma_start3A_61 : memref<40x128xi32, #tpu.memory_space<hbm>>) target(%arg7 : memref<40x128xi32, #tpu.memory_space<vmem>>) target_semaphore(%run_scoped3A : memref<!tpu.dma_semaphore, #tpu.memory_space<semaphore_mem>>)
      %dma_wait3A = arith.constant 0 : i32
      %dma_wait3A_62 = tpu.memref_slice %arg4[%mul3A_30, %dma_wait3A] : memref<1280x128xi32, #tpu.memory_space<hbm>> -> memref<40x128xi32, #tpu.memory_space<hbm>>
      %dma_wait3A_63 = arith.constant 0 : i32
      %dma_wait3A_64 = tpu.memref_slice %arg4[%mul3A_30, %dma_wait3A_63] : memref<1280x128xi32, #tpu.memory_space<hbm>> -> memref<40x128xi32, #tpu.memory_space<hbm>>
      tpu.wait_dma2 semaphore(%run_scoped3A : memref<!tpu.dma_semaphore, #tpu.memory_space<semaphore_mem>>) src(%dma_wait3A_64 : memref<40x128xi32, #tpu.memory_space<hbm>>) dst(%arg7 : memref<40x128xi32, #tpu.memory_space<vmem>>)
      tpu.yield
    }) : () -> ()
    %scan3A_31 = arith.constant 0 : i32
    %scan3A_32 = arith.constant 0 : i32
    %scan3A_33 = arith.constant 20 : i32
    %scan3A_34 = arith.addi %scan3A_32, %scan3A_33 : i32
    %scan3A_35 = arith.constant 1 : i32
    %scan3A_36 = scf.for %scan3A_59 = %scan3A_32 to %scan3A_34 step %scan3A_35 iter_args(%scan3A_60 = %scan3A_31) -> (i32)  : i32 {
      %mul3A_61 = arith.constant 2 : i32
      %mul3A_62 = arith.muli %mul3A_61, %scan3A_59 : i32
      %mul3A_63 = arith.constant 2 : i32
      %mul3A_64 = arith.muli %mul3A_63, %scan3A_59 : i32
      %add3A_65 = arith.constant 1 : i32
      %add3A_66 = arith.addi %mul3A_64, %add3A_65 : i32
      %dma_start3A = arith.constant 0 : i32
      %dma_start3A_67 = tpu.memref_slice %arg6[%mul3A_62, %dma_start3A] : memref<40x128xi32, #tpu.memory_space<vmem>> -> memref<1x128xi32, #tpu.memory_space<vmem>>
      %dma_start3A_68 = tpu.memref_squeeze %dma_start3A_67 : memref<1x128xi32, #tpu.memory_space<vmem>> -> memref<128xi32, #tpu.memory_space<vmem>>
      %dma_start3A_69 = arith.constant 0 : i32
      %dma_start3A_70 = arith.constant 0 : i32
      %dma_start3A_71 = tpu.memref_slice %arg2[%dma_start3A_69, %dma_start3A_70] : memref<10240x128xf32, #tpu.memory_space<hbm>> -> memref<10240x128xf32, #tpu.memory_space<hbm>>
      tpu.enqueue_indirect_dma source(%dma_start3A_71 : memref<10240x128xf32, #tpu.memory_space<hbm>>) target(%arg8 : memref<128x128xf32, #tpu.memory_space<vmem>>) offsets(%dma_start3A_68 : memref<128xi32, #tpu.memory_space<vmem>>) semaphore(%arg11 : memref<!tpu.dma_semaphore, #tpu.memory_space<semaphore_mem>>)
      %dma_start3A_72 = arith.constant 0 : i32
      %dma_start3A_73 = tpu.memref_slice %arg6[%add3A_66, %dma_start3A_72] : memref<40x128xi32, #tpu.memory_space<vmem>> -> memref<1x128xi32, #tpu.memory_space<vmem>>
      %dma_start3A_74 = tpu.memref_squeeze %dma_start3A_73 : memref<1x128xi32, #tpu.memory_space<vmem>> -> memref<128xi32, #tpu.memory_space<vmem>>
      %dma_start3A_75 = arith.constant 0 : i32
      %dma_start3A_76 = arith.constant 0 : i32
      %dma_start3A_77 = tpu.memref_slice %arg2[%dma_start3A_75, %dma_start3A_76] : memref<10240x128xf32, #tpu.memory_space<hbm>> -> memref<10240x128xf32, #tpu.memory_space<hbm>>
      tpu.enqueue_indirect_dma source(%dma_start3A_77 : memref<10240x128xf32, #tpu.memory_space<hbm>>) target(%arg9 : memref<128x128xf32, #tpu.memory_space<vmem>>) offsets(%dma_start3A_74 : memref<128xi32, #tpu.memory_space<vmem>>) semaphore(%arg12 : memref<!tpu.dma_semaphore, #tpu.memory_space<semaphore_mem>>)
      %dma_wait3A = arith.constant 0 : i32
      %dma_wait3A_78 = tpu.memref_slice %arg6[%mul3A_62, %dma_wait3A] : memref<40x128xi32, #tpu.memory_space<vmem>> -> memref<1x128xi32, #tpu.memory_space<vmem>>
      %dma_wait3A_79 = tpu.memref_squeeze %dma_wait3A_78 : memref<1x128xi32, #tpu.memory_space<vmem>> -> memref<128xi32, #tpu.memory_space<vmem>>
      %dma_wait3A_80 = arith.constant 0 : i32
      %dma_wait3A_81 = arith.constant 0 : i32
      %dma_wait3A_82 = tpu.memref_slice %arg2[%dma_wait3A_80, %dma_wait3A_81] : memref<10240x128xf32, #tpu.memory_space<hbm>> -> memref<10240x128xf32, #tpu.memory_space<hbm>>
      tpu.wait_indirect_dma semaphore(%arg11 : memref<!tpu.dma_semaphore, #tpu.memory_space<semaphore_mem>>) src(%dma_wait3A_82 : memref<10240x128xf32, #tpu.memory_space<hbm>>) dst(%arg8 : memref<128x128xf32, #tpu.memory_space<vmem>>)
      %dma_start3A_83 = arith.constant 0 : i32
      %dma_start3A_84 = tpu.memref_slice %arg7[%mul3A_62, %dma_start3A_83] : memref<40x128xi32, #tpu.memory_space<vmem>> -> memref<1x128xi32, #tpu.memory_space<vmem>>
      %dma_start3A_85 = tpu.memref_squeeze %dma_start3A_84 : memref<1x128xi32, #tpu.memory_space<vmem>> -> memref<128xi32, #tpu.memory_space<vmem>>
      %dma_start3A_86 = arith.constant 0 : i32
      %dma_start3A_87 = arith.constant 0 : i32
      %dma_start3A_88 = tpu.memref_slice %arg10[%dma_start3A_86, %dma_start3A_87] : memref<10240x128xf32, #tpu.memory_space<vmem_shared>> -> memref<10240x128xf32, #tpu.memory_space<vmem_shared>>
      tpu.enqueue_indirect_dma source(%arg8 : memref<128x128xf32, #tpu.memory_space<vmem>>) target(%dma_start3A_88 : memref<10240x128xf32, #tpu.memory_space<vmem_shared>>) offsets(%dma_start3A_85 : memref<128xi32, #tpu.memory_space<vmem>>) semaphore(%arg13 : memref<!tpu.dma_semaphore, #tpu.memory_space<semaphore_mem>>) {add = true}
      %dma_wait3A_89 = arith.constant 0 : i32
      %dma_wait3A_90 = tpu.memref_slice %arg6[%add3A_66, %dma_wait3A_89] : memref<40x128xi32, #tpu.memory_space<vmem>> -> memref<1x128xi32, #tpu.memory_space<vmem>>
      %dma_wait3A_91 = tpu.memref_squeeze %dma_wait3A_90 : memref<1x128xi32, #tpu.memory_space<vmem>> -> memref<128xi32, #tpu.memory_space<vmem>>
      %dma_wait3A_92 = arith.constant 0 : i32
      %dma_wait3A_93 = arith.constant 0 : i32
      %dma_wait3A_94 = tpu.memref_slice %arg2[%dma_wait3A_92, %dma_wait3A_93] : memref<10240x128xf32, #tpu.memory_space<hbm>> -> memref<10240x128xf32, #tpu.memory_space<hbm>>
      tpu.wait_indirect_dma semaphore(%arg12 : memref<!tpu.dma_semaphore, #tpu.memory_space<semaphore_mem>>) src(%dma_wait3A_94 : memref<10240x128xf32, #tpu.memory_space<hbm>>) dst(%arg9 : memref<128x128xf32, #tpu.memory_space<vmem>>)
      %dma_start3A_95 = arith.constant 0 : i32
      %dma_start3A_96 = tpu.memref_slice %arg7[%add3A_66, %dma_start3A_95] : memref<40x128xi32, #tpu.memory_space<vmem>> -> memref<1x128xi32, #tpu.memory_space<vmem>>
      %dma_start3A_97 = tpu.memref_squeeze %dma_start3A_96 : memref<1x128xi32, #tpu.memory_space<vmem>> -> memref<128xi32, #tpu.memory_space<vmem>>
      %dma_start3A_98 = arith.constant 0 : i32
      %dma_start3A_99 = arith.constant 0 : i32
      %dma_start3A_100 = tpu.memref_slice %arg10[%dma_start3A_98, %dma_start3A_99] : memref<10240x128xf32, #tpu.memory_space<vmem_shared>> -> memref<10240x128xf32, #tpu.memory_space<vmem_shared>>
      tpu.enqueue_indirect_dma source(%arg9 : memref<128x128xf32, #tpu.memory_space<vmem>>) target(%dma_start3A_100 : memref<10240x128xf32, #tpu.memory_space<vmem_shared>>) offsets(%dma_start3A_97 : memref<128xi32, #tpu.memory_space<vmem>>) semaphore(%arg14 : memref<!tpu.dma_semaphore, #tpu.memory_space<semaphore_mem>>) {add = true}
      %dma_wait3A_101 = arith.constant 0 : i32
      %dma_wait3A_102 = tpu.memref_slice %arg7[%mul3A_62, %dma_wait3A_101] : memref<40x128xi32, #tpu.memory_space<vmem>> -> memref<1x128xi32, #tpu.memory_space<vmem>>
      %dma_wait3A_103 = tpu.memref_squeeze %dma_wait3A_102 : memref<1x128xi32, #tpu.memory_space<vmem>> -> memref<128xi32, #tpu.memory_space<vmem>>
      %dma_wait3A_104 = arith.constant 0 : i32
      %dma_wait3A_105 = arith.constant 0 : i32
      %dma_wait3A_106 = tpu.memref_slice %arg10[%dma_wait3A_104, %dma_wait3A_105] : memref<10240x128xf32, #tpu.memory_space<vmem_shared>> -> memref<10240x128xf32, #tpu.memory_space<vmem_shared>>
      tpu.wait_indirect_dma semaphore(%arg13 : memref<!tpu.dma_semaphore, #tpu.memory_space<semaphore_mem>>) src(%arg8 : memref<128x128xf32, #tpu.memory_space<vmem>>) dst(%dma_wait3A_106 : memref<10240x128xf32, #tpu.memory_space<vmem_shared>>)
      %dma_wait3A_107 = arith.constant 0 : i32
      %dma_wait3A_108 = tpu.memref_slice %arg7[%add3A_66, %dma_wait3A_107] : memref<40x128xi32, #tpu.memory_space<vmem>> -> memref<1x128xi32, #tpu.memory_space<vmem>>
      %dma_wait3A_109 = tpu.memref_squeeze %dma_wait3A_108 : memref<1x128xi32, #tpu.memory_space<vmem>> -> memref<128xi32, #tpu.memory_space<vmem>>
      %dma_wait3A_110 = arith.constant 0 : i32
      %dma_wait3A_111 = arith.constant 0 : i32
      %dma_wait3A_112 = tpu.memref_slice %arg10[%dma_wait3A_110, %dma_wait3A_111] : memref<10240x128xf32, #tpu.memory_space<vmem_shared>> -> memref<10240x128xf32, #tpu.memory_space<vmem_shared>>
      tpu.wait_indirect_dma semaphore(%arg14 : memref<!tpu.dma_semaphore, #tpu.memory_space<semaphore_mem>>) src(%arg9 : memref<128x128xf32, #tpu.memory_space<vmem>>) dst(%dma_wait3A_112 : memref<10240x128xf32, #tpu.memory_space<vmem_shared>>)
      %scan3A_113 = arith.constant 0 : i32
      scf.yield %scan3A_113 : i32
    }
    %scan3A_37 = arith.constant 20 : i32
    %barrier3A_38 = arith.constant 0 : index
    tpu.barrier barrier_id(%barrier3A_38)
    %mul3A_39 = arith.constant 640 : i32
    %mul3A_40 = arith.muli %arg1, %mul3A_39 : i32
    %add3A_41 = arith.constant 0 : i32
    %add3A_42 = arith.addi %mul3A_40, %add3A_41 : i32
    "tpu.region"() ({
      %run_scoped3A = tpu.sem_alloc : memref<!tpu.dma_semaphore, #tpu.memory_space<semaphore_mem>>
      %dma_start3A = arith.constant 0 : i32
      %dma_start3A_59 = tpu.memref_slice %arg10[%add3A_42, %dma_start3A] : memref<10240x128xf32, #tpu.memory_space<vmem_shared>> -> memref<128x128xf32, #tpu.memory_space<vmem_shared>>
      %dma_start3A_60 = arith.constant 0 : i32
      %dma_start3A_61 = tpu.memref_slice %arg10[%add3A_42, %dma_start3A_60] : memref<10240x128xf32, #tpu.memory_space<vmem_shared>> -> memref<128x128xf32, #tpu.memory_space<vmem_shared>>
      tpu.enqueue_dma source(%dma_start3A_61 : memref<128x128xf32, #tpu.memory_space<vmem_shared>>) target(%arg8 : memref<128x128xf32, #tpu.memory_space<vmem>>) target_semaphore(%run_scoped3A : memref<!tpu.dma_semaphore, #tpu.memory_space<semaphore_mem>>)
      %dma_wait3A = arith.constant 0 : i32
      %dma_wait3A_62 = tpu.memref_slice %arg10[%add3A_42, %dma_wait3A] : memref<10240x128xf32, #tpu.memory_space<vmem_shared>> -> memref<128x128xf32, #tpu.memory_space<vmem_shared>>
      %dma_wait3A_63 = arith.constant 0 : i32
      %dma_wait3A_64 = tpu.memref_slice %arg10[%add3A_42, %dma_wait3A_63] : memref<10240x128xf32, #tpu.memory_space<vmem_shared>> -> memref<128x128xf32, #tpu.memory_space<vmem_shared>>
      tpu.wait_dma2 semaphore(%run_scoped3A : memref<!tpu.dma_semaphore, #tpu.memory_space<semaphore_mem>>) src(%dma_wait3A_64 : memref<128x128xf32, #tpu.memory_space<vmem_shared>>) dst(%arg8 : memref<128x128xf32, #tpu.memory_space<vmem>>)
      tpu.yield
    }) : () -> ()
    "tpu.region"() ({
      %run_scoped3A = tpu.sem_alloc : memref<!tpu.dma_semaphore, #tpu.memory_space<semaphore_mem>>
      %dma_start3A = arith.constant 0 : i32
      %dma_start3A_59 = tpu.memref_slice %arg5[%arg0, %add3A_42, %dma_start3A] : memref<2x10240x128xf32, #tpu.memory_space<hbm>> -> memref<1x128x128xf32, #tpu.memory_space<hbm>>
      %dma_start3A_60 = tpu.memref_squeeze %dma_start3A_59 : memref<1x128x128xf32, #tpu.memory_space<hbm>> -> memref<128x128xf32, #tpu.memory_space<hbm>>
      %dma_start3A_61 = arith.constant 0 : i32
      %dma_start3A_62 = tpu.memref_slice %arg5[%arg0, %add3A_42, %dma_start3A_61] : memref<2x10240x128xf32, #tpu.memory_space<hbm>> -> memref<1x128x128xf32, #tpu.memory_space<hbm>>
      %dma_start3A_63 = tpu.memref_squeeze %dma_start3A_62 : memref<1x128x128xf32, #tpu.memory_space<hbm>> -> memref<128x128xf32, #tpu.memory_space<hbm>>
      tpu.enqueue_dma source(%arg8 : memref<128x128xf32, #tpu.memory_space<vmem>>) target(%dma_start3A_63 : memref<128x128xf32, #tpu.memory_space<hbm>>) target_semaphore(%run_scoped3A : memref<!tpu.dma_semaphore, #tpu.memory_space<semaphore_mem>>)
      %dma_wait3A = arith.constant 0 : i32
      %dma_wait3A_64 = tpu.memref_slice %arg5[%arg0, %add3A_42, %dma_wait3A] : memref<2x10240x128xf32, #tpu.memory_space<hbm>> -> memref<1x128x128xf32, #tpu.memory_space<hbm>>
      %dma_wait3A_65 = tpu.memref_squeeze %dma_wait3A_64 : memref<1x128x128xf32, #tpu.memory_space<hbm>> -> memref<128x128xf32, #tpu.memory_space<hbm>>
      %dma_wait3A_66 = arith.constant 0 : i32
      %dma_wait3A_67 = tpu.memref_slice %arg5[%arg0, %add3A_42, %dma_wait3A_66] : memref<2x10240x128xf32, #tpu.memory_space<hbm>> -> memref<1x128x128xf32, #tpu.memory_space<hbm>>
      %dma_wait3A_68 = tpu.memref_squeeze %dma_wait3A_67 : memref<1x128x128xf32, #tpu.memory_space<hbm>> -> memref<128x128xf32, #tpu.memory_space<hbm>>
      tpu.wait_dma2 semaphore(%run_scoped3A : memref<!tpu.dma_semaphore, #tpu.memory_space<semaphore_mem>>) src(%arg8 : memref<128x128xf32, #tpu.memory_space<vmem>>) dst(%dma_wait3A_68 : memref<128x128xf32, #tpu.memory_space<hbm>>)
      tpu.yield
    }) : () -> ()
    %mul3A_43 = arith.constant 640 : i32
    %mul3A_44 = arith.muli %arg1, %mul3A_43 : i32
    %add3A_45 = arith.constant 128 : i32
    %add3A_46 = arith.addi %mul3A_44, %add3A_45 : i32
    "tpu.region"() ({
      %run_scoped3A = tpu.sem_alloc : memref<!tpu.dma_semaphore, #tpu.memory_space<semaphore_mem>>
      %dma_start3A = arith.constant 0 : i32
      %dma_start3A_59 = tpu.memref_slice %arg10[%add3A_46, %dma_start3A] : memref<10240x128xf32, #tpu.memory_space<vmem_shared>> -> memref<128x128xf32, #tpu.memory_space<vmem_shared>>
      %dma_start3A_60 = arith.constant 0 : i32
      %dma_start3A_61 = tpu.memref_slice %arg10[%add3A_46, %dma_start3A_60] : memref<10240x128xf32, #tpu.memory_space<vmem_shared>> -> memref<128x128xf32, #tpu.memory_space<vmem_shared>>
      tpu.enqueue_dma source(%dma_start3A_61 : memref<128x128xf32, #tpu.memory_space<vmem_shared>>) target(%arg8 : memref<128x128xf32, #tpu.memory_space<vmem>>) target_semaphore(%run_scoped3A : memref<!tpu.dma_semaphore, #tpu.memory_space<semaphore_mem>>)
      %dma_wait3A = arith.constant 0 : i32
      %dma_wait3A_62 = tpu.memref_slice %arg10[%add3A_46, %dma_wait3A] : memref<10240x128xf32, #tpu.memory_space<vmem_shared>> -> memref<128x128xf32, #tpu.memory_space<vmem_shared>>
      %dma_wait3A_63 = arith.constant 0 : i32
      %dma_wait3A_64 = tpu.memref_slice %arg10[%add3A_46, %dma_wait3A_63] : memref<10240x128xf32, #tpu.memory_space<vmem_shared>> -> memref<128x128xf32, #tpu.memory_space<vmem_shared>>
      tpu.wait_dma2 semaphore(%run_scoped3A : memref<!tpu.dma_semaphore, #tpu.memory_space<semaphore_mem>>) src(%dma_wait3A_64 : memref<128x128xf32, #tpu.memory_space<vmem_shared>>) dst(%arg8 : memref<128x128xf32, #tpu.memory_space<vmem>>)
      tpu.yield
    }) : () -> ()
    "tpu.region"() ({
      %run_scoped3A = tpu.sem_alloc : memref<!tpu.dma_semaphore, #tpu.memory_space<semaphore_mem>>
      %dma_start3A = arith.constant 0 : i32
      %dma_start3A_59 = tpu.memref_slice %arg5[%arg0, %add3A_46, %dma_start3A] : memref<2x10240x128xf32, #tpu.memory_space<hbm>> -> memref<1x128x128xf32, #tpu.memory_space<hbm>>
      %dma_start3A_60 = tpu.memref_squeeze %dma_start3A_59 : memref<1x128x128xf32, #tpu.memory_space<hbm>> -> memref<128x128xf32, #tpu.memory_space<hbm>>
      %dma_start3A_61 = arith.constant 0 : i32
      %dma_start3A_62 = tpu.memref_slice %arg5[%arg0, %add3A_46, %dma_start3A_61] : memref<2x10240x128xf32, #tpu.memory_space<hbm>> -> memref<1x128x128xf32, #tpu.memory_space<hbm>>
      %dma_start3A_63 = tpu.memref_squeeze %dma_start3A_62 : memref<1x128x128xf32, #tpu.memory_space<hbm>> -> memref<128x128xf32, #tpu.memory_space<hbm>>
      tpu.enqueue_dma source(%arg8 : memref<128x128xf32, #tpu.memory_space<vmem>>) target(%dma_start3A_63 : memref<128x128xf32, #tpu.memory_space<hbm>>) target_semaphore(%run_scoped3A : memref<!tpu.dma_semaphore, #tpu.memory_space<semaphore_mem>>)
      %dma_wait3A = arith.constant 0 : i32
      %dma_wait3A_64 = tpu.memref_slice %arg5[%arg0, %add3A_46, %dma_wait3A] : memref<2x10240x128xf32, #tpu.memory_space<hbm>> -> memref<1x128x128xf32, #tpu.memory_space<hbm>>
      %dma_wait3A_65 = tpu.memref_squeeze %dma_wait3A_64 : memref<1x128x128xf32, #tpu.memory_space<hbm>> -> memref<128x128xf32, #tpu.memory_space<hbm>>
      %dma_wait3A_66 = arith.constant 0 : i32
      %dma_wait3A_67 = tpu.memref_slice %arg5[%arg0, %add3A_46, %dma_wait3A_66] : memref<2x10240x128xf32, #tpu.memory_space<hbm>> -> memref<1x128x128xf32, #tpu.memory_space<hbm>>
      %dma_wait3A_68 = tpu.memref_squeeze %dma_wait3A_67 : memref<1x128x128xf32, #tpu.memory_space<hbm>> -> memref<128x128xf32, #tpu.memory_space<hbm>>
      tpu.wait_dma2 semaphore(%run_scoped3A : memref<!tpu.dma_semaphore, #tpu.memory_space<semaphore_mem>>) src(%arg8 : memref<128x128xf32, #tpu.memory_space<vmem>>) dst(%dma_wait3A_68 : memref<128x128xf32, #tpu.memory_space<hbm>>)
      tpu.yield
    }) : () -> ()
    %mul3A_47 = arith.constant 640 : i32
    %mul3A_48 = arith.muli %arg1, %mul3A_47 : i32
    %add3A_49 = arith.constant 256 : i32
    %add3A_50 = arith.addi %mul3A_48, %add3A_49 : i32
    "tpu.region"() ({
      %run_scoped3A = tpu.sem_alloc : memref<!tpu.dma_semaphore, #tpu.memory_space<semaphore_mem>>
      %dma_start3A = arith.constant 0 : i32
      %dma_start3A_59 = tpu.memref_slice %arg10[%add3A_50, %dma_start3A] : memref<10240x128xf32, #tpu.memory_space<vmem_shared>> -> memref<128x128xf32, #tpu.memory_space<vmem_shared>>
      %dma_start3A_60 = arith.constant 0 : i32
      %dma_start3A_61 = tpu.memref_slice %arg10[%add3A_50, %dma_start3A_60] : memref<10240x128xf32, #tpu.memory_space<vmem_shared>> -> memref<128x128xf32, #tpu.memory_space<vmem_shared>>
      tpu.enqueue_dma source(%dma_start3A_61 : memref<128x128xf32, #tpu.memory_space<vmem_shared>>) target(%arg8 : memref<128x128xf32, #tpu.memory_space<vmem>>) target_semaphore(%run_scoped3A : memref<!tpu.dma_semaphore, #tpu.memory_space<semaphore_mem>>)
      %dma_wait3A = arith.constant 0 : i32
      %dma_wait3A_62 = tpu.memref_slice %arg10[%add3A_50, %dma_wait3A] : memref<10240x128xf32, #tpu.memory_space<vmem_shared>> -> memref<128x128xf32, #tpu.memory_space<vmem_shared>>
      %dma_wait3A_63 = arith.constant 0 : i32
      %dma_wait3A_64 = tpu.memref_slice %arg10[%add3A_50, %dma_wait3A_63] : memref<10240x128xf32, #tpu.memory_space<vmem_shared>> -> memref<128x128xf32, #tpu.memory_space<vmem_shared>>
      tpu.wait_dma2 semaphore(%run_scoped3A : memref<!tpu.dma_semaphore, #tpu.memory_space<semaphore_mem>>) src(%dma_wait3A_64 : memref<128x128xf32, #tpu.memory_space<vmem_shared>>) dst(%arg8 : memref<128x128xf32, #tpu.memory_space<vmem>>)
      tpu.yield
    }) : () -> ()
    "tpu.region"() ({
      %run_scoped3A = tpu.sem_alloc : memref<!tpu.dma_semaphore, #tpu.memory_space<semaphore_mem>>
      %dma_start3A = arith.constant 0 : i32
      %dma_start3A_59 = tpu.memref_slice %arg5[%arg0, %add3A_50, %dma_start3A] : memref<2x10240x128xf32, #tpu.memory_space<hbm>> -> memref<1x128x128xf32, #tpu.memory_space<hbm>>
      %dma_start3A_60 = tpu.memref_squeeze %dma_start3A_59 : memref<1x128x128xf32, #tpu.memory_space<hbm>> -> memref<128x128xf32, #tpu.memory_space<hbm>>
      %dma_start3A_61 = arith.constant 0 : i32
      %dma_start3A_62 = tpu.memref_slice %arg5[%arg0, %add3A_50, %dma_start3A_61] : memref<2x10240x128xf32, #tpu.memory_space<hbm>> -> memref<1x128x128xf32, #tpu.memory_space<hbm>>
      %dma_start3A_63 = tpu.memref_squeeze %dma_start3A_62 : memref<1x128x128xf32, #tpu.memory_space<hbm>> -> memref<128x128xf32, #tpu.memory_space<hbm>>
      tpu.enqueue_dma source(%arg8 : memref<128x128xf32, #tpu.memory_space<vmem>>) target(%dma_start3A_63 : memref<128x128xf32, #tpu.memory_space<hbm>>) target_semaphore(%run_scoped3A : memref<!tpu.dma_semaphore, #tpu.memory_space<semaphore_mem>>)
      %dma_wait3A = arith.constant 0 : i32
      %dma_wait3A_64 = tpu.memref_slice %arg5[%arg0, %add3A_50, %dma_wait3A] : memref<2x10240x128xf32, #tpu.memory_space<hbm>> -> memref<1x128x128xf32, #tpu.memory_space<hbm>>
      %dma_wait3A_65 = tpu.memref_squeeze %dma_wait3A_64 : memref<1x128x128xf32, #tpu.memory_space<hbm>> -> memref<128x128xf32, #tpu.memory_space<hbm>>
      %dma_wait3A_66 = arith.constant 0 : i32
      %dma_wait3A_67 = tpu.memref_slice %arg5[%arg0, %add3A_50, %dma_wait3A_66] : memref<2x10240x128xf32, #tpu.memory_space<hbm>> -> memref<1x128x128xf32, #tpu.memory_space<hbm>>
      %dma_wait3A_68 = tpu.memref_squeeze %dma_wait3A_67 : memref<1x128x128xf32, #tpu.memory_space<hbm>> -> memref<128x128xf32, #tpu.memory_space<hbm>>
      tpu.wait_dma2 semaphore(%run_scoped3A : memref<!tpu.dma_semaphore, #tpu.memory_space<semaphore_mem>>) src(%arg8 : memref<128x128xf32, #tpu.memory_space<vmem>>) dst(%dma_wait3A_68 : memref<128x128xf32, #tpu.memory_space<hbm>>)
      tpu.yield
    }) : () -> ()
    %mul3A_51 = arith.constant 640 : i32
    %mul3A_52 = arith.muli %arg1, %mul3A_51 : i32
    %add3A_53 = arith.constant 384 : i32
    %add3A_54 = arith.addi %mul3A_52, %add3A_53 : i32
    "tpu.region"() ({
      %run_scoped3A = tpu.sem_alloc : memref<!tpu.dma_semaphore, #tpu.memory_space<semaphore_mem>>
      %dma_start3A = arith.constant 0 : i32
      %dma_start3A_59 = tpu.memref_slice %arg10[%add3A_54, %dma_start3A] : memref<10240x128xf32, #tpu.memory_space<vmem_shared>> -> memref<128x128xf32, #tpu.memory_space<vmem_shared>>
      %dma_start3A_60 = arith.constant 0 : i32
      %dma_start3A_61 = tpu.memref_slice %arg10[%add3A_54, %dma_start3A_60] : memref<10240x128xf32, #tpu.memory_space<vmem_shared>> -> memref<128x128xf32, #tpu.memory_space<vmem_shared>>
      tpu.enqueue_dma source(%dma_start3A_61 : memref<128x128xf32, #tpu.memory_space<vmem_shared>>) target(%arg8 : memref<128x128xf32, #tpu.memory_space<vmem>>) target_semaphore(%run_scoped3A : memref<!tpu.dma_semaphore, #tpu.memory_space<semaphore_mem>>)
      %dma_wait3A = arith.constant 0 : i32
      %dma_wait3A_62 = tpu.memref_slice %arg10[%add3A_54, %dma_wait3A] : memref<10240x128xf32, #tpu.memory_space<vmem_shared>> -> memref<128x128xf32, #tpu.memory_space<vmem_shared>>
      %dma_wait3A_63 = arith.constant 0 : i32
      %dma_wait3A_64 = tpu.memref_slice %arg10[%add3A_54, %dma_wait3A_63] : memref<10240x128xf32, #tpu.memory_space<vmem_shared>> -> memref<128x128xf32, #tpu.memory_space<vmem_shared>>
      tpu.wait_dma2 semaphore(%run_scoped3A : memref<!tpu.dma_semaphore, #tpu.memory_space<semaphore_mem>>) src(%dma_wait3A_64 : memref<128x128xf32, #tpu.memory_space<vmem_shared>>) dst(%arg8 : memref<128x128xf32, #tpu.memory_space<vmem>>)
      tpu.yield
    }) : () -> ()
    "tpu.region"() ({
      %run_scoped3A = tpu.sem_alloc : memref<!tpu.dma_semaphore, #tpu.memory_space<semaphore_mem>>
      %dma_start3A = arith.constant 0 : i32
      %dma_start3A_59 = tpu.memref_slice %arg5[%arg0, %add3A_54, %dma_start3A] : memref<2x10240x128xf32, #tpu.memory_space<hbm>> -> memref<1x128x128xf32, #tpu.memory_space<hbm>>
      %dma_start3A_60 = tpu.memref_squeeze %dma_start3A_59 : memref<1x128x128xf32, #tpu.memory_space<hbm>> -> memref<128x128xf32, #tpu.memory_space<hbm>>
      %dma_start3A_61 = arith.constant 0 : i32
      %dma_start3A_62 = tpu.memref_slice %arg5[%arg0, %add3A_54, %dma_start3A_61] : memref<2x10240x128xf32, #tpu.memory_space<hbm>> -> memref<1x128x128xf32, #tpu.memory_space<hbm>>
      %dma_start3A_63 = tpu.memref_squeeze %dma_start3A_62 : memref<1x128x128xf32, #tpu.memory_space<hbm>> -> memref<128x128xf32, #tpu.memory_space<hbm>>
      tpu.enqueue_dma source(%arg8 : memref<128x128xf32, #tpu.memory_space<vmem>>) target(%dma_start3A_63 : memref<128x128xf32, #tpu.memory_space<hbm>>) target_semaphore(%run_scoped3A : memref<!tpu.dma_semaphore, #tpu.memory_space<semaphore_mem>>)
      %dma_wait3A = arith.constant 0 : i32
      %dma_wait3A_64 = tpu.memref_slice %arg5[%arg0, %add3A_54, %dma_wait3A] : memref<2x10240x128xf32, #tpu.memory_space<hbm>> -> memref<1x128x128xf32, #tpu.memory_space<hbm>>
      %dma_wait3A_65 = tpu.memref_squeeze %dma_wait3A_64 : memref<1x128x128xf32, #tpu.memory_space<hbm>> -> memref<128x128xf32, #tpu.memory_space<hbm>>
      %dma_wait3A_66 = arith.constant 0 : i32
      %dma_wait3A_67 = tpu.memref_slice %arg5[%arg0, %add3A_54, %dma_wait3A_66] : memref<2x10240x128xf32, #tpu.memory_space<hbm>> -> memref<1x128x128xf32, #tpu.memory_space<hbm>>
      %dma_wait3A_68 = tpu.memref_squeeze %dma_wait3A_67 : memref<1x128x128xf32, #tpu.memory_space<hbm>> -> memref<128x128xf32, #tpu.memory_space<hbm>>
      tpu.wait_dma2 semaphore(%run_scoped3A : memref<!tpu.dma_semaphore, #tpu.memory_space<semaphore_mem>>) src(%arg8 : memref<128x128xf32, #tpu.memory_space<vmem>>) dst(%dma_wait3A_68 : memref<128x128xf32, #tpu.memory_space<hbm>>)
      tpu.yield
    }) : () -> ()
    %mul3A_55 = arith.constant 640 : i32
    %mul3A_56 = arith.muli %arg1, %mul3A_55 : i32
    %add3A_57 = arith.constant 512 : i32
    %add3A_58 = arith.addi %mul3A_56, %add3A_57 : i32
    "tpu.region"() ({
      %run_scoped3A = tpu.sem_alloc : memref<!tpu.dma_semaphore, #tpu.memory_space<semaphore_mem>>
      %dma_start3A = arith.constant 0 : i32
      %dma_start3A_59 = tpu.memref_slice %arg10[%add3A_58, %dma_start3A] : memref<10240x128xf32, #tpu.memory_space<vmem_shared>> -> memref<128x128xf32, #tpu.memory_space<vmem_shared>>
      %dma_start3A_60 = arith.constant 0 : i32
      %dma_start3A_61 = tpu.memref_slice %arg10[%add3A_58, %dma_start3A_60] : memref<10240x128xf32, #tpu.memory_space<vmem_shared>> -> memref<128x128xf32, #tpu.memory_space<vmem_shared>>
      tpu.enqueue_dma source(%dma_start3A_61 : memref<128x128xf32, #tpu.memory_space<vmem_shared>>) target(%arg8 : memref<128x128xf32, #tpu.memory_space<vmem>>) target_semaphore(%run_scoped3A : memref<!tpu.dma_semaphore, #tpu.memory_space<semaphore_mem>>)
      %dma_wait3A = arith.constant 0 : i32
      %dma_wait3A_62 = tpu.memref_slice %arg10[%add3A_58, %dma_wait3A] : memref<10240x128xf32, #tpu.memory_space<vmem_shared>> -> memref<128x128xf32, #tpu.memory_space<vmem_shared>>
      %dma_wait3A_63 = arith.constant 0 : i32
      %dma_wait3A_64 = tpu.memref_slice %arg10[%add3A_58, %dma_wait3A_63] : memref<10240x128xf32, #tpu.memory_space<vmem_shared>> -> memref<128x128xf32, #tpu.memory_space<vmem_shared>>
      tpu.wait_dma2 semaphore(%run_scoped3A : memref<!tpu.dma_semaphore, #tpu.memory_space<semaphore_mem>>) src(%dma_wait3A_64 : memref<128x128xf32, #tpu.memory_space<vmem_shared>>) dst(%arg8 : memref<128x128xf32, #tpu.memory_space<vmem>>)
      tpu.yield
    }) : () -> ()
    "tpu.region"() ({
      %run_scoped3A = tpu.sem_alloc : memref<!tpu.dma_semaphore, #tpu.memory_space<semaphore_mem>>
      %dma_start3A = arith.constant 0 : i32
      %dma_start3A_59 = tpu.memref_slice %arg5[%arg0, %add3A_58, %dma_start3A] : memref<2x10240x128xf32, #tpu.memory_space<hbm>> -> memref<1x128x128xf32, #tpu.memory_space<hbm>>
      %dma_start3A_60 = tpu.memref_squeeze %dma_start3A_59 : memref<1x128x128xf32, #tpu.memory_space<hbm>> -> memref<128x128xf32, #tpu.memory_space<hbm>>
      %dma_start3A_61 = arith.constant 0 : i32
      %dma_start3A_62 = tpu.memref_slice %arg5[%arg0, %add3A_58, %dma_start3A_61] : memref<2x10240x128xf32, #tpu.memory_space<hbm>> -> memref<1x128x128xf32, #tpu.memory_space<hbm>>
      %dma_start3A_63 = tpu.memref_squeeze %dma_start3A_62 : memref<1x128x128xf32, #tpu.memory_space<hbm>> -> memref<128x128xf32, #tpu.memory_space<hbm>>
      tpu.enqueue_dma source(%arg8 : memref<128x128xf32, #tpu.memory_space<vmem>>) target(%dma_start3A_63 : memref<128x128xf32, #tpu.memory_space<hbm>>) target_semaphore(%run_scoped3A : memref<!tpu.dma_semaphore, #tpu.memory_space<semaphore_mem>>)
      %dma_wait3A = arith.constant 0 : i32
      %dma_wait3A_64 = tpu.memref_slice %arg5[%arg0, %add3A_58, %dma_wait3A] : memref<2x10240x128xf32, #tpu.memory_space<hbm>> -> memref<1x128x128xf32, #tpu.memory_space<hbm>>
      %dma_wait3A_65 = tpu.memref_squeeze %dma_wait3A_64 : memref<1x128x128xf32, #tpu.memory_space<hbm>> -> memref<128x128xf32, #tpu.memory_space<hbm>>
      %dma_wait3A_66 = arith.constant 0 : i32
      %dma_wait3A_67 = tpu.memref_slice %arg5[%arg0, %add3A_58, %dma_wait3A_66] : memref<2x10240x128xf32, #tpu.memory_space<hbm>> -> memref<1x128x128xf32, #tpu.memory_space<hbm>>
      %dma_wait3A_68 = tpu.memref_squeeze %dma_wait3A_67 : memref<1x128x128xf32, #tpu.memory_space<hbm>> -> memref<128x128xf32, #tpu.memory_space<hbm>>
      tpu.wait_dma2 semaphore(%run_scoped3A : memref<!tpu.dma_semaphore, #tpu.memory_space<semaphore_mem>>) src(%arg8 : memref<128x128xf32, #tpu.memory_space<vmem>>) dst(%dma_wait3A_68 : memref<128x128xf32, #tpu.memory_space<hbm>>)
      tpu.yield
    }) : () -> ()
    return
  }
}

#map = affine_map<(d0, d1) -> (0, 0)>
#map1 = affine_map<(d0, d1) -> (0, 0, 0)>
module attributes {stable_mosaic.version = 14 : i64} {
  func.func @deg_kernel(%arg0: i32, %arg1: i32, %arg2: memref<1280x128xi32, #tpu.memory_space<hbm>>, %arg3: memref<2x10240x16xf32, #tpu.memory_space<hbm>>, %arg4: memref<40x128xi32, #tpu.memory_space<vmem>>, %arg5: memref<128x16xf32, #tpu.memory_space<vmem>>, %arg6: memref<10240x16xf32, #tpu.memory_space<vmem_shared>>, %arg7: memref<!tpu.dma_semaphore, #tpu.memory_space<semaphore_mem>>) attributes {dimension_semantics = [#tpu.dimension_semantics<core_parallel>, #tpu.dimension_semantics<subcore_parallel>], iteration_bounds = array<i64: 2, 16>, scalar_prefetch = 0 : i64, scratch_operands = 4 : i64, tpu.core_type = #tpu.core_type<sc_vector_subcore>, window_params = [{transform_indices = #map}, {transform_indices = #map1}]} {
    %mul3A = arith.constant 16 : i32
    %mul3A_0 = arith.muli %arg0, %mul3A : i32
    %add3A = arith.addi %mul3A_0, %arg1 : i32
    %scan3A = arith.constant 0 : i32
    %scan3A_1 = arith.constant 0 : i32
    %scan3A_2 = arith.constant 128 : i32
    %scan3A_3 = arith.addi %scan3A_1, %scan3A_2 : i32
    %scan3A_4 = arith.constant 1 : i32
    %scan3A_5 = scf.for %scan3A_64 = %scan3A_1 to %scan3A_3 step %scan3A_4 iter_args(%scan3A_65 = %scan3A) -> (i32)  : i32 {
      %scan3A_66 = arith.constant 0 : i32
      %scan3A_67 = arith.constant 0 : i32
      %broadcast_in_dim3A = arith.constant 0.000000e+00 : f32
      %broadcast_in_dim3A_68 = vector.broadcast %broadcast_in_dim3A : f32 to vector<16xf32>
      %mul3A_69 = arith.constant 16 : i32
      %mul3A_70 = arith.muli %scan3A_67, %mul3A_69 : i32
      %swap3A = arith.index_cast %scan3A_64 : i32 to index
      %swap3A_71 = arith.index_cast %mul3A_70 : i32 to index
      %swap3A_72 = tpu.vector_load %arg5[%swap3A, %swap3A_71] {strides = array<i32>} : memref<128x16xf32, #tpu.memory_space<vmem>>, vector<1x16xf32>,
      %swap3A_73 = vector.shape_cast %swap3A_72 : vector<1x16xf32> to vector<16xf32>
      %swap3A_74 = vector.shape_cast %broadcast_in_dim3A_68 : vector<16xf32> to vector<1x16xf32>
      tpu.vector_store %arg5[%swap3A, %swap3A_71], %swap3A_74 {strides = array<i32>} : memref<128x16xf32, #tpu.memory_space<vmem>>, vector<1x16xf32>,
      %scan3A_75 = arith.constant 0 : i32
      %scan3A_76 = arith.constant 1 : i32
      scf.yield %scan3A_75 : i32
    }
    %scan3A_6 = arith.constant 128 : i32
    %mul3A_7 = arith.constant 640 : i32
    %mul3A_8 = arith.muli %arg1, %mul3A_7 : i32
    %add3A_9 = arith.constant 0 : i32
    %add3A_10 = arith.addi %mul3A_8, %add3A_9 : i32
    "tpu.region"() ({
      %run_scoped3A = tpu.sem_alloc : memref<!tpu.dma_semaphore, #tpu.memory_space<semaphore_mem>>
      %dma_start3A = arith.constant 0 : i32
      %dma_start3A_64 = tpu.memref_slice %arg6[%add3A_10, %dma_start3A] : memref<10240x16xf32, #tpu.memory_space<vmem_shared>> -> memref<128x16xf32, #tpu.memory_space<vmem_shared>>
      %dma_start3A_65 = arith.constant 0 : i32
      %dma_start3A_66 = tpu.memref_slice %arg6[%add3A_10, %dma_start3A_65] : memref<10240x16xf32, #tpu.memory_space<vmem_shared>> -> memref<128x16xf32, #tpu.memory_space<vmem_shared>>
      tpu.enqueue_dma source(%arg5 : memref<128x16xf32, #tpu.memory_space<vmem>>) target(%dma_start3A_66 : memref<128x16xf32, #tpu.memory_space<vmem_shared>>) target_semaphore(%run_scoped3A : memref<!tpu.dma_semaphore, #tpu.memory_space<semaphore_mem>>)
      %dma_wait3A = arith.constant 0 : i32
      %dma_wait3A_67 = tpu.memref_slice %arg6[%add3A_10, %dma_wait3A] : memref<10240x16xf32, #tpu.memory_space<vmem_shared>> -> memref<128x16xf32, #tpu.memory_space<vmem_shared>>
      %dma_wait3A_68 = arith.constant 0 : i32
      %dma_wait3A_69 = tpu.memref_slice %arg6[%add3A_10, %dma_wait3A_68] : memref<10240x16xf32, #tpu.memory_space<vmem_shared>> -> memref<128x16xf32, #tpu.memory_space<vmem_shared>>
      tpu.wait_dma2 semaphore(%run_scoped3A : memref<!tpu.dma_semaphore, #tpu.memory_space<semaphore_mem>>) src(%arg5 : memref<128x16xf32, #tpu.memory_space<vmem>>) dst(%dma_wait3A_69 : memref<128x16xf32, #tpu.memory_space<vmem_shared>>)
      tpu.yield
    }) : () -> ()
    %mul3A_11 = arith.constant 640 : i32
    %mul3A_12 = arith.muli %arg1, %mul3A_11 : i32
    %add3A_13 = arith.constant 128 : i32
    %add3A_14 = arith.addi %mul3A_12, %add3A_13 : i32
    "tpu.region"() ({
      %run_scoped3A = tpu.sem_alloc : memref<!tpu.dma_semaphore, #tpu.memory_space<semaphore_mem>>
      %dma_start3A = arith.constant 0 : i32
      %dma_start3A_64 = tpu.memref_slice %arg6[%add3A_14, %dma_start3A] : memref<10240x16xf32, #tpu.memory_space<vmem_shared>> -> memref<128x16xf32, #tpu.memory_space<vmem_shared>>
      %dma_start3A_65 = arith.constant 0 : i32
      %dma_start3A_66 = tpu.memref_slice %arg6[%add3A_14, %dma_start3A_65] : memref<10240x16xf32, #tpu.memory_space<vmem_shared>> -> memref<128x16xf32, #tpu.memory_space<vmem_shared>>
      tpu.enqueue_dma source(%arg5 : memref<128x16xf32, #tpu.memory_space<vmem>>) target(%dma_start3A_66 : memref<128x16xf32, #tpu.memory_space<vmem_shared>>) target_semaphore(%run_scoped3A : memref<!tpu.dma_semaphore, #tpu.memory_space<semaphore_mem>>)
      %dma_wait3A = arith.constant 0 : i32
      %dma_wait3A_67 = tpu.memref_slice %arg6[%add3A_14, %dma_wait3A] : memref<10240x16xf32, #tpu.memory_space<vmem_shared>> -> memref<128x16xf32, #tpu.memory_space<vmem_shared>>
      %dma_wait3A_68 = arith.constant 0 : i32
      %dma_wait3A_69 = tpu.memref_slice %arg6[%add3A_14, %dma_wait3A_68] : memref<10240x16xf32, #tpu.memory_space<vmem_shared>> -> memref<128x16xf32, #tpu.memory_space<vmem_shared>>
      tpu.wait_dma2 semaphore(%run_scoped3A : memref<!tpu.dma_semaphore, #tpu.memory_space<semaphore_mem>>) src(%arg5 : memref<128x16xf32, #tpu.memory_space<vmem>>) dst(%dma_wait3A_69 : memref<128x16xf32, #tpu.memory_space<vmem_shared>>)
      tpu.yield
    }) : () -> ()
    %mul3A_15 = arith.constant 640 : i32
    %mul3A_16 = arith.muli %arg1, %mul3A_15 : i32
    %add3A_17 = arith.constant 256 : i32
    %add3A_18 = arith.addi %mul3A_16, %add3A_17 : i32
    "tpu.region"() ({
      %run_scoped3A = tpu.sem_alloc : memref<!tpu.dma_semaphore, #tpu.memory_space<semaphore_mem>>
      %dma_start3A = arith.constant 0 : i32
      %dma_start3A_64 = tpu.memref_slice %arg6[%add3A_18, %dma_start3A] : memref<10240x16xf32, #tpu.memory_space<vmem_shared>> -> memref<128x16xf32, #tpu.memory_space<vmem_shared>>
      %dma_start3A_65 = arith.constant 0 : i32
      %dma_start3A_66 = tpu.memref_slice %arg6[%add3A_18, %dma_start3A_65] : memref<10240x16xf32, #tpu.memory_space<vmem_shared>> -> memref<128x16xf32, #tpu.memory_space<vmem_shared>>
      tpu.enqueue_dma source(%arg5 : memref<128x16xf32, #tpu.memory_space<vmem>>) target(%dma_start3A_66 : memref<128x16xf32, #tpu.memory_space<vmem_shared>>) target_semaphore(%run_scoped3A : memref<!tpu.dma_semaphore, #tpu.memory_space<semaphore_mem>>)
      %dma_wait3A = arith.constant 0 : i32
      %dma_wait3A_67 = tpu.memref_slice %arg6[%add3A_18, %dma_wait3A] : memref<10240x16xf32, #tpu.memory_space<vmem_shared>> -> memref<128x16xf32, #tpu.memory_space<vmem_shared>>
      %dma_wait3A_68 = arith.constant 0 : i32
      %dma_wait3A_69 = tpu.memref_slice %arg6[%add3A_18, %dma_wait3A_68] : memref<10240x16xf32, #tpu.memory_space<vmem_shared>> -> memref<128x16xf32, #tpu.memory_space<vmem_shared>>
      tpu.wait_dma2 semaphore(%run_scoped3A : memref<!tpu.dma_semaphore, #tpu.memory_space<semaphore_mem>>) src(%arg5 : memref<128x16xf32, #tpu.memory_space<vmem>>) dst(%dma_wait3A_69 : memref<128x16xf32, #tpu.memory_space<vmem_shared>>)
      tpu.yield
    }) : () -> ()
    %mul3A_19 = arith.constant 640 : i32
    %mul3A_20 = arith.muli %arg1, %mul3A_19 : i32
    %add3A_21 = arith.constant 384 : i32
    %add3A_22 = arith.addi %mul3A_20, %add3A_21 : i32
    "tpu.region"() ({
      %run_scoped3A = tpu.sem_alloc : memref<!tpu.dma_semaphore, #tpu.memory_space<semaphore_mem>>
      %dma_start3A = arith.constant 0 : i32
      %dma_start3A_64 = tpu.memref_slice %arg6[%add3A_22, %dma_start3A] : memref<10240x16xf32, #tpu.memory_space<vmem_shared>> -> memref<128x16xf32, #tpu.memory_space<vmem_shared>>
      %dma_start3A_65 = arith.constant 0 : i32
      %dma_start3A_66 = tpu.memref_slice %arg6[%add3A_22, %dma_start3A_65] : memref<10240x16xf32, #tpu.memory_space<vmem_shared>> -> memref<128x16xf32, #tpu.memory_space<vmem_shared>>
      tpu.enqueue_dma source(%arg5 : memref<128x16xf32, #tpu.memory_space<vmem>>) target(%dma_start3A_66 : memref<128x16xf32, #tpu.memory_space<vmem_shared>>) target_semaphore(%run_scoped3A : memref<!tpu.dma_semaphore, #tpu.memory_space<semaphore_mem>>)
      %dma_wait3A = arith.constant 0 : i32
      %dma_wait3A_67 = tpu.memref_slice %arg6[%add3A_22, %dma_wait3A] : memref<10240x16xf32, #tpu.memory_space<vmem_shared>> -> memref<128x16xf32, #tpu.memory_space<vmem_shared>>
      %dma_wait3A_68 = arith.constant 0 : i32
      %dma_wait3A_69 = tpu.memref_slice %arg6[%add3A_22, %dma_wait3A_68] : memref<10240x16xf32, #tpu.memory_space<vmem_shared>> -> memref<128x16xf32, #tpu.memory_space<vmem_shared>>
      tpu.wait_dma2 semaphore(%run_scoped3A : memref<!tpu.dma_semaphore, #tpu.memory_space<semaphore_mem>>) src(%arg5 : memref<128x16xf32, #tpu.memory_space<vmem>>) dst(%dma_wait3A_69 : memref<128x16xf32, #tpu.memory_space<vmem_shared>>)
      tpu.yield
    }) : () -> ()
    %mul3A_23 = arith.constant 640 : i32
    %mul3A_24 = arith.muli %arg1, %mul3A_23 : i32
    %add3A_25 = arith.constant 512 : i32
    %add3A_26 = arith.addi %mul3A_24, %add3A_25 : i32
    "tpu.region"() ({
      %run_scoped3A = tpu.sem_alloc : memref<!tpu.dma_semaphore, #tpu.memory_space<semaphore_mem>>
      %dma_start3A = arith.constant 0 : i32
      %dma_start3A_64 = tpu.memref_slice %arg6[%add3A_26, %dma_start3A] : memref<10240x16xf32, #tpu.memory_space<vmem_shared>> -> memref<128x16xf32, #tpu.memory_space<vmem_shared>>
      %dma_start3A_65 = arith.constant 0 : i32
      %dma_start3A_66 = tpu.memref_slice %arg6[%add3A_26, %dma_start3A_65] : memref<10240x16xf32, #tpu.memory_space<vmem_shared>> -> memref<128x16xf32, #tpu.memory_space<vmem_shared>>
      tpu.enqueue_dma source(%arg5 : memref<128x16xf32, #tpu.memory_space<vmem>>) target(%dma_start3A_66 : memref<128x16xf32, #tpu.memory_space<vmem_shared>>) target_semaphore(%run_scoped3A : memref<!tpu.dma_semaphore, #tpu.memory_space<semaphore_mem>>)
      %dma_wait3A = arith.constant 0 : i32
      %dma_wait3A_67 = tpu.memref_slice %arg6[%add3A_26, %dma_wait3A] : memref<10240x16xf32, #tpu.memory_space<vmem_shared>> -> memref<128x16xf32, #tpu.memory_space<vmem_shared>>
      %dma_wait3A_68 = arith.constant 0 : i32
      %dma_wait3A_69 = tpu.memref_slice %arg6[%add3A_26, %dma_wait3A_68] : memref<10240x16xf32, #tpu.memory_space<vmem_shared>> -> memref<128x16xf32, #tpu.memory_space<vmem_shared>>
      tpu.wait_dma2 semaphore(%run_scoped3A : memref<!tpu.dma_semaphore, #tpu.memory_space<semaphore_mem>>) src(%arg5 : memref<128x16xf32, #tpu.memory_space<vmem>>) dst(%dma_wait3A_69 : memref<128x16xf32, #tpu.memory_space<vmem_shared>>)
      tpu.yield
    }) : () -> ()
    %barrier3A = arith.constant 0 : index
    tpu.barrier barrier_id(%barrier3A)
    %mul3A_27 = arith.constant 40 : i32
    %mul3A_28 = arith.muli %add3A, %mul3A_27 : i32
    "tpu.region"() ({
      %run_scoped3A = tpu.sem_alloc : memref<!tpu.dma_semaphore, #tpu.memory_space<semaphore_mem>>
      %dma_start3A = arith.constant 0 : i32
      %dma_start3A_64 = tpu.memref_slice %arg2[%mul3A_28, %dma_start3A] : memref<1280x128xi32, #tpu.memory_space<hbm>> -> memref<40x128xi32, #tpu.memory_space<hbm>>
      %dma_start3A_65 = arith.constant 0 : i32
      %dma_start3A_66 = tpu.memref_slice %arg2[%mul3A_28, %dma_start3A_65] : memref<1280x128xi32, #tpu.memory_space<hbm>> -> memref<40x128xi32, #tpu.memory_space<hbm>>
      tpu.enqueue_dma source(%dma_start3A_66 : memref<40x128xi32, #tpu.memory_space<hbm>>) target(%arg4 : memref<40x128xi32, #tpu.memory_space<vmem>>) target_semaphore(%run_scoped3A : memref<!tpu.dma_semaphore, #tpu.memory_space<semaphore_mem>>)
      %dma_wait3A = arith.constant 0 : i32
      %dma_wait3A_67 = tpu.memref_slice %arg2[%mul3A_28, %dma_wait3A] : memref<1280x128xi32, #tpu.memory_space<hbm>> -> memref<40x128xi32, #tpu.memory_space<hbm>>
      %dma_wait3A_68 = arith.constant 0 : i32
      %dma_wait3A_69 = tpu.memref_slice %arg2[%mul3A_28, %dma_wait3A_68] : memref<1280x128xi32, #tpu.memory_space<hbm>> -> memref<40x128xi32, #tpu.memory_space<hbm>>
      tpu.wait_dma2 semaphore(%run_scoped3A : memref<!tpu.dma_semaphore, #tpu.memory_space<semaphore_mem>>) src(%dma_wait3A_69 : memref<40x128xi32, #tpu.memory_space<hbm>>) dst(%arg4 : memref<40x128xi32, #tpu.memory_space<vmem>>)
      tpu.yield
    }) : () -> ()
    %scan3A_29 = arith.constant 0 : i32
    %scan3A_30 = arith.constant 0 : i32
    %scan3A_31 = arith.constant 128 : i32
    %scan3A_32 = arith.addi %scan3A_30, %scan3A_31 : i32
    %scan3A_33 = arith.constant 1 : i32
    %scan3A_34 = scf.for %scan3A_64 = %scan3A_30 to %scan3A_32 step %scan3A_33 iter_args(%scan3A_65 = %scan3A_29) -> (i32)  : i32 {
      %broadcast_in_dim3A = arith.constant 1.000000e+00 : f32
      %broadcast_in_dim3A_66 = vector.broadcast %broadcast_in_dim3A : f32 to vector<16xf32>
      %swap3A = arith.index_cast %scan3A_64 : i32 to index
      %swap3A_67 = arith.constant 0 : index
      %swap3A_68 = tpu.vector_load %arg5[%swap3A, %swap3A_67] {strides = array<i32>} : memref<128x16xf32, #tpu.memory_space<vmem>>, vector<1x16xf32>,
      %swap3A_69 = vector.shape_cast %swap3A_68 : vector<1x16xf32> to vector<16xf32>
      %swap3A_70 = vector.shape_cast %broadcast_in_dim3A_66 : vector<16xf32> to vector<1x16xf32>
      tpu.vector_store %arg5[%swap3A, %swap3A_67], %swap3A_70 {strides = array<i32>} : memref<128x16xf32, #tpu.memory_space<vmem>>, vector<1x16xf32>,
      %scan3A_71 = arith.constant 0 : i32
      scf.yield %scan3A_71 : i32
    }
    %scan3A_35 = arith.constant 128 : i32
    %scan3A_36 = arith.constant 0 : i32
    %scan3A_37 = arith.constant 0 : i32
    %scan3A_38 = arith.constant 5 : i32
    %scan3A_39 = arith.addi %scan3A_37, %scan3A_38 : i32
    %scan3A_40 = arith.constant 1 : i32
    %scan3A_41 = scf.for %scan3A_64 = %scan3A_37 to %scan3A_39 step %scan3A_40 iter_args(%scan3A_65 = %scan3A_36) -> (i32)  : i32 {
      %mul3A_66 = arith.constant 8 : i32
      %mul3A_67 = arith.muli %scan3A_64, %mul3A_66 : i32
      %add3A_68 = arith.constant 0 : i32
      %add3A_69 = arith.addi %mul3A_67, %add3A_68 : i32
      %dma_start3A = arith.constant 0 : i32
      %dma_start3A_70 = tpu.memref_slice %arg4[%add3A_69, %dma_start3A] : memref<40x128xi32, #tpu.memory_space<vmem>> -> memref<1x128xi32, #tpu.memory_space<vmem>>
      %dma_start3A_71 = tpu.memref_squeeze %dma_start3A_70 : memref<1x128xi32, #tpu.memory_space<vmem>> -> memref<128xi32, #tpu.memory_space<vmem>>
      %dma_start3A_72 = arith.constant 0 : i32
      %dma_start3A_73 = arith.constant 0 : i32
      %dma_start3A_74 = tpu.memref_slice %arg6[%dma_start3A_72, %dma_start3A_73] : memref<10240x16xf32, #tpu.memory_space<vmem_shared>> -> memref<10240x16xf32, #tpu.memory_space<vmem_shared>>
      tpu.enqueue_indirect_dma source(%arg5 : memref<128x16xf32, #tpu.memory_space<vmem>>) target(%dma_start3A_74 : memref<10240x16xf32, #tpu.memory_space<vmem_shared>>) offsets(%dma_start3A_71 : memref<128xi32, #tpu.memory_space<vmem>>) semaphore(%arg7 : memref<!tpu.dma_semaphore, #tpu.memory_space<semaphore_mem>>) {add = true}
      %mul3A_75 = arith.constant 8 : i32
      %mul3A_76 = arith.muli %scan3A_64, %mul3A_75 : i32
      %add3A_77 = arith.constant 1 : i32
      %add3A_78 = arith.addi %mul3A_76, %add3A_77 : i32
      %dma_start3A_79 = arith.constant 0 : i32
      %dma_start3A_80 = tpu.memref_slice %arg4[%add3A_78, %dma_start3A_79] : memref<40x128xi32, #tpu.memory_space<vmem>> -> memref<1x128xi32, #tpu.memory_space<vmem>>
      %dma_start3A_81 = tpu.memref_squeeze %dma_start3A_80 : memref<1x128xi32, #tpu.memory_space<vmem>> -> memref<128xi32, #tpu.memory_space<vmem>>
      %dma_start3A_82 = arith.constant 0 : i32
      %dma_start3A_83 = arith.constant 0 : i32
      %dma_start3A_84 = tpu.memref_slice %arg6[%dma_start3A_82, %dma_start3A_83] : memref<10240x16xf32, #tpu.memory_space<vmem_shared>> -> memref<10240x16xf32, #tpu.memory_space<vmem_shared>>
      tpu.enqueue_indirect_dma source(%arg5 : memref<128x16xf32, #tpu.memory_space<vmem>>) target(%dma_start3A_84 : memref<10240x16xf32, #tpu.memory_space<vmem_shared>>) offsets(%dma_start3A_81 : memref<128xi32, #tpu.memory_space<vmem>>) semaphore(%arg7 : memref<!tpu.dma_semaphore, #tpu.memory_space<semaphore_mem>>) {add = true}
      %mul3A_85 = arith.constant 8 : i32
      %mul3A_86 = arith.muli %scan3A_64, %mul3A_85 : i32
      %add3A_87 = arith.constant 2 : i32
      %add3A_88 = arith.addi %mul3A_86, %add3A_87 : i32
      %dma_start3A_89 = arith.constant 0 : i32
      %dma_start3A_90 = tpu.memref_slice %arg4[%add3A_88, %dma_start3A_89] : memref<40x128xi32, #tpu.memory_space<vmem>> -> memref<1x128xi32, #tpu.memory_space<vmem>>
      %dma_start3A_91 = tpu.memref_squeeze %dma_start3A_90 : memref<1x128xi32, #tpu.memory_space<vmem>> -> memref<128xi32, #tpu.memory_space<vmem>>
      %dma_start3A_92 = arith.constant 0 : i32
      %dma_start3A_93 = arith.constant 0 : i32
      %dma_start3A_94 = tpu.memref_slice %arg6[%dma_start3A_92, %dma_start3A_93] : memref<10240x16xf32, #tpu.memory_space<vmem_shared>> -> memref<10240x16xf32, #tpu.memory_space<vmem_shared>>
      tpu.enqueue_indirect_dma source(%arg5 : memref<128x16xf32, #tpu.memory_space<vmem>>) target(%dma_start3A_94 : memref<10240x16xf32, #tpu.memory_space<vmem_shared>>) offsets(%dma_start3A_91 : memref<128xi32, #tpu.memory_space<vmem>>) semaphore(%arg7 : memref<!tpu.dma_semaphore, #tpu.memory_space<semaphore_mem>>) {add = true}
      %mul3A_95 = arith.constant 8 : i32
      %mul3A_96 = arith.muli %scan3A_64, %mul3A_95 : i32
      %add3A_97 = arith.constant 3 : i32
      %add3A_98 = arith.addi %mul3A_96, %add3A_97 : i32
      %dma_start3A_99 = arith.constant 0 : i32
      %dma_start3A_100 = tpu.memref_slice %arg4[%add3A_98, %dma_start3A_99] : memref<40x128xi32, #tpu.memory_space<vmem>> -> memref<1x128xi32, #tpu.memory_space<vmem>>
      %dma_start3A_101 = tpu.memref_squeeze %dma_start3A_100 : memref<1x128xi32, #tpu.memory_space<vmem>> -> memref<128xi32, #tpu.memory_space<vmem>>
      %dma_start3A_102 = arith.constant 0 : i32
      %dma_start3A_103 = arith.constant 0 : i32
      %dma_start3A_104 = tpu.memref_slice %arg6[%dma_start3A_102, %dma_start3A_103] : memref<10240x16xf32, #tpu.memory_space<vmem_shared>> -> memref<10240x16xf32, #tpu.memory_space<vmem_shared>>
      tpu.enqueue_indirect_dma source(%arg5 : memref<128x16xf32, #tpu.memory_space<vmem>>) target(%dma_start3A_104 : memref<10240x16xf32, #tpu.memory_space<vmem_shared>>) offsets(%dma_start3A_101 : memref<128xi32, #tpu.memory_space<vmem>>) semaphore(%arg7 : memref<!tpu.dma_semaphore, #tpu.memory_space<semaphore_mem>>) {add = true}
      %mul3A_105 = arith.constant 8 : i32
      %mul3A_106 = arith.muli %scan3A_64, %mul3A_105 : i32
      %add3A_107 = arith.constant 4 : i32
      %add3A_108 = arith.addi %mul3A_106, %add3A_107 : i32
      %dma_start3A_109 = arith.constant 0 : i32
      %dma_start3A_110 = tpu.memref_slice %arg4[%add3A_108, %dma_start3A_109] : memref<40x128xi32, #tpu.memory_space<vmem>> -> memref<1x128xi32, #tpu.memory_space<vmem>>
      %dma_start3A_111 = tpu.memref_squeeze %dma_start3A_110 : memref<1x128xi32, #tpu.memory_space<vmem>> -> memref<128xi32, #tpu.memory_space<vmem>>
      %dma_start3A_112 = arith.constant 0 : i32
      %dma_start3A_113 = arith.constant 0 : i32
      %dma_start3A_114 = tpu.memref_slice %arg6[%dma_start3A_112, %dma_start3A_113] : memref<10240x16xf32, #tpu.memory_space<vmem_shared>> -> memref<10240x16xf32, #tpu.memory_space<vmem_shared>>
      tpu.enqueue_indirect_dma source(%arg5 : memref<128x16xf32, #tpu.memory_space<vmem>>) target(%dma_start3A_114 : memref<10240x16xf32, #tpu.memory_space<vmem_shared>>) offsets(%dma_start3A_111 : memref<128xi32, #tpu.memory_space<vmem>>) semaphore(%arg7 : memref<!tpu.dma_semaphore, #tpu.memory_space<semaphore_mem>>) {add = true}
      %mul3A_115 = arith.constant 8 : i32
      %mul3A_116 = arith.muli %scan3A_64, %mul3A_115 : i32
      %add3A_117 = arith.constant 5 : i32
      %add3A_118 = arith.addi %mul3A_116, %add3A_117 : i32
      %dma_start3A_119 = arith.constant 0 : i32
      %dma_start3A_120 = tpu.memref_slice %arg4[%add3A_118, %dma_start3A_119] : memref<40x128xi32, #tpu.memory_space<vmem>> -> memref<1x128xi32, #tpu.memory_space<vmem>>
      %dma_start3A_121 = tpu.memref_squeeze %dma_start3A_120 : memref<1x128xi32, #tpu.memory_space<vmem>> -> memref<128xi32, #tpu.memory_space<vmem>>
      %dma_start3A_122 = arith.constant 0 : i32
      %dma_start3A_123 = arith.constant 0 : i32
      %dma_start3A_124 = tpu.memref_slice %arg6[%dma_start3A_122, %dma_start3A_123] : memref<10240x16xf32, #tpu.memory_space<vmem_shared>> -> memref<10240x16xf32, #tpu.memory_space<vmem_shared>>
      tpu.enqueue_indirect_dma source(%arg5 : memref<128x16xf32, #tpu.memory_space<vmem>>) target(%dma_start3A_124 : memref<10240x16xf32, #tpu.memory_space<vmem_shared>>) offsets(%dma_start3A_121 : memref<128xi32, #tpu.memory_space<vmem>>) semaphore(%arg7 : memref<!tpu.dma_semaphore, #tpu.memory_space<semaphore_mem>>) {add = true}
      %mul3A_125 = arith.constant 8 : i32
      %mul3A_126 = arith.muli %scan3A_64, %mul3A_125 : i32
      %add3A_127 = arith.constant 6 : i32
      %add3A_128 = arith.addi %mul3A_126, %add3A_127 : i32
      %dma_start3A_129 = arith.constant 0 : i32
      %dma_start3A_130 = tpu.memref_slice %arg4[%add3A_128, %dma_start3A_129] : memref<40x128xi32, #tpu.memory_space<vmem>> -> memref<1x128xi32, #tpu.memory_space<vmem>>
      %dma_start3A_131 = tpu.memref_squeeze %dma_start3A_130 : memref<1x128xi32, #tpu.memory_space<vmem>> -> memref<128xi32, #tpu.memory_space<vmem>>
      %dma_start3A_132 = arith.constant 0 : i32
      %dma_start3A_133 = arith.constant 0 : i32
      %dma_start3A_134 = tpu.memref_slice %arg6[%dma_start3A_132, %dma_start3A_133] : memref<10240x16xf32, #tpu.memory_space<vmem_shared>> -> memref<10240x16xf32, #tpu.memory_space<vmem_shared>>
      tpu.enqueue_indirect_dma source(%arg5 : memref<128x16xf32, #tpu.memory_space<vmem>>) target(%dma_start3A_134 : memref<10240x16xf32, #tpu.memory_space<vmem_shared>>) offsets(%dma_start3A_131 : memref<128xi32, #tpu.memory_space<vmem>>) semaphore(%arg7 : memref<!tpu.dma_semaphore, #tpu.memory_space<semaphore_mem>>) {add = true}
      %mul3A_135 = arith.constant 8 : i32
      %mul3A_136 = arith.muli %scan3A_64, %mul3A_135 : i32
      %add3A_137 = arith.constant 7 : i32
      %add3A_138 = arith.addi %mul3A_136, %add3A_137 : i32
      %dma_start3A_139 = arith.constant 0 : i32
      %dma_start3A_140 = tpu.memref_slice %arg4[%add3A_138, %dma_start3A_139] : memref<40x128xi32, #tpu.memory_space<vmem>> -> memref<1x128xi32, #tpu.memory_space<vmem>>
      %dma_start3A_141 = tpu.memref_squeeze %dma_start3A_140 : memref<1x128xi32, #tpu.memory_space<vmem>> -> memref<128xi32, #tpu.memory_space<vmem>>
      %dma_start3A_142 = arith.constant 0 : i32
      %dma_start3A_143 = arith.constant 0 : i32
      %dma_start3A_144 = tpu.memref_slice %arg6[%dma_start3A_142, %dma_start3A_143] : memref<10240x16xf32, #tpu.memory_space<vmem_shared>> -> memref<10240x16xf32, #tpu.memory_space<vmem_shared>>
      tpu.enqueue_indirect_dma source(%arg5 : memref<128x16xf32, #tpu.memory_space<vmem>>) target(%dma_start3A_144 : memref<10240x16xf32, #tpu.memory_space<vmem_shared>>) offsets(%dma_start3A_141 : memref<128xi32, #tpu.memory_space<vmem>>) semaphore(%arg7 : memref<!tpu.dma_semaphore, #tpu.memory_space<semaphore_mem>>) {add = true}
      %mul3A_145 = arith.constant 8 : i32
      %mul3A_146 = arith.muli %scan3A_64, %mul3A_145 : i32
      %add3A_147 = arith.constant 0 : i32
      %add3A_148 = arith.addi %mul3A_146, %add3A_147 : i32
      %dma_wait3A = arith.constant 0 : i32
      %dma_wait3A_149 = tpu.memref_slice %arg4[%add3A_148, %dma_wait3A] : memref<40x128xi32, #tpu.memory_space<vmem>> -> memref<1x128xi32, #tpu.memory_space<vmem>>
      %dma_wait3A_150 = tpu.memref_squeeze %dma_wait3A_149 : memref<1x128xi32, #tpu.memory_space<vmem>> -> memref<128xi32, #tpu.memory_space<vmem>>
      %dma_wait3A_151 = arith.constant 0 : i32
      %dma_wait3A_152 = arith.constant 0 : i32
      %dma_wait3A_153 = tpu.memref_slice %arg6[%dma_wait3A_151, %dma_wait3A_152] : memref<10240x16xf32, #tpu.memory_space<vmem_shared>> -> memref<10240x16xf32, #tpu.memory_space<vmem_shared>>
      tpu.wait_indirect_dma semaphore(%arg7 : memref<!tpu.dma_semaphore, #tpu.memory_space<semaphore_mem>>) src(%arg5 : memref<128x16xf32, #tpu.memory_space<vmem>>) dst(%dma_wait3A_153 : memref<10240x16xf32, #tpu.memory_space<vmem_shared>>)
      %mul3A_154 = arith.constant 8 : i32
      %mul3A_155 = arith.muli %scan3A_64, %mul3A_154 : i32
      %add3A_156 = arith.constant 1 : i32
      %add3A_157 = arith.addi %mul3A_155, %add3A_156 : i32
      %dma_wait3A_158 = arith.constant 0 : i32
      %dma_wait3A_159 = tpu.memref_slice %arg4[%add3A_157, %dma_wait3A_158] : memref<40x128xi32, #tpu.memory_space<vmem>> -> memref<1x128xi32, #tpu.memory_space<vmem>>
      %dma_wait3A_160 = tpu.memref_squeeze %dma_wait3A_159 : memref<1x128xi32, #tpu.memory_space<vmem>> -> memref<128xi32, #tpu.memory_space<vmem>>
      %dma_wait3A_161 = arith.constant 0 : i32
      %dma_wait3A_162 = arith.constant 0 : i32
      %dma_wait3A_163 = tpu.memref_slice %arg6[%dma_wait3A_161, %dma_wait3A_162] : memref<10240x16xf32, #tpu.memory_space<vmem_shared>> -> memref<10240x16xf32, #tpu.memory_space<vmem_shared>>
      tpu.wait_indirect_dma semaphore(%arg7 : memref<!tpu.dma_semaphore, #tpu.memory_space<semaphore_mem>>) src(%arg5 : memref<128x16xf32, #tpu.memory_space<vmem>>) dst(%dma_wait3A_163 : memref<10240x16xf32, #tpu.memory_space<vmem_shared>>)
      %mul3A_164 = arith.constant 8 : i32
      %mul3A_165 = arith.muli %scan3A_64, %mul3A_164 : i32
      %add3A_166 = arith.constant 2 : i32
      %add3A_167 = arith.addi %mul3A_165, %add3A_166 : i32
      %dma_wait3A_168 = arith.constant 0 : i32
      %dma_wait3A_169 = tpu.memref_slice %arg4[%add3A_167, %dma_wait3A_168] : memref<40x128xi32, #tpu.memory_space<vmem>> -> memref<1x128xi32, #tpu.memory_space<vmem>>
      %dma_wait3A_170 = tpu.memref_squeeze %dma_wait3A_169 : memref<1x128xi32, #tpu.memory_space<vmem>> -> memref<128xi32, #tpu.memory_space<vmem>>
      %dma_wait3A_171 = arith.constant 0 : i32
      %dma_wait3A_172 = arith.constant 0 : i32
      %dma_wait3A_173 = tpu.memref_slice %arg6[%dma_wait3A_171, %dma_wait3A_172] : memref<10240x16xf32, #tpu.memory_space<vmem_shared>> -> memref<10240x16xf32, #tpu.memory_space<vmem_shared>>
      tpu.wait_indirect_dma semaphore(%arg7 : memref<!tpu.dma_semaphore, #tpu.memory_space<semaphore_mem>>) src(%arg5 : memref<128x16xf32, #tpu.memory_space<vmem>>) dst(%dma_wait3A_173 : memref<10240x16xf32, #tpu.memory_space<vmem_shared>>)
      %mul3A_174 = arith.constant 8 : i32
      %mul3A_175 = arith.muli %scan3A_64, %mul3A_174 : i32
      %add3A_176 = arith.constant 3 : i32
      %add3A_177 = arith.addi %mul3A_175, %add3A_176 : i32
      %dma_wait3A_178 = arith.constant 0 : i32
      %dma_wait3A_179 = tpu.memref_slice %arg4[%add3A_177, %dma_wait3A_178] : memref<40x128xi32, #tpu.memory_space<vmem>> -> memref<1x128xi32, #tpu.memory_space<vmem>>
      %dma_wait3A_180 = tpu.memref_squeeze %dma_wait3A_179 : memref<1x128xi32, #tpu.memory_space<vmem>> -> memref<128xi32, #tpu.memory_space<vmem>>
      %dma_wait3A_181 = arith.constant 0 : i32
      %dma_wait3A_182 = arith.constant 0 : i32
      %dma_wait3A_183 = tpu.memref_slice %arg6[%dma_wait3A_181, %dma_wait3A_182] : memref<10240x16xf32, #tpu.memory_space<vmem_shared>> -> memref<10240x16xf32, #tpu.memory_space<vmem_shared>>
      tpu.wait_indirect_dma semaphore(%arg7 : memref<!tpu.dma_semaphore, #tpu.memory_space<semaphore_mem>>) src(%arg5 : memref<128x16xf32, #tpu.memory_space<vmem>>) dst(%dma_wait3A_183 : memref<10240x16xf32, #tpu.memory_space<vmem_shared>>)
      %mul3A_184 = arith.constant 8 : i32
      %mul3A_185 = arith.muli %scan3A_64, %mul3A_184 : i32
      %add3A_186 = arith.constant 4 : i32
      %add3A_187 = arith.addi %mul3A_185, %add3A_186 : i32
      %dma_wait3A_188 = arith.constant 0 : i32
      %dma_wait3A_189 = tpu.memref_slice %arg4[%add3A_187, %dma_wait3A_188] : memref<40x128xi32, #tpu.memory_space<vmem>> -> memref<1x128xi32, #tpu.memory_space<vmem>>
      %dma_wait3A_190 = tpu.memref_squeeze %dma_wait3A_189 : memref<1x128xi32, #tpu.memory_space<vmem>> -> memref<128xi32, #tpu.memory_space<vmem>>
      %dma_wait3A_191 = arith.constant 0 : i32
      %dma_wait3A_192 = arith.constant 0 : i32
      %dma_wait3A_193 = tpu.memref_slice %arg6[%dma_wait3A_191, %dma_wait3A_192] : memref<10240x16xf32, #tpu.memory_space<vmem_shared>> -> memref<10240x16xf32, #tpu.memory_space<vmem_shared>>
      tpu.wait_indirect_dma semaphore(%arg7 : memref<!tpu.dma_semaphore, #tpu.memory_space<semaphore_mem>>) src(%arg5 : memref<128x16xf32, #tpu.memory_space<vmem>>) dst(%dma_wait3A_193 : memref<10240x16xf32, #tpu.memory_space<vmem_shared>>)
      %mul3A_194 = arith.constant 8 : i32
      %mul3A_195 = arith.muli %scan3A_64, %mul3A_194 : i32
      %add3A_196 = arith.constant 5 : i32
      %add3A_197 = arith.addi %mul3A_195, %add3A_196 : i32
      %dma_wait3A_198 = arith.constant 0 : i32
      %dma_wait3A_199 = tpu.memref_slice %arg4[%add3A_197, %dma_wait3A_198] : memref<40x128xi32, #tpu.memory_space<vmem>> -> memref<1x128xi32, #tpu.memory_space<vmem>>
      %dma_wait3A_200 = tpu.memref_squeeze %dma_wait3A_199 : memref<1x128xi32, #tpu.memory_space<vmem>> -> memref<128xi32, #tpu.memory_space<vmem>>
      %dma_wait3A_201 = arith.constant 0 : i32
      %dma_wait3A_202 = arith.constant 0 : i32
      %dma_wait3A_203 = tpu.memref_slice %arg6[%dma_wait3A_201, %dma_wait3A_202] : memref<10240x16xf32, #tpu.memory_space<vmem_shared>> -> memref<10240x16xf32, #tpu.memory_space<vmem_shared>>
      tpu.wait_indirect_dma semaphore(%arg7 : memref<!tpu.dma_semaphore, #tpu.memory_space<semaphore_mem>>) src(%arg5 : memref<128x16xf32, #tpu.memory_space<vmem>>) dst(%dma_wait3A_203 : memref<10240x16xf32, #tpu.memory_space<vmem_shared>>)
      %mul3A_204 = arith.constant 8 : i32
      %mul3A_205 = arith.muli %scan3A_64, %mul3A_204 : i32
      %add3A_206 = arith.constant 6 : i32
      %add3A_207 = arith.addi %mul3A_205, %add3A_206 : i32
      %dma_wait3A_208 = arith.constant 0 : i32
      %dma_wait3A_209 = tpu.memref_slice %arg4[%add3A_207, %dma_wait3A_208] : memref<40x128xi32, #tpu.memory_space<vmem>> -> memref<1x128xi32, #tpu.memory_space<vmem>>
      %dma_wait3A_210 = tpu.memref_squeeze %dma_wait3A_209 : memref<1x128xi32, #tpu.memory_space<vmem>> -> memref<128xi32, #tpu.memory_space<vmem>>
      %dma_wait3A_211 = arith.constant 0 : i32
      %dma_wait3A_212 = arith.constant 0 : i32
      %dma_wait3A_213 = tpu.memref_slice %arg6[%dma_wait3A_211, %dma_wait3A_212] : memref<10240x16xf32, #tpu.memory_space<vmem_shared>> -> memref<10240x16xf32, #tpu.memory_space<vmem_shared>>
      tpu.wait_indirect_dma semaphore(%arg7 : memref<!tpu.dma_semaphore, #tpu.memory_space<semaphore_mem>>) src(%arg5 : memref<128x16xf32, #tpu.memory_space<vmem>>) dst(%dma_wait3A_213 : memref<10240x16xf32, #tpu.memory_space<vmem_shared>>)
      %mul3A_214 = arith.constant 8 : i32
      %mul3A_215 = arith.muli %scan3A_64, %mul3A_214 : i32
      %add3A_216 = arith.constant 7 : i32
      %add3A_217 = arith.addi %mul3A_215, %add3A_216 : i32
      %dma_wait3A_218 = arith.constant 0 : i32
      %dma_wait3A_219 = tpu.memref_slice %arg4[%add3A_217, %dma_wait3A_218] : memref<40x128xi32, #tpu.memory_space<vmem>> -> memref<1x128xi32, #tpu.memory_space<vmem>>
      %dma_wait3A_220 = tpu.memref_squeeze %dma_wait3A_219 : memref<1x128xi32, #tpu.memory_space<vmem>> -> memref<128xi32, #tpu.memory_space<vmem>>
      %dma_wait3A_221 = arith.constant 0 : i32
      %dma_wait3A_222 = arith.constant 0 : i32
      %dma_wait3A_223 = tpu.memref_slice %arg6[%dma_wait3A_221, %dma_wait3A_222] : memref<10240x16xf32, #tpu.memory_space<vmem_shared>> -> memref<10240x16xf32, #tpu.memory_space<vmem_shared>>
      tpu.wait_indirect_dma semaphore(%arg7 : memref<!tpu.dma_semaphore, #tpu.memory_space<semaphore_mem>>) src(%arg5 : memref<128x16xf32, #tpu.memory_space<vmem>>) dst(%dma_wait3A_223 : memref<10240x16xf32, #tpu.memory_space<vmem_shared>>)
      %scan3A_224 = arith.constant 0 : i32
      scf.yield %scan3A_224 : i32
    }
    %scan3A_42 = arith.constant 5 : i32
    %barrier3A_43 = arith.constant 0 : index
    tpu.barrier barrier_id(%barrier3A_43)
    %mul3A_44 = arith.constant 640 : i32
    %mul3A_45 = arith.muli %arg1, %mul3A_44 : i32
    %add3A_46 = arith.constant 0 : i32
    %add3A_47 = arith.addi %mul3A_45, %add3A_46 : i32
    "tpu.region"() ({
      %run_scoped3A = tpu.sem_alloc : memref<!tpu.dma_semaphore, #tpu.memory_space<semaphore_mem>>
      %dma_start3A = arith.constant 0 : i32
      %dma_start3A_64 = tpu.memref_slice %arg6[%add3A_47, %dma_start3A] : memref<10240x16xf32, #tpu.memory_space<vmem_shared>> -> memref<128x16xf32, #tpu.memory_space<vmem_shared>>
      %dma_start3A_65 = arith.constant 0 : i32
      %dma_start3A_66 = tpu.memref_slice %arg6[%add3A_47, %dma_start3A_65] : memref<10240x16xf32, #tpu.memory_space<vmem_shared>> -> memref<128x16xf32, #tpu.memory_space<vmem_shared>>
      tpu.enqueue_dma source(%dma_start3A_66 : memref<128x16xf32, #tpu.memory_space<vmem_shared>>) target(%arg5 : memref<128x16xf32, #tpu.memory_space<vmem>>) target_semaphore(%run_scoped3A : memref<!tpu.dma_semaphore, #tpu.memory_space<semaphore_mem>>)
      %dma_wait3A = arith.constant 0 : i32
      %dma_wait3A_67 = tpu.memref_slice %arg6[%add3A_47, %dma_wait3A] : memref<10240x16xf32, #tpu.memory_space<vmem_shared>> -> memref<128x16xf32, #tpu.memory_space<vmem_shared>>
      %dma_wait3A_68 = arith.constant 0 : i32
      %dma_wait3A_69 = tpu.memref_slice %arg6[%add3A_47, %dma_wait3A_68] : memref<10240x16xf32, #tpu.memory_space<vmem_shared>> -> memref<128x16xf32, #tpu.memory_space<vmem_shared>>
      tpu.wait_dma2 semaphore(%run_scoped3A : memref<!tpu.dma_semaphore, #tpu.memory_space<semaphore_mem>>) src(%dma_wait3A_69 : memref<128x16xf32, #tpu.memory_space<vmem_shared>>) dst(%arg5 : memref<128x16xf32, #tpu.memory_space<vmem>>)
      tpu.yield
    }) : () -> ()
    "tpu.region"() ({
      %run_scoped3A = tpu.sem_alloc : memref<!tpu.dma_semaphore, #tpu.memory_space<semaphore_mem>>
      %dma_start3A = arith.constant 0 : i32
      %dma_start3A_64 = tpu.memref_slice %arg3[%arg0, %add3A_47, %dma_start3A] : memref<2x10240x16xf32, #tpu.memory_space<hbm>> -> memref<1x128x16xf32, #tpu.memory_space<hbm>>
      %dma_start3A_65 = tpu.memref_squeeze %dma_start3A_64 : memref<1x128x16xf32, #tpu.memory_space<hbm>> -> memref<128x16xf32, #tpu.memory_space<hbm>>
      %dma_start3A_66 = arith.constant 0 : i32
      %dma_start3A_67 = tpu.memref_slice %arg3[%arg0, %add3A_47, %dma_start3A_66] : memref<2x10240x16xf32, #tpu.memory_space<hbm>> -> memref<1x128x16xf32, #tpu.memory_space<hbm>>
      %dma_start3A_68 = tpu.memref_squeeze %dma_start3A_67 : memref<1x128x16xf32, #tpu.memory_space<hbm>> -> memref<128x16xf32, #tpu.memory_space<hbm>>
      tpu.enqueue_dma source(%arg5 : memref<128x16xf32, #tpu.memory_space<vmem>>) target(%dma_start3A_68 : memref<128x16xf32, #tpu.memory_space<hbm>>) target_semaphore(%run_scoped3A : memref<!tpu.dma_semaphore, #tpu.memory_space<semaphore_mem>>)
      %dma_wait3A = arith.constant 0 : i32
      %dma_wait3A_69 = tpu.memref_slice %arg3[%arg0, %add3A_47, %dma_wait3A] : memref<2x10240x16xf32, #tpu.memory_space<hbm>> -> memref<1x128x16xf32, #tpu.memory_space<hbm>>
      %dma_wait3A_70 = tpu.memref_squeeze %dma_wait3A_69 : memref<1x128x16xf32, #tpu.memory_space<hbm>> -> memref<128x16xf32, #tpu.memory_space<hbm>>
      %dma_wait3A_71 = arith.constant 0 : i32
      %dma_wait3A_72 = tpu.memref_slice %arg3[%arg0, %add3A_47, %dma_wait3A_71] : memref<2x10240x16xf32, #tpu.memory_space<hbm>> -> memref<1x128x16xf32, #tpu.memory_space<hbm>>
      %dma_wait3A_73 = tpu.memref_squeeze %dma_wait3A_72 : memref<1x128x16xf32, #tpu.memory_space<hbm>> -> memref<128x16xf32, #tpu.memory_space<hbm>>
      tpu.wait_dma2 semaphore(%run_scoped3A : memref<!tpu.dma_semaphore, #tpu.memory_space<semaphore_mem>>) src(%arg5 : memref<128x16xf32, #tpu.memory_space<vmem>>) dst(%dma_wait3A_73 : memref<128x16xf32, #tpu.memory_space<hbm>>)
      tpu.yield
    }) : () -> ()
    %mul3A_48 = arith.constant 640 : i32
    %mul3A_49 = arith.muli %arg1, %mul3A_48 : i32
    %add3A_50 = arith.constant 128 : i32
    %add3A_51 = arith.addi %mul3A_49, %add3A_50 : i32
    "tpu.region"() ({
      %run_scoped3A = tpu.sem_alloc : memref<!tpu.dma_semaphore, #tpu.memory_space<semaphore_mem>>
      %dma_start3A = arith.constant 0 : i32
      %dma_start3A_64 = tpu.memref_slice %arg6[%add3A_51, %dma_start3A] : memref<10240x16xf32, #tpu.memory_space<vmem_shared>> -> memref<128x16xf32, #tpu.memory_space<vmem_shared>>
      %dma_start3A_65 = arith.constant 0 : i32
      %dma_start3A_66 = tpu.memref_slice %arg6[%add3A_51, %dma_start3A_65] : memref<10240x16xf32, #tpu.memory_space<vmem_shared>> -> memref<128x16xf32, #tpu.memory_space<vmem_shared>>
      tpu.enqueue_dma source(%dma_start3A_66 : memref<128x16xf32, #tpu.memory_space<vmem_shared>>) target(%arg5 : memref<128x16xf32, #tpu.memory_space<vmem>>) target_semaphore(%run_scoped3A : memref<!tpu.dma_semaphore, #tpu.memory_space<semaphore_mem>>)
      %dma_wait3A = arith.constant 0 : i32
      %dma_wait3A_67 = tpu.memref_slice %arg6[%add3A_51, %dma_wait3A] : memref<10240x16xf32, #tpu.memory_space<vmem_shared>> -> memref<128x16xf32, #tpu.memory_space<vmem_shared>>
      %dma_wait3A_68 = arith.constant 0 : i32
      %dma_wait3A_69 = tpu.memref_slice %arg6[%add3A_51, %dma_wait3A_68] : memref<10240x16xf32, #tpu.memory_space<vmem_shared>> -> memref<128x16xf32, #tpu.memory_space<vmem_shared>>
      tpu.wait_dma2 semaphore(%run_scoped3A : memref<!tpu.dma_semaphore, #tpu.memory_space<semaphore_mem>>) src(%dma_wait3A_69 : memref<128x16xf32, #tpu.memory_space<vmem_shared>>) dst(%arg5 : memref<128x16xf32, #tpu.memory_space<vmem>>)
      tpu.yield
    }) : () -> ()
    "tpu.region"() ({
      %run_scoped3A = tpu.sem_alloc : memref<!tpu.dma_semaphore, #tpu.memory_space<semaphore_mem>>
      %dma_start3A = arith.constant 0 : i32
      %dma_start3A_64 = tpu.memref_slice %arg3[%arg0, %add3A_51, %dma_start3A] : memref<2x10240x16xf32, #tpu.memory_space<hbm>> -> memref<1x128x16xf32, #tpu.memory_space<hbm>>
      %dma_start3A_65 = tpu.memref_squeeze %dma_start3A_64 : memref<1x128x16xf32, #tpu.memory_space<hbm>> -> memref<128x16xf32, #tpu.memory_space<hbm>>
      %dma_start3A_66 = arith.constant 0 : i32
      %dma_start3A_67 = tpu.memref_slice %arg3[%arg0, %add3A_51, %dma_start3A_66] : memref<2x10240x16xf32, #tpu.memory_space<hbm>> -> memref<1x128x16xf32, #tpu.memory_space<hbm>>
      %dma_start3A_68 = tpu.memref_squeeze %dma_start3A_67 : memref<1x128x16xf32, #tpu.memory_space<hbm>> -> memref<128x16xf32, #tpu.memory_space<hbm>>
      tpu.enqueue_dma source(%arg5 : memref<128x16xf32, #tpu.memory_space<vmem>>) target(%dma_start3A_68 : memref<128x16xf32, #tpu.memory_space<hbm>>) target_semaphore(%run_scoped3A : memref<!tpu.dma_semaphore, #tpu.memory_space<semaphore_mem>>)
      %dma_wait3A = arith.constant 0 : i32
      %dma_wait3A_69 = tpu.memref_slice %arg3[%arg0, %add3A_51, %dma_wait3A] : memref<2x10240x16xf32, #tpu.memory_space<hbm>> -> memref<1x128x16xf32, #tpu.memory_space<hbm>>
      %dma_wait3A_70 = tpu.memref_squeeze %dma_wait3A_69 : memref<1x128x16xf32, #tpu.memory_space<hbm>> -> memref<128x16xf32, #tpu.memory_space<hbm>>
      %dma_wait3A_71 = arith.constant 0 : i32
      %dma_wait3A_72 = tpu.memref_slice %arg3[%arg0, %add3A_51, %dma_wait3A_71] : memref<2x10240x16xf32, #tpu.memory_space<hbm>> -> memref<1x128x16xf32, #tpu.memory_space<hbm>>
      %dma_wait3A_73 = tpu.memref_squeeze %dma_wait3A_72 : memref<1x128x16xf32, #tpu.memory_space<hbm>> -> memref<128x16xf32, #tpu.memory_space<hbm>>
      tpu.wait_dma2 semaphore(%run_scoped3A : memref<!tpu.dma_semaphore, #tpu.memory_space<semaphore_mem>>) src(%arg5 : memref<128x16xf32, #tpu.memory_space<vmem>>) dst(%dma_wait3A_73 : memref<128x16xf32, #tpu.memory_space<hbm>>)
      tpu.yield
    }) : () -> ()
    %mul3A_52 = arith.constant 640 : i32
    %mul3A_53 = arith.muli %arg1, %mul3A_52 : i32
    %add3A_54 = arith.constant 256 : i32
    %add3A_55 = arith.addi %mul3A_53, %add3A_54 : i32
    "tpu.region"() ({
      %run_scoped3A = tpu.sem_alloc : memref<!tpu.dma_semaphore, #tpu.memory_space<semaphore_mem>>
      %dma_start3A = arith.constant 0 : i32
      %dma_start3A_64 = tpu.memref_slice %arg6[%add3A_55, %dma_start3A] : memref<10240x16xf32, #tpu.memory_space<vmem_shared>> -> memref<128x16xf32, #tpu.memory_space<vmem_shared>>
      %dma_start3A_65 = arith.constant 0 : i32
      %dma_start3A_66 = tpu.memref_slice %arg6[%add3A_55, %dma_start3A_65] : memref<10240x16xf32, #tpu.memory_space<vmem_shared>> -> memref<128x16xf32, #tpu.memory_space<vmem_shared>>
      tpu.enqueue_dma source(%dma_start3A_66 : memref<128x16xf32, #tpu.memory_space<vmem_shared>>) target(%arg5 : memref<128x16xf32, #tpu.memory_space<vmem>>) target_semaphore(%run_scoped3A : memref<!tpu.dma_semaphore, #tpu.memory_space<semaphore_mem>>)
      %dma_wait3A = arith.constant 0 : i32
      %dma_wait3A_67 = tpu.memref_slice %arg6[%add3A_55, %dma_wait3A] : memref<10240x16xf32, #tpu.memory_space<vmem_shared>> -> memref<128x16xf32, #tpu.memory_space<vmem_shared>>
      %dma_wait3A_68 = arith.constant 0 : i32
      %dma_wait3A_69 = tpu.memref_slice %arg6[%add3A_55, %dma_wait3A_68] : memref<10240x16xf32, #tpu.memory_space<vmem_shared>> -> memref<128x16xf32, #tpu.memory_space<vmem_shared>>
      tpu.wait_dma2 semaphore(%run_scoped3A : memref<!tpu.dma_semaphore, #tpu.memory_space<semaphore_mem>>) src(%dma_wait3A_69 : memref<128x16xf32, #tpu.memory_space<vmem_shared>>) dst(%arg5 : memref<128x16xf32, #tpu.memory_space<vmem>>)
      tpu.yield
    }) : () -> ()
    "tpu.region"() ({
      %run_scoped3A = tpu.sem_alloc : memref<!tpu.dma_semaphore, #tpu.memory_space<semaphore_mem>>
      %dma_start3A = arith.constant 0 : i32
      %dma_start3A_64 = tpu.memref_slice %arg3[%arg0, %add3A_55, %dma_start3A] : memref<2x10240x16xf32, #tpu.memory_space<hbm>> -> memref<1x128x16xf32, #tpu.memory_space<hbm>>
      %dma_start3A_65 = tpu.memref_squeeze %dma_start3A_64 : memref<1x128x16xf32, #tpu.memory_space<hbm>> -> memref<128x16xf32, #tpu.memory_space<hbm>>
      %dma_start3A_66 = arith.constant 0 : i32
      %dma_start3A_67 = tpu.memref_slice %arg3[%arg0, %add3A_55, %dma_start3A_66] : memref<2x10240x16xf32, #tpu.memory_space<hbm>> -> memref<1x128x16xf32, #tpu.memory_space<hbm>>
      %dma_start3A_68 = tpu.memref_squeeze %dma_start3A_67 : memref<1x128x16xf32, #tpu.memory_space<hbm>> -> memref<128x16xf32, #tpu.memory_space<hbm>>
      tpu.enqueue_dma source(%arg5 : memref<128x16xf32, #tpu.memory_space<vmem>>) target(%dma_start3A_68 : memref<128x16xf32, #tpu.memory_space<hbm>>) target_semaphore(%run_scoped3A : memref<!tpu.dma_semaphore, #tpu.memory_space<semaphore_mem>>)
      %dma_wait3A = arith.constant 0 : i32
      %dma_wait3A_69 = tpu.memref_slice %arg3[%arg0, %add3A_55, %dma_wait3A] : memref<2x10240x16xf32, #tpu.memory_space<hbm>> -> memref<1x128x16xf32, #tpu.memory_space<hbm>>
      %dma_wait3A_70 = tpu.memref_squeeze %dma_wait3A_69 : memref<1x128x16xf32, #tpu.memory_space<hbm>> -> memref<128x16xf32, #tpu.memory_space<hbm>>
      %dma_wait3A_71 = arith.constant 0 : i32
      %dma_wait3A_72 = tpu.memref_slice %arg3[%arg0, %add3A_55, %dma_wait3A_71] : memref<2x10240x16xf32, #tpu.memory_space<hbm>> -> memref<1x128x16xf32, #tpu.memory_space<hbm>>
      %dma_wait3A_73 = tpu.memref_squeeze %dma_wait3A_72 : memref<1x128x16xf32, #tpu.memory_space<hbm>> -> memref<128x16xf32, #tpu.memory_space<hbm>>
      tpu.wait_dma2 semaphore(%run_scoped3A : memref<!tpu.dma_semaphore, #tpu.memory_space<semaphore_mem>>) src(%arg5 : memref<128x16xf32, #tpu.memory_space<vmem>>) dst(%dma_wait3A_73 : memref<128x16xf32, #tpu.memory_space<hbm>>)
      tpu.yield
    }) : () -> ()
    %mul3A_56 = arith.constant 640 : i32
    %mul3A_57 = arith.muli %arg1, %mul3A_56 : i32
    %add3A_58 = arith.constant 384 : i32
    %add3A_59 = arith.addi %mul3A_57, %add3A_58 : i32
    "tpu.region"() ({
      %run_scoped3A = tpu.sem_alloc : memref<!tpu.dma_semaphore, #tpu.memory_space<semaphore_mem>>
      %dma_start3A = arith.constant 0 : i32
      %dma_start3A_64 = tpu.memref_slice %arg6[%add3A_59, %dma_start3A] : memref<10240x16xf32, #tpu.memory_space<vmem_shared>> -> memref<128x16xf32, #tpu.memory_space<vmem_shared>>
      %dma_start3A_65 = arith.constant 0 : i32
      %dma_start3A_66 = tpu.memref_slice %arg6[%add3A_59, %dma_start3A_65] : memref<10240x16xf32, #tpu.memory_space<vmem_shared>> -> memref<128x16xf32, #tpu.memory_space<vmem_shared>>
      tpu.enqueue_dma source(%dma_start3A_66 : memref<128x16xf32, #tpu.memory_space<vmem_shared>>) target(%arg5 : memref<128x16xf32, #tpu.memory_space<vmem>>) target_semaphore(%run_scoped3A : memref<!tpu.dma_semaphore, #tpu.memory_space<semaphore_mem>>)
      %dma_wait3A = arith.constant 0 : i32
      %dma_wait3A_67 = tpu.memref_slice %arg6[%add3A_59, %dma_wait3A] : memref<10240x16xf32, #tpu.memory_space<vmem_shared>> -> memref<128x16xf32, #tpu.memory_space<vmem_shared>>
      %dma_wait3A_68 = arith.constant 0 : i32
      %dma_wait3A_69 = tpu.memref_slice %arg6[%add3A_59, %dma_wait3A_68] : memref<10240x16xf32, #tpu.memory_space<vmem_shared>> -> memref<128x16xf32, #tpu.memory_space<vmem_shared>>
      tpu.wait_dma2 semaphore(%run_scoped3A : memref<!tpu.dma_semaphore, #tpu.memory_space<semaphore_mem>>) src(%dma_wait3A_69 : memref<128x16xf32, #tpu.memory_space<vmem_shared>>) dst(%arg5 : memref<128x16xf32, #tpu.memory_space<vmem>>)
      tpu.yield
    }) : () -> ()
    "tpu.region"() ({
      %run_scoped3A = tpu.sem_alloc : memref<!tpu.dma_semaphore, #tpu.memory_space<semaphore_mem>>
      %dma_start3A = arith.constant 0 : i32
      %dma_start3A_64 = tpu.memref_slice %arg3[%arg0, %add3A_59, %dma_start3A] : memref<2x10240x16xf32, #tpu.memory_space<hbm>> -> memref<1x128x16xf32, #tpu.memory_space<hbm>>
      %dma_start3A_65 = tpu.memref_squeeze %dma_start3A_64 : memref<1x128x16xf32, #tpu.memory_space<hbm>> -> memref<128x16xf32, #tpu.memory_space<hbm>>
      %dma_start3A_66 = arith.constant 0 : i32
      %dma_start3A_67 = tpu.memref_slice %arg3[%arg0, %add3A_59, %dma_start3A_66] : memref<2x10240x16xf32, #tpu.memory_space<hbm>> -> memref<1x128x16xf32, #tpu.memory_space<hbm>>
      %dma_start3A_68 = tpu.memref_squeeze %dma_start3A_67 : memref<1x128x16xf32, #tpu.memory_space<hbm>> -> memref<128x16xf32, #tpu.memory_space<hbm>>
      tpu.enqueue_dma source(%arg5 : memref<128x16xf32, #tpu.memory_space<vmem>>) target(%dma_start3A_68 : memref<128x16xf32, #tpu.memory_space<hbm>>) target_semaphore(%run_scoped3A : memref<!tpu.dma_semaphore, #tpu.memory_space<semaphore_mem>>)
      %dma_wait3A = arith.constant 0 : i32
      %dma_wait3A_69 = tpu.memref_slice %arg3[%arg0, %add3A_59, %dma_wait3A] : memref<2x10240x16xf32, #tpu.memory_space<hbm>> -> memref<1x128x16xf32, #tpu.memory_space<hbm>>
      %dma_wait3A_70 = tpu.memref_squeeze %dma_wait3A_69 : memref<1x128x16xf32, #tpu.memory_space<hbm>> -> memref<128x16xf32, #tpu.memory_space<hbm>>
      %dma_wait3A_71 = arith.constant 0 : i32
      %dma_wait3A_72 = tpu.memref_slice %arg3[%arg0, %add3A_59, %dma_wait3A_71] : memref<2x10240x16xf32, #tpu.memory_space<hbm>> -> memref<1x128x16xf32, #tpu.memory_space<hbm>>
      %dma_wait3A_73 = tpu.memref_squeeze %dma_wait3A_72 : memref<1x128x16xf32, #tpu.memory_space<hbm>> -> memref<128x16xf32, #tpu.memory_space<hbm>>
      tpu.wait_dma2 semaphore(%run_scoped3A : memref<!tpu.dma_semaphore, #tpu.memory_space<semaphore_mem>>) src(%arg5 : memref<128x16xf32, #tpu.memory_space<vmem>>) dst(%dma_wait3A_73 : memref<128x16xf32, #tpu.memory_space<hbm>>)
      tpu.yield
    }) : () -> ()
    %mul3A_60 = arith.constant 640 : i32
    %mul3A_61 = arith.muli %arg1, %mul3A_60 : i32
    %add3A_62 = arith.constant 512 : i32
    %add3A_63 = arith.addi %mul3A_61, %add3A_62 : i32
    "tpu.region"() ({
      %run_scoped3A = tpu.sem_alloc : memref<!tpu.dma_semaphore, #tpu.memory_space<semaphore_mem>>
      %dma_start3A = arith.constant 0 : i32
      %dma_start3A_64 = tpu.memref_slice %arg6[%add3A_63, %dma_start3A] : memref<10240x16xf32, #tpu.memory_space<vmem_shared>> -> memref<128x16xf32, #tpu.memory_space<vmem_shared>>
      %dma_start3A_65 = arith.constant 0 : i32
      %dma_start3A_66 = tpu.memref_slice %arg6[%add3A_63, %dma_start3A_65] : memref<10240x16xf32, #tpu.memory_space<vmem_shared>> -> memref<128x16xf32, #tpu.memory_space<vmem_shared>>
      tpu.enqueue_dma source(%dma_start3A_66 : memref<128x16xf32, #tpu.memory_space<vmem_shared>>) target(%arg5 : memref<128x16xf32, #tpu.memory_space<vmem>>) target_semaphore(%run_scoped3A : memref<!tpu.dma_semaphore, #tpu.memory_space<semaphore_mem>>)
      %dma_wait3A = arith.constant 0 : i32
      %dma_wait3A_67 = tpu.memref_slice %arg6[%add3A_63, %dma_wait3A] : memref<10240x16xf32, #tpu.memory_space<vmem_shared>> -> memref<128x16xf32, #tpu.memory_space<vmem_shared>>
      %dma_wait3A_68 = arith.constant 0 : i32
      %dma_wait3A_69 = tpu.memref_slice %arg6[%add3A_63, %dma_wait3A_68] : memref<10240x16xf32, #tpu.memory_space<vmem_shared>> -> memref<128x16xf32, #tpu.memory_space<vmem_shared>>
      tpu.wait_dma2 semaphore(%run_scoped3A : memref<!tpu.dma_semaphore, #tpu.memory_space<semaphore_mem>>) src(%dma_wait3A_69 : memref<128x16xf32, #tpu.memory_space<vmem_shared>>) dst(%arg5 : memref<128x16xf32, #tpu.memory_space<vmem>>)
      tpu.yield
    }) : () -> ()
    "tpu.region"() ({
      %run_scoped3A = tpu.sem_alloc : memref<!tpu.dma_semaphore, #tpu.memory_space<semaphore_mem>>
      %dma_start3A = arith.constant 0 : i32
      %dma_start3A_64 = tpu.memref_slice %arg3[%arg0, %add3A_63, %dma_start3A] : memref<2x10240x16xf32, #tpu.memory_space<hbm>> -> memref<1x128x16xf32, #tpu.memory_space<hbm>>
      %dma_start3A_65 = tpu.memref_squeeze %dma_start3A_64 : memref<1x128x16xf32, #tpu.memory_space<hbm>> -> memref<128x16xf32, #tpu.memory_space<hbm>>
      %dma_start3A_66 = arith.constant 0 : i32
      %dma_start3A_67 = tpu.memref_slice %arg3[%arg0, %add3A_63, %dma_start3A_66] : memref<2x10240x16xf32, #tpu.memory_space<hbm>> -> memref<1x128x16xf32, #tpu.memory_space<hbm>>
      %dma_start3A_68 = tpu.memref_squeeze %dma_start3A_67 : memref<1x128x16xf32, #tpu.memory_space<hbm>> -> memref<128x16xf32, #tpu.memory_space<hbm>>
      tpu.enqueue_dma source(%arg5 : memref<128x16xf32, #tpu.memory_space<vmem>>) target(%dma_start3A_68 : memref<128x16xf32, #tpu.memory_space<hbm>>) target_semaphore(%run_scoped3A : memref<!tpu.dma_semaphore, #tpu.memory_space<semaphore_mem>>)
      %dma_wait3A = arith.constant 0 : i32
      %dma_wait3A_69 = tpu.memref_slice %arg3[%arg0, %add3A_63, %dma_wait3A] : memref<2x10240x16xf32, #tpu.memory_space<hbm>> -> memref<1x128x16xf32, #tpu.memory_space<hbm>>
      %dma_wait3A_70 = tpu.memref_squeeze %dma_wait3A_69 : memref<1x128x16xf32, #tpu.memory_space<hbm>> -> memref<128x16xf32, #tpu.memory_space<hbm>>
      %dma_wait3A_71 = arith.constant 0 : i32
      %dma_wait3A_72 = tpu.memref_slice %arg3[%arg0, %add3A_63, %dma_wait3A_71] : memref<2x10240x16xf32, #tpu.memory_space<hbm>> -> memref<1x128x16xf32, #tpu.memory_space<hbm>>
      %dma_wait3A_73 = tpu.memref_squeeze %dma_wait3A_72 : memref<1x128x16xf32, #tpu.memory_space<hbm>> -> memref<128x16xf32, #tpu.memory_space<hbm>>
      tpu.wait_dma2 semaphore(%run_scoped3A : memref<!tpu.dma_semaphore, #tpu.memory_space<semaphore_mem>>) src(%arg5 : memref<128x16xf32, #tpu.memory_space<vmem>>) dst(%dma_wait3A_73 : memref<128x16xf32, #tpu.memory_space<hbm>>)
      tpu.yield
    }) : () -> ()
    return
  }
}

module attributes {stable_mosaic.version = 14 : i64} {
  func.func @body(%arg0: i32, %arg1: memref<1000x972xf32, #tpu.memory_space<vmem>>, %arg2: memref<972x128xf32, #tpu.memory_space<vmem>>, %arg3: memref<2x1000x16xf32, #tpu.memory_space<vmem>>, %arg4: memref<1000x128xf32, #tpu.memory_space<vmem>>) attributes {dimension_semantics = [#tpu.dimension_semantics<arbitrary>], iteration_bounds = array<i64: 10>, scalar_prefetch = 0 : i64, scratch_operands = 0 : i64, tpu.core_type = #tpu.core_type<tc>, window_params = [{transform_indices = @transform_0, window_bounds = array<i64: 1000, 972>}, {pipeline_mode = #tpu.pipeline_mode<synchronous>, transform_indices = @transform_1, window_bounds = array<i64: 972, 128>}, {transform_indices = @transform_2, window_bounds = array<i64: 2, 1000, 16>}, {transform_indices = @transform_3, window_bounds = array<i64: 1000, 128>}]} {
    %get3A = arith.constant 0 : index
    %get3A_0 = arith.constant 0 : index
    %get3A_1 = arith.constant 0 : index
    %get3A_2 = vector.load %arg3[%get3A, %get3A_0, %get3A_1] : memref<2x1000x16xf32, #tpu.memory_space<vmem>>, vector<1x1000x1xf32>
    %get3A_3 = vector.shape_cast %get3A_2 : vector<1x1000x1xf32> to vector<1000x1xf32>
    %get3A_4 = arith.constant 1 : index
    %get3A_5 = arith.constant 0 : index
    %get3A_6 = arith.constant 0 : index
    %get3A_7 = vector.load %arg3[%get3A_4, %get3A_5, %get3A_6] : memref<2x1000x16xf32, #tpu.memory_space<vmem>>, vector<1x1000x1xf32>
    %get3A_8 = vector.shape_cast %get3A_7 : vector<1x1000x1xf32> to vector<1000x1xf32>
    %add3A = arith.addf %get3A_3, %get3A_8 : vector<1000x1xf32>
    %add3A_9 = arith.constant 1.000000e+00 : f32
    %add3A_10 = vector.broadcast %add3A_9 : f32 to vector<1000x1xf32>
    %add3A_11 = arith.addf %add3A, %add3A_10 : vector<1000x1xf32>
    %rsqrt3A = math.rsqrt %add3A_11 : vector<1000x1xf32>
    %get3A_12 = arith.constant 0 : index
    %get3A_13 = arith.constant 0 : index
    %get3A_14 = vector.load %arg1[%get3A_12, %get3A_13] : memref<1000x972xf32, #tpu.memory_space<vmem>>, vector<1000x972xf32>
    %get3A_15 = arith.constant 0 : index
    %get3A_16 = arith.constant 0 : index
    %get3A_17 = vector.load %arg2[%get3A_15, %get3A_16] : memref<972x128xf32, #tpu.memory_space<vmem>>, vector<972x128xf32>
    %dot_general3A = arith.constant dense<0.000000e+00> : vector<1000x128xf32>
    %dot_general3A_18 = tpu.matmul %get3A_14, %get3A_17, %dot_general3A {dimension_numbers = #tpu.dot_dimension_numbers<[1], [0], [0], [1], [0, 0, 1, 1], [], []>, precision = #tpu.contract_precision<fp32>, transpose_lhs_hint = false} : vector<1000x972xf32>, vector<972x128xf32>, vector<1000x128xf32> -> vector<1000x128xf32>
    %mul3A = vector.broadcast %rsqrt3A : vector<1000x1xf32> to vector<1000x128xf32>
    %mul3A_19 = arith.mulf %dot_general3A_18, %mul3A : vector<1000x128xf32>
    %swap3A = arith.constant 0 : index
    %swap3A_20 = arith.constant 0 : index
    %swap3A_21 = vector.load %arg4[%swap3A, %swap3A_20] : memref<1000x128xf32, #tpu.memory_space<vmem>>, vector<1000x128xf32>
    tpu.vector_store %arg4[%swap3A, %swap3A_20], %mul3A_19 {strides = array<i32>} : memref<1000x128xf32, #tpu.memory_space<vmem>>, vector<1000x128xf32>,
    return
  }
  func.func @transform_0(%arg0: i32) -> (i32, i32) {
    %c0_i32 = arith.constant 0 : i32
    %c0_i32_0 = arith.constant 0 : i32
    return %arg0, %c0_i32 : i32, i32
  }
  func.func @transform_1(%arg0: i32) -> (i32, i32) {
    %c0_i32 = arith.constant 0 : i32
    %c0_i32_0 = arith.constant 0 : i32
    %c0_i32_1 = arith.constant 0 : i32
    return %c0_i32, %c0_i32_0 : i32, i32
  }
  func.func @transform_2(%arg0: i32) -> (i32, i32, i32) {
    %c0_i32 = arith.constant 0 : i32
    %c0_i32_0 = arith.constant 0 : i32
    %c0_i32_1 = arith.constant 0 : i32
    return %c0_i32, %arg0, %c0_i32_0 : i32, i32, i32
  }
  func.func @transform_3(%arg0: i32) -> (i32, i32) {
    %c0_i32 = arith.constant 0 : i32
    %c0_i32_0 = arith.constant 0 : i32
    return %arg0, %c0_i32 : i32, i32
  }
}

module attributes {stable_mosaic.version = 14 : i64} {
  func.func @body(%arg0: i32, %arg1: memref<2x1000x16xf32, #tpu.memory_space<vmem>>, %arg2: memref<2x1000x128xf32, #tpu.memory_space<vmem>>, %arg3: memref<1000x128xf32, #tpu.memory_space<vmem>>, %arg4: memref<1x128xf32, #tpu.memory_space<vmem>>, %arg5: memref<128x128xf32, #tpu.memory_space<vmem>>, %arg6: memref<1000x128xf32, #tpu.memory_space<vmem>>) attributes {dimension_semantics = [#tpu.dimension_semantics<arbitrary>], iteration_bounds = array<i64: 10>, scalar_prefetch = 0 : i64, scratch_operands = 0 : i64, tpu.core_type = #tpu.core_type<tc>, window_params = [{transform_indices = @transform_0, window_bounds = array<i64: 2, 1000, 16>}, {transform_indices = @transform_1, window_bounds = array<i64: 2, 1000, 128>}, {transform_indices = @transform_2, window_bounds = array<i64: 1000, 128>}, {pipeline_mode = #tpu.pipeline_mode<synchronous>, transform_indices = @transform_3, window_bounds = array<i64: 1, 128>}, {pipeline_mode = #tpu.pipeline_mode<synchronous>, transform_indices = @transform_4, window_bounds = array<i64: 128, 128>}, {transform_indices = @transform_5, window_bounds = array<i64: 1000, 128>}]} {
    %get3A = arith.constant 0 : index
    %get3A_0 = arith.constant 0 : index
    %get3A_1 = arith.constant 0 : index
    %get3A_2 = vector.load %arg1[%get3A, %get3A_0, %get3A_1] : memref<2x1000x16xf32, #tpu.memory_space<vmem>>, vector<1x1000x1xf32>
    %get3A_3 = vector.shape_cast %get3A_2 : vector<1x1000x1xf32> to vector<1000x1xf32>
    %get3A_4 = arith.constant 1 : index
    %get3A_5 = arith.constant 0 : index
    %get3A_6 = arith.constant 0 : index
    %get3A_7 = vector.load %arg1[%get3A_4, %get3A_5, %get3A_6] : memref<2x1000x16xf32, #tpu.memory_space<vmem>>, vector<1x1000x1xf32>
    %get3A_8 = vector.shape_cast %get3A_7 : vector<1x1000x1xf32> to vector<1000x1xf32>
    %add3A = arith.addf %get3A_3, %get3A_8 : vector<1000x1xf32>
    %add3A_9 = arith.constant 1.000000e+00 : f32
    %add3A_10 = vector.broadcast %add3A_9 : f32 to vector<1000x1xf32>
    %add3A_11 = arith.addf %add3A, %add3A_10 : vector<1000x1xf32>
    %rsqrt3A = math.rsqrt %add3A_11 : vector<1000x1xf32>
    %get3A_12 = arith.constant 0 : index
    %get3A_13 = arith.constant 0 : index
    %get3A_14 = arith.constant 0 : index
    %get3A_15 = vector.load %arg2[%get3A_12, %get3A_13, %get3A_14] : memref<2x1000x128xf32, #tpu.memory_space<vmem>>, vector<1x1000x128xf32>
    %get3A_16 = vector.shape_cast %get3A_15 : vector<1x1000x128xf32> to vector<1000x128xf32>
    %get3A_17 = arith.constant 1 : index
    %get3A_18 = arith.constant 0 : index
    %get3A_19 = arith.constant 0 : index
    %get3A_20 = vector.load %arg2[%get3A_17, %get3A_18, %get3A_19] : memref<2x1000x128xf32, #tpu.memory_space<vmem>>, vector<1x1000x128xf32>
    %get3A_21 = vector.shape_cast %get3A_20 : vector<1x1000x128xf32> to vector<1000x128xf32>
    %add3A_22 = arith.addf %get3A_16, %get3A_21 : vector<1000x128xf32>
    %get3A_23 = arith.constant 0 : index
    %get3A_24 = arith.constant 0 : index
    %get3A_25 = vector.load %arg3[%get3A_23, %get3A_24] : memref<1000x128xf32, #tpu.memory_space<vmem>>, vector<1000x128xf32>
    %add3A_26 = arith.addf %add3A_22, %get3A_25 : vector<1000x128xf32>
    %mul3A = vector.broadcast %rsqrt3A : vector<1000x1xf32> to vector<1000x128xf32>
    %mul3A_27 = arith.mulf %add3A_26, %mul3A : vector<1000x128xf32>
    %get3A_28 = arith.constant 0 : index
    %get3A_29 = arith.constant 0 : index
    %get3A_30 = vector.load %arg4[%get3A_28, %get3A_29] : memref<1x128xf32, #tpu.memory_space<vmem>>, vector<1x128xf32>
    %add3A_31 = vector.broadcast %get3A_30 : vector<1x128xf32> to vector<1000x128xf32>
    %add3A_32 = arith.addf %mul3A_27, %add3A_31 : vector<1000x128xf32>
    %max3A = arith.constant 0.000000e+00 : f32
    %max3A_33 = vector.broadcast %max3A : f32 to vector<1000x128xf32>
    %max3A_34 = arith.maximumf %add3A_32, %max3A_33 : vector<1000x128xf32>
    %get3A_35 = arith.constant 0 : index
    %get3A_36 = arith.constant 0 : index
    %get3A_37 = vector.load %arg5[%get3A_35, %get3A_36] : memref<128x128xf32, #tpu.memory_space<vmem>>, vector<128x128xf32>
    %dot_general3A = arith.constant dense<0.000000e+00> : vector<1000x128xf32>
    %dot_general3A_38 = tpu.matmul %max3A_34, %get3A_37, %dot_general3A {dimension_numbers = #tpu.dot_dimension_numbers<[1], [0], [0], [1], [0, 0, 1, 1], [], []>, precision = #tpu.contract_precision<fp32>, transpose_lhs_hint = false} : vector<1000x128xf32>, vector<128x128xf32>, vector<1000x128xf32> -> vector<1000x128xf32>
    %mul3A_39 = vector.broadcast %rsqrt3A : vector<1000x1xf32> to vector<1000x128xf32>
    %mul3A_40 = arith.mulf %dot_general3A_38, %mul3A_39 : vector<1000x128xf32>
    %swap3A = arith.constant 0 : index
    %swap3A_41 = arith.constant 0 : index
    %swap3A_42 = vector.load %arg6[%swap3A, %swap3A_41] : memref<1000x128xf32, #tpu.memory_space<vmem>>, vector<1000x128xf32>
    tpu.vector_store %arg6[%swap3A, %swap3A_41], %mul3A_40 {strides = array<i32>} : memref<1000x128xf32, #tpu.memory_space<vmem>>, vector<1000x128xf32>,
    return
  }
  func.func @transform_0(%arg0: i32) -> (i32, i32, i32) {
    %c0_i32 = arith.constant 0 : i32
    %c0_i32_0 = arith.constant 0 : i32
    %c0_i32_1 = arith.constant 0 : i32
    return %c0_i32, %arg0, %c0_i32_0 : i32, i32, i32
  }
  func.func @transform_1(%arg0: i32) -> (i32, i32, i32) {
    %c0_i32 = arith.constant 0 : i32
    %c0_i32_0 = arith.constant 0 : i32
    %c0_i32_1 = arith.constant 0 : i32
    return %c0_i32, %arg0, %c0_i32_0 : i32, i32, i32
  }
  func.func @transform_2(%arg0: i32) -> (i32, i32) {
    %c0_i32 = arith.constant 0 : i32
    %c0_i32_0 = arith.constant 0 : i32
    return %arg0, %c0_i32 : i32, i32
  }
  func.func @transform_3(%arg0: i32) -> (i32, i32) {
    %c0_i32 = arith.constant 0 : i32
    %c0_i32_0 = arith.constant 0 : i32
    %c0_i32_1 = arith.constant 0 : i32
    return %c0_i32, %c0_i32_0 : i32, i32
  }
  func.func @transform_4(%arg0: i32) -> (i32, i32) {
    %c0_i32 = arith.constant 0 : i32
    %c0_i32_0 = arith.constant 0 : i32
    %c0_i32_1 = arith.constant 0 : i32
    return %c0_i32, %c0_i32_0 : i32, i32
  }
  func.func @transform_5(%arg0: i32) -> (i32, i32) {
    %c0_i32 = arith.constant 0 : i32
    %c0_i32_0 = arith.constant 0 : i32
    return %arg0, %c0_i32 : i32, i32
  }
}

module attributes {stable_mosaic.version = 14 : i64} {
  func.func @body(%arg0: i32, %arg1: memref<2x1000x16xf32, #tpu.memory_space<vmem>>, %arg2: memref<2x1000x128xf32, #tpu.memory_space<vmem>>, %arg3: memref<1000x128xf32, #tpu.memory_space<vmem>>, %arg4: memref<1x64xf32, #tpu.memory_space<vmem>>, %arg5: memref<1000x64xf32, #tpu.memory_space<vmem>>) attributes {dimension_semantics = [#tpu.dimension_semantics<arbitrary>], iteration_bounds = array<i64: 10>, scalar_prefetch = 0 : i64, scratch_operands = 0 : i64, tpu.core_type = #tpu.core_type<tc>, window_params = [{transform_indices = @transform_0, window_bounds = array<i64: 2, 1000, 16>}, {transform_indices = @transform_1, window_bounds = array<i64: 2, 1000, 128>}, {transform_indices = @transform_2, window_bounds = array<i64: 1000, 128>}, {pipeline_mode = #tpu.pipeline_mode<synchronous>, transform_indices = @transform_3, window_bounds = array<i64: 1, 64>}, {transform_indices = @transform_4, window_bounds = array<i64: 1000, 64>}]} {
    %get3A = arith.constant 0 : index
    %get3A_0 = arith.constant 0 : index
    %get3A_1 = arith.constant 0 : index
    %get3A_2 = vector.load %arg1[%get3A, %get3A_0, %get3A_1] : memref<2x1000x16xf32, #tpu.memory_space<vmem>>, vector<1x1000x1xf32>
    %get3A_3 = vector.shape_cast %get3A_2 : vector<1x1000x1xf32> to vector<1000x1xf32>
    %get3A_4 = arith.constant 1 : index
    %get3A_5 = arith.constant 0 : index
    %get3A_6 = arith.constant 0 : index
    %get3A_7 = vector.load %arg1[%get3A_4, %get3A_5, %get3A_6] : memref<2x1000x16xf32, #tpu.memory_space<vmem>>, vector<1x1000x1xf32>
    %get3A_8 = vector.shape_cast %get3A_7 : vector<1x1000x1xf32> to vector<1000x1xf32>
    %add3A = arith.addf %get3A_3, %get3A_8 : vector<1000x1xf32>
    %add3A_9 = arith.constant 1.000000e+00 : f32
    %add3A_10 = vector.broadcast %add3A_9 : f32 to vector<1000x1xf32>
    %add3A_11 = arith.addf %add3A, %add3A_10 : vector<1000x1xf32>
    %rsqrt3A = math.rsqrt %add3A_11 : vector<1000x1xf32>
    %get3A_12 = arith.constant 0 : index
    %get3A_13 = arith.constant 0 : index
    %get3A_14 = arith.constant 0 : index
    %get3A_15 = vector.load %arg2[%get3A_12, %get3A_13, %get3A_14] : memref<2x1000x128xf32, #tpu.memory_space<vmem>>, vector<1x1000x64xf32>
    %get3A_16 = vector.shape_cast %get3A_15 : vector<1x1000x64xf32> to vector<1000x64xf32>
    %get3A_17 = arith.constant 1 : index
    %get3A_18 = arith.constant 0 : index
    %get3A_19 = arith.constant 0 : index
    %get3A_20 = vector.load %arg2[%get3A_17, %get3A_18, %get3A_19] : memref<2x1000x128xf32, #tpu.memory_space<vmem>>, vector<1x1000x64xf32>
    %get3A_21 = vector.shape_cast %get3A_20 : vector<1x1000x64xf32> to vector<1000x64xf32>
    %add3A_22 = arith.addf %get3A_16, %get3A_21 : vector<1000x64xf32>
    %get3A_23 = arith.constant 0 : index
    %get3A_24 = arith.constant 0 : index
    %get3A_25 = vector.load %arg3[%get3A_23, %get3A_24] : memref<1000x128xf32, #tpu.memory_space<vmem>>, vector<1000x64xf32>
    %add3A_26 = arith.addf %add3A_22, %get3A_25 : vector<1000x64xf32>
    %mul3A = vector.broadcast %rsqrt3A : vector<1000x1xf32> to vector<1000x64xf32>
    %mul3A_27 = arith.mulf %add3A_26, %mul3A : vector<1000x64xf32>
    %get3A_28 = arith.constant 0 : index
    %get3A_29 = arith.constant 0 : index
    %get3A_30 = vector.load %arg4[%get3A_28, %get3A_29] : memref<1x64xf32, #tpu.memory_space<vmem>>, vector<1x64xf32>
    %add3A_31 = vector.broadcast %get3A_30 : vector<1x64xf32> to vector<1000x64xf32>
    %add3A_32 = arith.addf %mul3A_27, %add3A_31 : vector<1000x64xf32>
    %swap3A = arith.constant 0 : index
    %swap3A_33 = arith.constant 0 : index
    %swap3A_34 = vector.load %arg5[%swap3A, %swap3A_33] : memref<1000x64xf32, #tpu.memory_space<vmem>>, vector<1000x64xf32>
    tpu.vector_store %arg5[%swap3A, %swap3A_33], %add3A_32 {strides = array<i32>} : memref<1000x64xf32, #tpu.memory_space<vmem>>, vector<1000x64xf32>,
    return
  }
  func.func @transform_0(%arg0: i32) -> (i32, i32, i32) {
    %c0_i32 = arith.constant 0 : i32
    %c0_i32_0 = arith.constant 0 : i32
    %c0_i32_1 = arith.constant 0 : i32
    return %c0_i32, %arg0, %c0_i32_0 : i32, i32, i32
  }
  func.func @transform_1(%arg0: i32) -> (i32, i32, i32) {
    %c0_i32 = arith.constant 0 : i32
    %c0_i32_0 = arith.constant 0 : i32
    %c0_i32_1 = arith.constant 0 : i32
    return %c0_i32, %arg0, %c0_i32_0 : i32, i32, i32
  }
  func.func @transform_2(%arg0: i32) -> (i32, i32) {
    %c0_i32 = arith.constant 0 : i32
    %c0_i32_0 = arith.constant 0 : i32
    return %arg0, %c0_i32 : i32, i32
  }
  func.func @transform_3(%arg0: i32) -> (i32, i32) {
    %c0_i32 = arith.constant 0 : i32
    %c0_i32_0 = arith.constant 0 : i32
    %c0_i32_1 = arith.constant 0 : i32
    return %c0_i32, %c0_i32_0 : i32, i32
  }
  func.func @transform_4(%arg0: i32) -> (i32, i32) {
    %c0_i32 = arith.constant 0 : i32
    %c0_i32_0 = arith.constant 0 : i32
    return %arg0, %c0_i32 : i32, i32
  }
}

</mosaic_0001>

<sc_bundles>
// kernel: kernel.11.cloned.1.call-start
scs
__scs_entry_jumppad:
0x0: {  	(pc) =	sbr.rel $0x88, $3  }
0x1: {  	(tag) =	ssettag $0x0;
	lr =	simm.s32 $0x1  }
0x2: {  	[smem:$0x3F9B] =	sst lr;
	_ =	strace $0xD0000000  }
0x3: {  	_ = 	snop  }
0x4: {  	_ = 	snop  }
0x5: {  	_ = 	snop  }
0x6: {  	_ = 	snop  }
0x7: {  	_ = 	snop  }
__scs_overlays_trampoline_lowered:
0x8: {  	[smem:$0x3FAA] =	sst s0  }
0x9: {  	[smem:$0x3FAB] =	sst s1  }
0xa: {  	[smem:$0x3FAC] =	sst s2  }
0xb: {  	[smem:$0x3FAD] =	sst s3  }
0xc: {  	[smem:$0x3FAE] =	sst s4  }
0xd: {  	[smem:$0x3FAF] =	sst s5  }
0xe: {  	[smem:$0x3FB0] =	sst s6  }
0xf: {  	[smem:$0x3FB1] =	sst s7  }
0x10: {  	[smem:$0x3FB2] =	sst s8  }
0x11: {  	[smem:$0x3FB3] =	sst s9;
	s0 =	simm.s32 @!p0 $0x0  }
0x12: {  	s1 =	sld [smem:$0x3F99];
	s0 =	simm.s32 @p0 $0x1  }
0x13: {  	[smem:$0x3FB4] =	sst s0;
	s0 =	simm.s32 @!p1 $0x0  }
0x14: {  	s2 =	sld [smem:$0x3F98];
	s0 =	simm.s32 @p1 $0x1  }
0x15: {  	[smem:$0x3FB5] =	sst s0;
	s0 =	simm.s32 @!p2 $0x0  }
0x16: {  	s3 =	sld [smem:$0x3FDB];
	s0 =	simm.s32 @p2 $0x1  }
0x17: {  	s4 =	simm.s32 $0x1BF5;
	[smem:$0x3FB7] =	sst s0  }
0x18: {  	s0 =	sld [smem:$0x3F9A];
	_ =	swait.ge [sflag:s4], $0x0  }
0x19: {  	s7 =	sld [smem:$0x3F9B]  }
0x1a: {  	s8 =	sadd.s32 $0xFFFFE003, lr  }
0x1b: {  	s9 =	sadd.s32 $0xFFFFFEF7, lr;
	s5 =	simm.s32 $0xFFFFFFFF;
	p2 =	slt.u32 s8, $0xFFFFF086  }
0x1c: {  	p1 =	slt.u32 s9, $0xF7A;
	s5 =	simm.s32 @!p2 $0x0  }
0x1d: {  	s5 =	simm.s32 @p1 $0x1;
	p0 =	seq.s32 s7, s2  }
0x1e: {  	s7 =	smul.u32 @!p0 $0xF7A, s2;
	p2 =	seq.s32 @!p0 s5, $0x0  }
0x1f: {  	s9 =	smul.u32 $0xF7A, s1;
	s8 =	simm.s32 @!p0 $0x1BF5;
	p2 =	por !p2, p0  }
0x20: {  	[sflag:s8] =	ssyncset.s32 @!p0 $0xFFFFF086;
	s6 =	sadd.s32 @!p0 s3, s7;
	s7 =	simm.s32 @!p0 $0x108  }
0x21: {  	s3 =	sadd.s32 s3, s9;
	s6 =	sadd.s32 @!p0 $0x88, s6;
	s7 =	simm.s32 @p2 $0x1082  }
0x22: {  	[simem:s7], [sflag:s8] =	dma.local @!p0 [hbm:s6], $0xF7A  }
0x23: {  	s9 =	sor.u32 $0xD0000000, s2;
	s6 =	simm.s32 $0x108;
	_ =	swait.ge @!p0 [sflag:s8], $0x0  }
0x24: {  	s3 =	sadd.s32 $0x88, s3;
	s6 =	simm.s32 @!p1 $0x1082;
	[sflag:s4] =	ssyncset.s32 $0xFFFFF086  }
0x25: {  	[simem:s6], [sflag:s4] =	dma.local [hbm:s3], $0xF7A  }
0x26: {  	[smem:$0x3F9B] =	sst s1;
	(tag) =	ssettag s2;
	_ =	strace s9  }
0x27: {  	s1 =	sld [smem:$0x3FAB]  }
0x28: {  	s2 =	sld [smem:$0x3FAC]  }
0x29: {  	s4 =	sld [smem:$0x3FAE]  }
0x2a: {  	p0 =	seq.s32 s5, $0x0;
	s5 =	sld [smem:$0x3FAF]  }
0x2b: {  	s6 =	sld [smem:$0x3FB0]  }
0x2c: {  	s7 =	sld [smem:$0x3FB1]  }
0x2d: {  	s3 =	simm.s32 $0x108;
	s8 =	sld [smem:$0x3FB2]  }
0x2e: {  	s3 =	simm.s32 @!p0 $0x1082;
	s9 =	sld [smem:$0x3FB3]  }
0x2f: {  	lr =	sadd.s32 s0, s3;
	s0 =	sld [smem:$0x3FAA]  }
0x30: {  	s3 =	sld [smem:$0x3FAD]  }
0x31: {  	[smem:$0x3FB6] =	sst s10  }
0x32: {  	s10 =	sld [smem:$0x3FB4];
	_ =	sdelay $0x3  }
0x33: {  	p0 =	seq.s32 s10, $0x1;
	s10 =	sld [smem:$0x3FB6];
	_ =	sdelay $0x3  }
0x34: {  	[smem:$0x3FB6] =	sst s10  }
0x35: {  	s10 =	sld [smem:$0x3FB5];
	_ =	sdelay $0x3  }
0x36: {  	p1 =	seq.s32 s10, $0x1;
	s10 =	sld [smem:$0x3FB6];
	_ =	sdelay $0x3  }
0x37: {  	[smem:$0x3FB6] =	sst s10  }
0x38: {  	s10 =	sld [smem:$0x3FB7]  }
0x39: {  	_ = 	snop;
	(pc) =	sbr.ind lr, $3  }
0x3a: {  	_ = 	snop  }
0x3b: {  	_ = 	snop  }
0x3c: {  	p2 =	seq.s32 s10, $0x1;
	s10 =	sld [smem:$0x3FB6]  }
0x3d: {  	_ =	shalt  }
0x3e: {  	_ =	shalt  }
0x3f: {  	_ =	shalt  }
0x40: {  	_ =	shalt  }
0x41: {  	_ =	shalt  }
0x42: {  	_ =	shalt  }
0x43: {  	_ =	shalt  }
0x44: {  	_ =	shalt  }
0x45: {  	_ =	shalt  }
0x46: {  	_ =	shalt  }
0x47: {  	_ =	shalt  }
0x48: {  	_ =	shalt  }
0x49: {  	_ =	shalt  }
0x4a: {  	_ =	shalt  }
0x4b: {  	_ =	shalt  }
0x4c: {  	_ =	shalt  }
0x4d: {  	_ =	shalt  }
0x4e: {  	_ =	shalt  }
0x4f: {  	_ =	shalt  }
0x50: {  	_ =	shalt  }
0x51: {  	_ =	shalt  }
0x52: {  	_ =	shalt  }
0x53: {  	_ =	shalt  }
0x54: {  	_ =	shalt  }
0x55: {  	_ =	shalt  }
0x56: {  	_ =	shalt  }
0x57: {  	_ =	shalt  }
0x58: {  	_ =	shalt  }
0x59: {  	_ =	shalt  }
0x5a: {  	_ =	shalt  }
0x5b: {  	_ =	shalt  }
0x5c: {  	_ =	shalt  }
0x5d: {  	_ =	shalt  }
0x5e: {  	_ =	shalt  }
0x5f: {  	_ =	shalt  }
0x60: {  	_ =	shalt  }
0x61: {  	_ =	shalt  }
0x62: {  	_ =	shalt  }
0x63: {  	_ =	shalt  }
0x64: {  	_ =	shalt  }
0x65: {  	_ =	shalt  }
0x66: {  	_ =	shalt  }
0x67: {  	_ =	shalt  }
0x68: {  	_ =	shalt  }
0x69: {  	_ =	shalt  }
0x6a: {  	_ =	shalt  }
0x6b: {  	_ =	shalt  }
0x6c: {  	_ =	shalt  }
0x6d: {  	_ =	shalt  }
0x6e: {  	_ =	shalt  }
0x6f: {  	_ =	shalt  }
0x70: {  	_ =	shalt  }
0x71: {  	_ =	shalt  }
0x72: {  	_ =	shalt  }
0x73: {  	_ =	shalt  }
0x74: {  	_ =	shalt  }
0x75: {  	_ =	shalt  }
0x76: {  	_ =	shalt  }
0x77: {  	_ =	shalt  }
0x78: {  	_ =	shalt  }
0x79: {  	_ =	shalt  }
0x7a: {  	_ =	shalt  }
0x7b: {  	_ =	shalt  }
0x7c: {  	_ =	shalt  }
0x7d: {  	_ =	shalt  }
0x7e: {  	_ =	shalt  }
0x7f: {  	_ =	shalt  }
0x80: {  	_ =	shalt  }
0x81: {  	_ =	shalt  }
0x82: {  	_ =	shalt  }
0x83: {  	_ =	shalt  }
0x84: {  	_ =	shalt  }
0x85: {  	_ =	shalt  }
0x86: {  	_ =	shalt  }
0x87: {  	_ =	shalt  }
.Lfunc_end0:
.L_simem_size_0:
called_computation.1_lowered:
.L_overlay_start_0:
0x88: {  	s2 =	sld [smem:$0x3FD9]  }
0x89: {  	s3 =	sld [smem:$0x3FFE];
	_ =	sdelay $0x1  }
0x8a: {  	s1 =	srdreg.scid  }
0x8b: {  	s0 =	sand.u32 $0x1, s1  }
0x8c: {  	s17 =	sshll.u32 s0, $0xA;
	s2 =	sadd.s32 s3, s2  }
0x8d: {  	s2 =	sadd.s32 s2, s17  }
0x8e: {  	[smem:$0x3FC2] =	sst s2  }
0x8f: {  	_ = 	snop  }
0x90: {  	s2 =	sld [smem:$0x3FD0];
	(tm) =	ssettm $0x1  }
0x91: {  	s18 =	sld [smem:$0x3FFB];
	_ =	sdelay $0x3  }
0x92: {  	_ =	strace s18  }
0x93: {  	s3 =	sld [smem:$0x3FFC];
	_ =	sdelay $0x3  }
0x94: {  	_ =	strace s3  }
0x95: {  	s3 =	sld [smem:$0x3FFD];
	_ =	sdelay $0x3  }
0x96: {  	_ =	strace s3  }
0x97: {  	_ =	strace $0x8FFFFFFF  }
0x98: {  	s19 =	sld [smem:$0x3FDB];
	_ =	sdelay $0x1  }
0x99: {  	s4 =	simm.s32 $_scs_section_size  }
0x9a: {  	s5 =	simm.s32 $_size__tile_overlayer_lowered;
	s6 =	simm.s32 $_tile_overlayer_lowered  }
0x9b: {  	s22 =	simm.s32 $0x1BFF;
	s21 =	sshll.u32 s6, $0x1;
	s3 =	sadd.s32 s4, s19  }
0x9c: {  	s7 =	simm.s32 $0x0;
	s20 =	sshll.u32 s5, $0x1;
	s5 =	sadd.s32 s21, s3  }
0x9d: {  	[timem:s7], [sflag:s22] =	dma.local [hbm:s5], s20  }
0x9e: {  	_ =	swait.ge [sflag:s22], s20  }
0x9f: {  	s4 =	ssub.s32 $0x0, s20;
	[sflag:s22] =	ssyncset.done $0x0  }
0xa0: {  	[sflag:s22] =	ssyncadd.s32 s4;
	_ =	sdelay $0x1  }
0xa1: {  	s23 =	simm.s32 $0x1B8B  }
0xa2: {  	_ =	swait.ge [sflag:s23], $0x1  }
0xa3: {  	[sflag:s23] =	ssyncset.done $0x0  }
0xa4: {  	s25 =	simm.s32 $0x1B8E;
	s24 =	sld [smem:$0x3FFE];
	[sflag:s23] =	ssyncadd.s32 $0xFFFFFFFF  }
0xa5: {  	s26 =	simm.s32 $execute0_lowered;
	[smem:$0x3FD2] =	sst s25  }
0xa6: {  	s5 =	sshll.u32 s26, $0x1;
	_ =	strace $0x80000049;
	[dreg:$0x1] =	wrdreg $0xFFFFFFFF  }
0xa7: {  	s28 =	simm.s32 $_size_execute0_lowered;
	s3 =	sadd.s32 s3, s5;
	[dreg:$0x0] =	wrdreg $0x0  }
0xa8: {  	s5 =	sshll.u32 s28, $0x1;
	[dreg:$0x2] =	wrdreg s3  }
0xa9: {  	[dreg:$0x3] =	wrdreg s5  }
0xaa: {  	[dreg:$0x4] =	wrdreg $0xC0  }
0xab: {  	_ =	task [dreg:s7], $0x5FFFF  }
0xac: {  	[dreg:$0x1] =	wrdreg $0xFFFFFFFF  }
0xad: {  	[dreg:$0x0] =	wrdreg $0x60  }
0xae: {  	[dreg:$0x2] =	wrdreg s24  }
0xaf: {  	[dreg:$0x3] =	wrdreg s2  }
0xb0: {  	[dreg:$0x4] =	wrdreg $0xA8000  }
0xb1: {  	[dreg:$0x5] =	wrdreg $0x9  }
0xb2: {  	_ =	task.clear_ibuf [dreg:s7], $0x6FFFF;
	_ =	strace $0x90000049  }
0xb3: {  	s29 =	simm.s32 $0x9;
	_ =	strace $0x8000004B  }
0xb4: {  	_ =	swait.ge [sflag:s29], $0x1  }
0xb5: {  	[sflag:s29] =	ssyncadd.s32 $0xFFFFFFFF  }
0xb6: {  	_ =	strace $0x9000004B  }
0xb7: {  	_ =	sfence  }
0xb8: {  	s30 =	sld [smem:$0x0];
	_ =	sdelay $0x2  }
0xb9: {  	s31 =	sshll.u32 s1, $0xD;
	s1 =	sshrl.u32 s1, $0x2  }
0xba: {  	s3 =	sand.u32 $0x4000, s31;
	s1 =	sadd.s32 s1, s30  }
0xbb: {  	s0 =	sor.u32 s3, s0;
	s1 =	sshll.u32 s1, $0x11  }
0xbc: {  	s0 =	sor.u32 s1, s0  }
0xbd: {  	s0 =	sadd.s32 $0x8F2B, s0  }
0xbe: {  	[sflag:s0] =	ssyncadd.remote.s32 $0x1  }
0xbf: {  	_ =	sfence.sel $0xFFFF  }
0xc0: {  	[dreg:$0x0] =	wrdreg $0xFFFFFFFF;
	(pc) =	sbr.abs _section_cstart, $3  }
0xc1: {  	[dreg:$0x1] =	wrdreg $0xFFFFFFFF  }
0xc2: {  	_ =	task.clear_ibuf [dreg:s7], $0x2FFFF;
	_ =	strace $0x9FFFFFFF  }
0xc3: {  	(tm) =	ssettm $0x7FFFFFFF  }
tec
execute0_lowered:
.L_overlay_start_1:
0x0: {  	(tag) =	ssettag $0x1  }
0x1: {  	s5 =	rddreg [dreg:$0x0]  }
0x2: {  	s0 =	srdreg.scid;
	s10 =	rddreg [dreg:$0x1]  }
0x3: {  	s2 =	rddreg [dreg:$0x2];
	s1 =	stileid.u32  }
0x4: {  	s3 =	simm.s32 $0x0;
	s21 =	simm.s32 $0x80;
	s22 =	simm.s32 $0x6800  }
0x5: {  	s23 =	simm.s32 $0x1;
	s24 =	simm.s32 $0x2;
	s25 =	simm.s32 $0x3  }
0x6: {  	s28 =	simm.s32 $0x0;
	s7 =	sand.u32 $0x1, s0;
	s6 =	smul.u32 $0x50000, s1  }
0x7: {  	[smem:$0x7FF] =	sst s3;
	s13 =	smul.u32 $0x14000, s1;
	s16 =	sadd.s32 $0x2E800, s5  }
0x8: {  	s4 =	sshll.u32 s7, $0x4;
	_ =	strace $0x8000004A;
	s8 =	ssub.s32 $0x2, s7  }
0x9: {  	s18 =	smul.u32 $0x140000, s7;
	s4 =	sor.u32 s1, s4;
	s26 =	sshrl.u32 s8, $0x1  }
0xa: {  	s6 =	sshrl.u32 s6, $0x2;
	s14 =	sadd.s32 $0x4000, s13;
	s15 =	sadd.s32 $0x8000, s13  }
0xb: {  	s19 =	sadd.s32 $0xC000, s13;
	s20 =	sadd.s32 $0x10000, s13;
	s11 =	smul.u32 $0x280, s4  }
0xc: {  	s4 =	sadd.s32 $0x6800, s5;
	s17 =	ssub.s32 s8, s26;
	s7 =	sadd.s32 s15, s2  }
0xd: {  	s8 =	sadd.s32 s19, s2;
	s9 =	sadd.s32 s20, s2;
	s13 =	sadd.s32 s13, s18  }
0xe: {  	s30 =	sadd.s32 s18, s15;
	s31 =	sadd.s32 s18, s19;
	s19 =	simm.s32 $0x5  }
0xf: {  	s26 =	simm.s32 $0x4;
	s13 =	sshrl.u32 s13, $0x3;
	s15 =	sshrl.u32 s31, $0x3  }
0x10: {  	s17 =	smax.u32 s17, $0x1;
	s12 =	sadd.s32 s11, s5;
	s5 =	sadd.s32 s6, s2  }
0x11: {  	s6 =	sadd.s32 s14, s2;
	s10 =	sadd.s32 s10, s11;
	s14 =	sadd.s32 s18, s14  }
0x12: {  	s18 =	sadd.s32 s18, s20;
	s15 =	sadd.s32 s16, s15;
	s20 =	simm.s32 $0x1400  }
0x13: {  	s11 =	sadd.s32 $0x1800, s12;
	s12 =	sadd.s32 s16, s13;
	s29 =	sshrl.u32 s14, $0x3  }
0x14: {  	s14 =	sshrl.u32 s30, $0x3;
	s18 =	sshrl.u32 s18, $0x3;
	s13 =	sadd.s32 s16, s29  }
0x15: {  	v0 =	vimm.f32 $0.0e+00;
	s14 =	sadd.s32 s16, s14;
	s16 =	sadd.s32 s16, s18;
	s18 =	simm.s32 $0x2800  }
.LBB2_1:
0x16: {  	s29 =	simm.s32 $0x0;
	s30 =	simm.s32 $0x200  }
.LBB2_2:
0x17: {  	p0 =	sne.s32 s30, $0xFE00;
	[tilespmem:s29+$0x2870] =	vst v0  }
0x18: {  	[tilespmem:s29+$0x2800] =	vst v0  }
0x19: {  	[tilespmem:s29+$0x2810] =	vst v0  }
.Ltmp0:
0x1a: {  	[tilespmem:s29+$0x2820] =	vst v0;
	(pc) =	sbr.rel @p0 .LBB2_2-.Ltmp0, $4  }
0x1b: {  	[tilespmem:s29+$0x2830] =	vst v0  }
0x1c: {  	[tilespmem:s29+$0x2840] =	vst v0  }
0x1d: {  	[tilespmem:s29+$0x2850] =	vst v0  }
0x1e: {  	[tilespmem:s29+$0x2860] =	vst v0;
	s29 =	sshra.s32 s30, $0x2;
	s30 =	sadd.s32 $0x200, s30  }
0x1f: {  	[tilespmem:s29+$0x2870] =	vst v0  }
0x20: {  	[tilespmem:s29+$0x2800] =	vst v0  }
0x21: {  	[tilespmem:s29+$0x2810] =	vst v0  }
0x22: {  	[tilespmem:s29+$0x2820] =	vst v0  }
0x23: {  	[tilespmem:s29+$0x2830] =	vst v0  }
0x24: {  	[tilespmem:s29+$0x2840] =	vst v0  }
0x25: {  	[tilespmem:s29+$0x2850] =	vst v0  }
0x26: {  	[tilespmem:s29+$0x2860] =	vst v0  }
0x27: {  	[spmem:s5] =	stream.linear.scatter [tilespmem:s18], [sflag:$0x5], $0x4000, $0x38;
	[tilespmem:$0x1E800] =	vst v63  }
0x28: {  	_ =	swait.ge [sflag:s19], $0x4000  }
0x29: {  	[sflag:s19] =	ssyncset.done $0x0  }
0x2a: {  	[sflag:s19] =	ssyncadd.s32 $0xFFFFC000  }
0x2b: {  	[spmem:s6] =	stream.linear.scatter [tilespmem:s18], [sflag:$0x5], $0x4000, $0x38;
	[tilespmem:$0x1E800] =	vst v63  }
0x2c: {  	_ =	swait.ge [sflag:s19], $0x4000  }
0x2d: {  	[sflag:s19] =	ssyncset.done $0x0  }
0x2e: {  	[sflag:s19] =	ssyncadd.s32 $0xFFFFC000  }
0x2f: {  	[spmem:s7] =	stream.linear.scatter [tilespmem:s18], [sflag:$0x5], $0x4000, $0x38;
	[tilespmem:$0x1E800] =	vst v63  }
0x30: {  	_ =	swait.ge [sflag:s19], $0x4000  }
0x31: {  	[sflag:s19] =	ssyncset.done $0x0  }
0x32: {  	[sflag:s19] =	ssyncadd.s32 $0xFFFFC000  }
0x33: {  	[spmem:s8] =	stream.linear.scatter [tilespmem:s18], [sflag:$0x5], $0x4000, $0x38;
	[tilespmem:$0x1E800] =	vst v63  }
0x34: {  	_ =	swait.ge [sflag:s19], $0x4000  }
0x35: {  	[sflag:s19] =	ssyncset.done $0x0  }
0x36: {  	[sflag:s19] =	ssyncadd.s32 $0xFFFFC000  }
0x37: {  	[spmem:s9] =	stream.linear.scatter [tilespmem:s18], [sflag:$0x5], $0x4000, $0x38;
	[tilespmem:$0x1E800] =	vst v63  }
0x38: {  	_ =	swait.ge [sflag:s19], $0x4000  }
0x39: {  	[sflag:s19] =	ssyncset.done $0x0  }
0x3a: {  	[sflag:s19] =	ssyncadd.s32 $0xFFFFC000  }
0x3b: {  	s29 =	simm.s32 $0x0;
	[bflag:$0x0] =	sbarrier.arrive $0xFFFF  }
0x3c: {  	[tilespmem:s29], [sflag:$0x5] =	stream.linear.gather [hbm4b:s10+s29], $0x1400, $0x38;
	[tilespmem:$0x1E800] =	vst v63  }
0x3d: {  	_ =	swait.ge [sflag:s19], $0x1400  }
0x3e: {  	[sflag:s19] =	ssyncset.done $0x0  }
0x3f: {  	[sflag:s19] =	ssyncadd.s32 $0xFFFFEC00  }
0x40: {  	[tilespmem:s20], [sflag:$0x5] =	stream.linear.gather [hbm4b:s11+s29], $0x1400, $0x38;
	[tilespmem:$0x1E800] =	vst v63  }
0x41: {  	_ =	swait.ge [sflag:s19], $0x1400  }
0x42: {  	[sflag:s19] =	ssyncset.done $0x0  }
0x43: {  	s29 =	simm.s32 $0x0;
	[sflag:s19] =	ssyncadd.s32 $0xFFFFEC00  }
0x44: {  	[tilespmem:s18], [sflag:$0x1] =	stream.indirect.gather [hbm4b:s4+s21], $0x80, s29, s21, $0xb8;
	[tilespmem:$0x1E800] =	vst v63  }
0x45: {  	s29 =	simm.s32 $0x80  }
0x46: {  	[tilespmem:s22], [sflag:$0x2] =	stream.indirect.gather [hbm4b:s4+s21], $0x80, s29, s21, $0xb8;
	[tilespmem:$0x1E800] =	vst v63  }
0x47: {  	_ =	swait.ge [sflag:s23], $0x4000  }
0x48: {  	[sflag:s23] =	ssyncset.done $0x0  }
0x49: {  	s29 =	simm.s32 $0x1400;
	[sflag:s23] =	ssyncadd.s32 $0xFFFFC000  }
0x4a: {  	[spmem:s2] =	stream.indirect.scatter.add.f32 [tilespmem:s18], [sflag:$0x3], $0x80, s29, s21, $0xb8;
	[tilespmem:$0x1E800] =	vst v63  }
0x4b: {  	_ =	swait.ge [sflag:s24], $0x4000  }
0x4c: {  	[sflag:s24] =	ssyncset.done $0x0  }
0x4d: {  	s29 =	simm.s32 $0x1480;
	[sflag:s24] =	ssyncadd.s32 $0xFFFFC000  }
0x4e: {  	[spmem:s2] =	stream.indirect.scatter.add.f32 [tilespmem:s22], [sflag:$0x4], $0x80, s29, s21, $0xb8;
	[tilespmem:$0x1E800] =	vst v63  }
0x4f: {  	_ =	swait.ge [sflag:s25], $0x4000  }
0x50: {  	[sflag:s25] =	ssyncset.done $0x0  }
0x51: {  	[sflag:s25] =	ssyncadd.s32 $0xFFFFC000  }
0x52: {  	_ =	swait.ge [sflag:s26], $0x4000  }
0x53: {  	s30 =	simm.s32 $0x800;
	s29 =	simm.s32 $0x400;
	[sflag:s26] =	ssyncset.done $0x0  }
.LBB2_4:
0x54: {  	s31 =	sshra.s32 s29, $0x2  }
0x55: {  	[sflag:s26] =	ssyncadd.s32 $0xFFFFC000;
	s29 =	smov.u32 s30;
	s0 =	sadd.s32 $0x400, s30  }
0x56: {  	[tilespmem:s18], [sflag:$0x1] =	stream.indirect.gather [hbm4b:s4+s21], $0x80, s31, s21, $0xb8;
	[tilespmem:$0x1E800] =	vst v63  }
0x57: {  	p0 =	sne.s32 s30, $0x4C00;
	s30 =	sadd.s32 $0x80, s31  }
0x58: {  	[tilespmem:s22], [sflag:$0x2] =	stream.indirect.gather [hbm4b:s4+s21], $0x80, s30, s21, $0xb8;
	[tilespmem:$0x1E800] =	vst v63  }
0x59: {  	_ =	swait.ge [sflag:s23], $0x4000  }
0x5a: {  	[sflag:s23] =	ssyncset.done $0x0  }
0x5b: {  	s30 =	sadd.s32 $0x1400, s31;
	[sflag:s23] =	ssyncadd.s32 $0xFFFFC000  }
0x5c: {  	[spmem:s2] =	stream.indirect.scatter.add.f32 [tilespmem:s18], [sflag:$0x3], $0x80, s30, s21, $0xb8;
	[tilespmem:$0x1E800] =	vst v63  }
0x5d: {  	_ =	swait.ge [sflag:s24], $0x4000  }
0x5e: {  	[sflag:s24] =	ssyncset.done $0x0  }
0x5f: {  	s30 =	sadd.s32 $0x1480, s31;
	[sflag:s24] =	ssyncadd.s32 $0xFFFFC000  }
0x60: {  	[spmem:s2] =	stream.indirect.scatter.add.f32 [tilespmem:s22], [sflag:$0x4], $0x80, s30, s21, $0xb8;
	[tilespmem:$0x1E800] =	vst v63  }
.Ltmp1:
0x61: {  	_ =	swait.ge [sflag:s25], $0x4000;
	(pc) =	sbr.rel @p0 .LBB2_4-.Ltmp1, $4  }
0x62: {  	[sflag:s25] =	ssyncset.done $0x0  }
0x63: {  	[sflag:s25] =	ssyncadd.s32 $0xFFFFC000  }
0x64: {  	_ =	swait.ge [sflag:s26], $0x4000  }
0x65: {  	s30 =	smov.u32 s0;
	[sflag:s26] =	ssyncset.done $0x0  }
0x66: {  	s0 =	sshra.s32 s29, $0x2;
	[sflag:s26] =	ssyncadd.s32 $0xFFFFC000  }
0x67: {  	[tilespmem:s18], [sflag:$0x1] =	stream.indirect.gather [hbm4b:s4+s21], $0x80, s0, s21, $0xb8;
	[tilespmem:$0x1E800] =	vst v63  }
0x68: {  	s29 =	sadd.s32 $0x80, s0  }
0x69: {  	[tilespmem:s22], [sflag:$0x2] =	stream.indirect.gather [hbm4b:s4+s21], $0x80, s29, s21, $0xb8;
	[tilespmem:$0x1E800] =	vst v63  }
0x6a: {  	_ =	swait.ge [sflag:s23], $0x4000  }
0x6b: {  	[sflag:s23] =	ssyncset.done $0x0  }
0x6c: {  	s31 =	sadd.s32 $0x1400, s0;
	[sflag:s23] =	ssyncadd.s32 $0xFFFFC000  }
0x6d: {  	[spmem:s2] =	stream.indirect.scatter.add.f32 [tilespmem:s18], [sflag:$0x3], $0x80, s31, s21, $0xb8;
	[tilespmem:$0x1E800] =	vst v63  }
0x6e: {  	_ =	swait.ge [sflag:s24], $0x4000  }
0x6f: {  	[sflag:s24] =	ssyncset.done $0x0  }
0x70: {  	s0 =	sadd.s32 $0x1480, s0;
	[sflag:s24] =	ssyncadd.s32 $0xFFFFC000  }
0x71: {  	[spmem:s2] =	stream.indirect.scatter.add.f32 [tilespmem:s22], [sflag:$0x4], $0x80, s0, s21, $0xb8;
	[tilespmem:$0x1E800] =	vst v63  }
0x72: {  	_ =	swait.ge [sflag:s25], $0x4000  }
0x73: {  	[sflag:s25] =	ssyncset.done $0x0  }
0x74: {  	[sflag:s25] =	ssyncadd.s32 $0xFFFFC000  }
0x75: {  	_ =	swait.ge [sflag:s26], $0x4000  }
0x76: {  	[sflag:s26] =	ssyncset.done $0x0  }
0x77: {  	[sflag:s26] =	ssyncadd.s32 $0xFFFFC000  }
0x78: {  	[bflag:$0x0] =	sbarrier.arrive $0xFFFF  }
0x79: {  	[tilespmem:s18], [sflag:$0x5] =	stream.linear.gather [spmem:s5], $0x4000, $0x38;
	[tilespmem:$0x1E800] =	vst v63  }
0x7a: {  	_ =	swait.ge [sflag:s19], $0x4000  }
0x7b: {  	[sflag:s19] =	ssyncset.done $0x0  }
0x7c: {  	[sflag:s19] =	ssyncadd.s32 $0xFFFFC000  }
0x7d: {  	[hbm4b:s12+s3] =	stream.linear.scatter [tilespmem:s18], [sflag:$0x5], $0x4000, $0x38;
	[tilespmem:$0x1E800] =	vst v63  }
0x7e: {  	_ =	swait.ge [sflag:s19], $0x4000  }
0x7f: {  	[sflag:s19] =	ssyncset.done $0x0  }
0x80: {  	[sflag:s19] =	ssyncadd.s32 $0xFFFFC000  }
0x81: {  	[tilespmem:s18], [sflag:$0x5] =	stream.linear.gather [spmem:s6], $0x4000, $0x38;
	[tilespmem:$0x1E800] =	vst v63  }
0x82: {  	_ =	swait.ge [sflag:s19], $0x4000  }
0x83: {  	[sflag:s19] =	ssyncset.done $0x0  }
0x84: {  	[sflag:s19] =	ssyncadd.s32 $0xFFFFC000  }
0x85: {  	[hbm4b:s13+s3] =	stream.linear.scatter [tilespmem:s18], [sflag:$0x5], $0x4000, $0x38;
	[tilespmem:$0x1E800] =	vst v63  }
0x86: {  	_ =	swait.ge [sflag:s19], $0x4000  }
0x87: {  	[sflag:s19] =	ssyncset.done $0x0  }
0x88: {  	[sflag:s19] =	ssyncadd.s32 $0xFFFFC000  }
0x89: {  	[tilespmem:s18], [sflag:$0x5] =	stream.linear.gather [spmem:s7], $0x4000, $0x38;
	[tilespmem:$0x1E800] =	vst v63  }
0x8a: {  	_ =	swait.ge [sflag:s19], $0x4000  }
0x8b: {  	[sflag:s19] =	ssyncset.done $0x0  }
0x8c: {  	[sflag:s19] =	ssyncadd.s32 $0xFFFFC000  }
0x8d: {  	[hbm4b:s14+s3] =	stream.linear.scatter [tilespmem:s18], [sflag:$0x5], $0x4000, $0x38;
	[tilespmem:$0x1E800] =	vst v63  }
0x8e: {  	_ =	swait.ge [sflag:s19], $0x4000  }
0x8f: {  	[sflag:s19] =	ssyncset.done $0x0  }
0x90: {  	[sflag:s19] =	ssyncadd.s32 $0xFFFFC000  }
0x91: {  	[tilespmem:s18], [sflag:$0x5] =	stream.linear.gather [spmem:s8], $0x4000, $0x38;
	[tilespmem:$0x1E800] =	vst v63  }
0x92: {  	_ =	swait.ge [sflag:s19], $0x4000  }
0x93: {  	[sflag:s19] =	ssyncset.done $0x0  }
0x94: {  	[sflag:s19] =	ssyncadd.s32 $0xFFFFC000  }
0x95: {  	[hbm4b:s15+s3] =	stream.linear.scatter [tilespmem:s18], [sflag:$0x5], $0x4000, $0x38;
	[tilespmem:$0x1E800] =	vst v63  }
0x96: {  	_ =	swait.ge [sflag:s19], $0x4000  }
0x97: {  	[sflag:s19] =	ssyncset.done $0x0  }
0x98: {  	[sflag:s19] =	ssyncadd.s32 $0xFFFFC000  }
0x99: {  	[tilespmem:s18], [sflag:$0x5] =	stream.linear.gather [spmem:s9], $0x4000, $0x38;
	[tilespmem:$0x1E800] =	vst v63  }
0x9a: {  	s28 =	sadd.s32 $0x1, s28;
	_ =	swait.ge [sflag:s19], $0x4000  }
0x9b: {  	p0 =	sne.s32 s28, s17;
	[sflag:s19] =	ssyncset.done $0x0  }
.Ltmp2:
0x9c: {  	[sflag:s19] =	ssyncadd.s32 $0xFFFFC000;
	(pc) =	sbr.rel @p0 .LBB2_1-.Ltmp2, $4  }
0x9d: {  	[hbm4b:s16+s3] =	stream.linear.scatter [tilespmem:s18], [sflag:$0x5], $0x4000, $0x38;
	[tilespmem:$0x1E800] =	vst v63  }
0x9e: {  	_ =	swait.ge [sflag:s19], $0x4000  }
0x9f: {  	[sflag:s19] =	ssyncset.done $0x0  }
0xa0: {  	[sflag:s19] =	ssyncadd.s32 $0xFFFFC000  }
0xa1: {  	_ =	sfence.sel $0x180000  }
0xa2: {  	[bflag:$0x0] =	sbarrier.arrive $0xFFFF  }
0xa3: {  	_ =	strace $0x9000004A  }
0xa4: {  	[bflag:$0x2] =	sbarrier.arrive $0xFFFF  }
0xa5: {  	p0 =	sne.s32 s1, $0x0;
	s0 =	rddreg [dreg:$0x3]  }
0xa6: {  	s0 =	sadd.s32 @!p0 $0x100000, s0  }
0xa7: {  	[sflag:s0] =	ssyncadd.tile.s32 @!p0 $0x1;
	_ =	shalt  }
.Lfunc_end2:
_tile_overlayer_lowered:
.L_overlay_start_2:
0xa8: {  	(tag) =	ssettag $0x2  }
0xa9: {  	s0 =	rddreg [dreg:$0x0];
	s2 =	stileid.u32  }
0xaa: {  	s1 =	rddreg [dreg:$0x1];
	p0 =	sne.s32 s2, $0x0  }
0xab: {  	s3 =	rddreg [dreg:$0x2];
	[bflag:$0x3] =	sbarrier.arrive $0xFFFF;
	s2 =	simm.s32 @!p0 $0x1C05  }
0xac: {  	[timem:s3], [sflag:s2] =	dma.local @!p0 [hbm:s0], s1  }
0xad: {  	s0 =	simm.s32 @!p0 $0x5  }
0xae: {  	_ =	swait.ge @!p0 [sflag:s0], s1  }
0xaf: {  	s1 =	ssub.s32 @!p0 $0x0, s1;
	[sflag:s0] =	ssyncset.done @!p0 $0x0  }
0xb0: {  	[sflag:s0] =	ssyncadd.s32 @!p0 s1  }
0xb1: {  	[bflag:$0x3] =	sbarrier.arrive $0xFFFF  }
0xb2: {  	_ =	shalt  }

// kernel: kernel.14.cloned.1.call-start
scs
__scs_entry_jumppad:
0x0: {  	(pc) =	sbr.rel $0x88, $3  }
0x1: {  	(tag) =	ssettag $0x0;
	lr =	simm.s32 $0x1  }
0x2: {  	[smem:$0x3F9B] =	sst lr;
	_ =	strace $0xD0000000  }
0x3: {  	_ = 	snop  }
0x4: {  	_ = 	snop  }
0x5: {  	_ = 	snop  }
0x6: {  	_ = 	snop  }
0x7: {  	_ = 	snop  }
__scs_overlays_trampoline_lowered:
0x8: {  	[smem:$0x3FAA] =	sst s0  }
0x9: {  	[smem:$0x3FAB] =	sst s1  }
0xa: {  	[smem:$0x3FAC] =	sst s2  }
0xb: {  	[smem:$0x3FAD] =	sst s3  }
0xc: {  	[smem:$0x3FAE] =	sst s4  }
0xd: {  	[smem:$0x3FAF] =	sst s5  }
0xe: {  	[smem:$0x3FB0] =	sst s6  }
0xf: {  	[smem:$0x3FB1] =	sst s7  }
0x10: {  	[smem:$0x3FB2] =	sst s8  }
0x11: {  	[smem:$0x3FB3] =	sst s9;
	s0 =	simm.s32 @!p0 $0x0  }
0x12: {  	s1 =	sld [smem:$0x3F99];
	s0 =	simm.s32 @p0 $0x1  }
0x13: {  	[smem:$0x3FB4] =	sst s0;
	s0 =	simm.s32 @!p1 $0x0  }
0x14: {  	s2 =	sld [smem:$0x3F98];
	s0 =	simm.s32 @p1 $0x1  }
0x15: {  	[smem:$0x3FB5] =	sst s0;
	s0 =	simm.s32 @!p2 $0x0  }
0x16: {  	s3 =	sld [smem:$0x3FDB];
	s0 =	simm.s32 @p2 $0x1  }
0x17: {  	s4 =	simm.s32 $0x1BF5;
	[smem:$0x3FB7] =	sst s0  }
0x18: {  	s0 =	sld [smem:$0x3F9A];
	_ =	swait.ge [sflag:s4], $0x0  }
0x19: {  	s7 =	sld [smem:$0x3F9B]  }
0x1a: {  	s8 =	sadd.s32 $0xFFFFE003, lr  }
0x1b: {  	s9 =	sadd.s32 $0xFFFFFEF7, lr;
	s5 =	simm.s32 $0xFFFFFFFF;
	p2 =	slt.u32 s8, $0xFFFFF086  }
0x1c: {  	p1 =	slt.u32 s9, $0xF7A;
	s5 =	simm.s32 @!p2 $0x0  }
0x1d: {  	s5 =	simm.s32 @p1 $0x1;
	p0 =	seq.s32 s7, s2  }
0x1e: {  	s7 =	smul.u32 @!p0 $0xF7A, s2;
	p2 =	seq.s32 @!p0 s5, $0x0  }
0x1f: {  	s9 =	smul.u32 $0xF7A, s1;
	s8 =	simm.s32 @!p0 $0x1BF5;
	p2 =	por !p2, p0  }
0x20: {  	[sflag:s8] =	ssyncset.s32 @!p0 $0xFFFFF086;
	s6 =	sadd.s32 @!p0 s3, s7;
	s7 =	simm.s32 @!p0 $0x108  }
0x21: {  	s3 =	sadd.s32 s3, s9;
	s6 =	sadd.s32 @!p0 $0x88, s6;
	s7 =	simm.s32 @p2 $0x1082  }
0x22: {  	[simem:s7], [sflag:s8] =	dma.local @!p0 [hbm:s6], $0xF7A  }
0x23: {  	s9 =	sor.u32 $0xD0000000, s2;
	s6 =	simm.s32 $0x108;
	_ =	swait.ge @!p0 [sflag:s8], $0x0  }
0x24: {  	s3 =	sadd.s32 $0x88, s3;
	s6 =	simm.s32 @!p1 $0x1082;
	[sflag:s4] =	ssyncset.s32 $0xFFFFF086  }
0x25: {  	[simem:s6], [sflag:s4] =	dma.local [hbm:s3], $0xF7A  }
0x26: {  	[smem:$0x3F9B] =	sst s1;
	(tag) =	ssettag s2;
	_ =	strace s9  }
0x27: {  	s1 =	sld [smem:$0x3FAB]  }
0x28: {  	s2 =	sld [smem:$0x3FAC]  }
0x29: {  	s4 =	sld [smem:$0x3FAE]  }
0x2a: {  	p0 =	seq.s32 s5, $0x0;
	s5 =	sld [smem:$0x3FAF]  }
0x2b: {  	s6 =	sld [smem:$0x3FB0]  }
0x2c: {  	s7 =	sld [smem:$0x3FB1]  }
0x2d: {  	s3 =	simm.s32 $0x108;
	s8 =	sld [smem:$0x3FB2]  }
0x2e: {  	s3 =	simm.s32 @!p0 $0x1082;
	s9 =	sld [smem:$0x3FB3]  }
0x2f: {  	lr =	sadd.s32 s0, s3;
	s0 =	sld [smem:$0x3FAA]  }
0x30: {  	s3 =	sld [smem:$0x3FAD]  }
0x31: {  	[smem:$0x3FB6] =	sst s10  }
0x32: {  	s10 =	sld [smem:$0x3FB4];
	_ =	sdelay $0x3  }
0x33: {  	p0 =	seq.s32 s10, $0x1;
	s10 =	sld [smem:$0x3FB6];
	_ =	sdelay $0x3  }
0x34: {  	[smem:$0x3FB6] =	sst s10  }
0x35: {  	s10 =	sld [smem:$0x3FB5];
	_ =	sdelay $0x3  }
0x36: {  	p1 =	seq.s32 s10, $0x1;
	s10 =	sld [smem:$0x3FB6];
	_ =	sdelay $0x3  }
0x37: {  	[smem:$0x3FB6] =	sst s10  }
0x38: {  	s10 =	sld [smem:$0x3FB7]  }
0x39: {  	_ = 	snop;
	(pc) =	sbr.ind lr, $3  }
0x3a: {  	_ = 	snop  }
0x3b: {  	_ = 	snop  }
0x3c: {  	p2 =	seq.s32 s10, $0x1;
	s10 =	sld [smem:$0x3FB6]  }
0x3d: {  	_ =	shalt  }
0x3e: {  	_ =	shalt  }
0x3f: {  	_ =	shalt  }
0x40: {  	_ =	shalt  }
0x41: {  	_ =	shalt  }
0x42: {  	_ =	shalt  }
0x43: {  	_ =	shalt  }
0x44: {  	_ =	shalt  }
0x45: {  	_ =	shalt  }
0x46: {  	_ =	shalt  }
0x47: {  	_ =	shalt  }
0x48: {  	_ =	shalt  }
0x49: {  	_ =	shalt  }
0x4a: {  	_ =	shalt  }
0x4b: {  	_ =	shalt  }
0x4c: {  	_ =	shalt  }
0x4d: {  	_ =	shalt  }
0x4e: {  	_ =	shalt  }
0x4f: {  	_ =	shalt  }
0x50: {  	_ =	shalt  }
0x51: {  	_ =	shalt  }
0x52: {  	_ =	shalt  }
0x53: {  	_ =	shalt  }
0x54: {  	_ =	shalt  }
0x55: {  	_ =	shalt  }
0x56: {  	_ =	shalt  }
0x57: {  	_ =	shalt  }
0x58: {  	_ =	shalt  }
0x59: {  	_ =	shalt  }
0x5a: {  	_ =	shalt  }
0x5b: {  	_ =	shalt  }
0x5c: {  	_ =	shalt  }
0x5d: {  	_ =	shalt  }
0x5e: {  	_ =	shalt  }
0x5f: {  	_ =	shalt  }
0x60: {  	_ =	shalt  }
0x61: {  	_ =	shalt  }
0x62: {  	_ =	shalt  }
0x63: {  	_ =	shalt  }
0x64: {  	_ =	shalt  }
0x65: {  	_ =	shalt  }
0x66: {  	_ =	shalt  }
0x67: {  	_ =	shalt  }
0x68: {  	_ =	shalt  }
0x69: {  	_ =	shalt  }
0x6a: {  	_ =	shalt  }
0x6b: {  	_ =	shalt  }
0x6c: {  	_ =	shalt  }
0x6d: {  	_ =	shalt  }
0x6e: {  	_ =	shalt  }
0x6f: {  	_ =	shalt  }
0x70: {  	_ =	shalt  }
0x71: {  	_ =	shalt  }
0x72: {  	_ =	shalt  }
0x73: {  	_ =	shalt  }
0x74: {  	_ =	shalt  }
0x75: {  	_ =	shalt  }
0x76: {  	_ =	shalt  }
0x77: {  	_ =	shalt  }
0x78: {  	_ =	shalt  }
0x79: {  	_ =	shalt  }
0x7a: {  	_ =	shalt  }
0x7b: {  	_ =	shalt  }
0x7c: {  	_ =	shalt  }
0x7d: {  	_ =	shalt  }
0x7e: {  	_ =	shalt  }
0x7f: {  	_ =	shalt  }
0x80: {  	_ =	shalt  }
0x81: {  	_ =	shalt  }
0x82: {  	_ =	shalt  }
0x83: {  	_ =	shalt  }
0x84: {  	_ =	shalt  }
0x85: {  	_ =	shalt  }
0x86: {  	_ =	shalt  }
0x87: {  	_ =	shalt  }
.Lfunc_end0:
.L_simem_size_0:
called_computation.2_lowered:
.L_overlay_start_0:
0x88: {  	s2 =	sld [smem:$0x3FD9]  }
0x89: {  	s3 =	sld [smem:$0x3FFE];
	_ =	sdelay $0x1  }
0x8a: {  	s1 =	srdreg.scid  }
0x8b: {  	s0 =	sand.u32 $0x1, s1  }
0x8c: {  	s17 =	sshll.u32 s0, $0xA;
	s2 =	sadd.s32 s3, s2  }
0x8d: {  	s2 =	sadd.s32 s2, s17  }
0x8e: {  	[smem:$0x3FC2] =	sst s2  }
0x8f: {  	_ = 	snop  }
0x90: {  	s2 =	sld [smem:$0x3FD0];
	(tm) =	ssettm $0x1  }
0x91: {  	s18 =	sld [smem:$0x3FFB];
	_ =	sdelay $0x3  }
0x92: {  	_ =	strace s18  }
0x93: {  	s3 =	sld [smem:$0x3FFC];
	_ =	sdelay $0x3  }
0x94: {  	_ =	strace s3  }
0x95: {  	s3 =	sld [smem:$0x3FFD];
	_ =	sdelay $0x3  }
0x96: {  	_ =	strace s3  }
0x97: {  	_ =	strace $0x8FFFFFFF  }
0x98: {  	s19 =	sld [smem:$0x3FDB];
	_ =	sdelay $0x1  }
0x99: {  	s4 =	simm.s32 $_scs_section_size  }
0x9a: {  	s5 =	simm.s32 $_size__tile_overlayer_lowered;
	s6 =	simm.s32 $_tile_overlayer_lowered  }
0x9b: {  	s22 =	simm.s32 $0x1BFF;
	s21 =	sshll.u32 s6, $0x1;
	s3 =	sadd.s32 s4, s19  }
0x9c: {  	s7 =	simm.s32 $0x0;
	s20 =	sshll.u32 s5, $0x1;
	s5 =	sadd.s32 s21, s3  }
0x9d: {  	[timem:s7], [sflag:s22] =	dma.local [hbm:s5], s20  }
0x9e: {  	_ =	swait.ge [sflag:s22], s20  }
0x9f: {  	s4 =	ssub.s32 $0x0, s20;
	[sflag:s22] =	ssyncset.done $0x0  }
0xa0: {  	[sflag:s22] =	ssyncadd.s32 s4;
	_ =	sdelay $0x1  }
0xa1: {  	s23 =	simm.s32 $0x1B8B  }
0xa2: {  	_ =	swait.ge [sflag:s23], $0x1  }
0xa3: {  	[sflag:s23] =	ssyncset.done $0x0  }
0xa4: {  	s25 =	simm.s32 $0x1B8E;
	s24 =	sld [smem:$0x3FFE];
	[sflag:s23] =	ssyncadd.s32 $0xFFFFFFFF  }
0xa5: {  	s26 =	simm.s32 $execute0_lowered;
	[smem:$0x3FD2] =	sst s25  }
0xa6: {  	s5 =	sshll.u32 s26, $0x1;
	_ =	strace $0x8000004C;
	[dreg:$0x1] =	wrdreg $0xFFFFFFFF  }
0xa7: {  	s28 =	simm.s32 $_size_execute0_lowered;
	s3 =	sadd.s32 s3, s5;
	[dreg:$0x0] =	wrdreg $0x0  }
0xa8: {  	s5 =	sshll.u32 s28, $0x1;
	[dreg:$0x2] =	wrdreg s3  }
0xa9: {  	[dreg:$0x3] =	wrdreg s5  }
0xaa: {  	[dreg:$0x4] =	wrdreg $0xC0  }
0xab: {  	_ =	task [dreg:s7], $0x5FFFF  }
0xac: {  	[dreg:$0x1] =	wrdreg $0xFFFFFFFF  }
0xad: {  	[dreg:$0x0] =	wrdreg $0x60  }
0xae: {  	[dreg:$0x2] =	wrdreg s24  }
0xaf: {  	[dreg:$0x3] =	wrdreg s2  }
0xb0: {  	[dreg:$0x4] =	wrdreg $0xA8000  }
0xb1: {  	[dreg:$0x5] =	wrdreg $0x9  }
0xb2: {  	_ =	task.clear_ibuf [dreg:s7], $0x6FFFF;
	_ =	strace $0x9000004C  }
0xb3: {  	s29 =	simm.s32 $0x9;
	_ =	strace $0x8000004E  }
0xb4: {  	_ =	swait.ge [sflag:s29], $0x1  }
0xb5: {  	[sflag:s29] =	ssyncadd.s32 $0xFFFFFFFF  }
0xb6: {  	_ =	strace $0x9000004E  }
0xb7: {  	_ =	sfence  }
0xb8: {  	s30 =	sld [smem:$0x0];
	_ =	sdelay $0x2  }
0xb9: {  	s31 =	sshll.u32 s1, $0xD;
	s1 =	sshrl.u32 s1, $0x2  }
0xba: {  	s3 =	sand.u32 $0x4000, s31;
	s1 =	sadd.s32 s1, s30  }
0xbb: {  	s0 =	sor.u32 s3, s0;
	s1 =	sshll.u32 s1, $0x11  }
0xbc: {  	s0 =	sor.u32 s1, s0  }
0xbd: {  	s0 =	sadd.s32 $0x8F2B, s0  }
0xbe: {  	[sflag:s0] =	ssyncadd.remote.s32 $0x1  }
0xbf: {  	_ =	sfence.sel $0xFFFF  }
0xc0: {  	[dreg:$0x0] =	wrdreg $0xFFFFFFFF;
	(pc) =	sbr.abs _section_cstart, $3  }
0xc1: {  	[dreg:$0x1] =	wrdreg $0xFFFFFFFF  }
0xc2: {  	_ =	task.clear_ibuf [dreg:s7], $0x2FFFF;
	_ =	strace $0x9FFFFFFF  }
0xc3: {  	(tm) =	ssettm $0x7FFFFFFF  }
tec
execute0_lowered:
.L_overlay_start_1:
0x0: {  	(tag) =	ssettag $0x1  }
0x1: {  	s5 =	rddreg [dreg:$0x0]  }
0x2: {  	s0 =	srdreg.scid;
	s10 =	rddreg [dreg:$0x1]  }
0x3: {  	s2 =	rddreg [dreg:$0x2];
	s1 =	stileid.u32  }
0x4: {  	s3 =	simm.s32 $0x0;
	s21 =	simm.s32 $0x80;
	s22 =	simm.s32 $0x6800  }
0x5: {  	s23 =	simm.s32 $0x1;
	s24 =	simm.s32 $0x2;
	s25 =	simm.s32 $0x3  }
0x6: {  	s28 =	simm.s32 $0x0;
	s7 =	sand.u32 $0x1, s0;
	s6 =	smul.u32 $0x50000, s1  }
0x7: {  	[smem:$0x7FF] =	sst s3;
	s13 =	smul.u32 $0x14000, s1;
	s16 =	sadd.s32 $0x2E800, s5  }
0x8: {  	s4 =	sshll.u32 s7, $0x4;
	_ =	strace $0x8000004D;
	s8 =	ssub.s32 $0x2, s7  }
0x9: {  	s18 =	smul.u32 $0x140000, s7;
	s4 =	sor.u32 s1, s4;
	s26 =	sshrl.u32 s8, $0x1  }
0xa: {  	s6 =	sshrl.u32 s6, $0x2;
	s14 =	sadd.s32 $0x4000, s13;
	s15 =	sadd.s32 $0x8000, s13  }
0xb: {  	s19 =	sadd.s32 $0xC000, s13;
	s20 =	sadd.s32 $0x10000, s13;
	s11 =	smul.u32 $0x280, s4  }
0xc: {  	s4 =	sadd.s32 $0x6800, s5;
	s17 =	ssub.s32 s8, s26;
	s7 =	sadd.s32 s15, s2  }
0xd: {  	s8 =	sadd.s32 s19, s2;
	s9 =	sadd.s32 s20, s2;
	s13 =	sadd.s32 s13, s18  }
0xe: {  	s30 =	sadd.s32 s18, s15;
	s31 =	sadd.s32 s18, s19;
	s19 =	simm.s32 $0x5  }
0xf: {  	s26 =	simm.s32 $0x4;
	s13 =	sshrl.u32 s13, $0x3;
	s15 =	sshrl.u32 s31, $0x3  }
0x10: {  	s17 =	smax.u32 s17, $0x1;
	s12 =	sadd.s32 s11, s5;
	s5 =	sadd.s32 s6, s2  }
0x11: {  	s6 =	sadd.s32 s14, s2;
	s10 =	sadd.s32 s10, s11;
	s14 =	sadd.s32 s18, s14  }
0x12: {  	s18 =	sadd.s32 s18, s20;
	s15 =	sadd.s32 s16, s15;
	s20 =	simm.s32 $0x1400  }
0x13: {  	s11 =	sadd.s32 $0x1800, s12;
	s12 =	sadd.s32 s16, s13;
	s29 =	sshrl.u32 s14, $0x3  }
0x14: {  	s14 =	sshrl.u32 s30, $0x3;
	s18 =	sshrl.u32 s18, $0x3;
	s13 =	sadd.s32 s16, s29  }
0x15: {  	v0 =	vimm.f32 $0.0e+00;
	s14 =	sadd.s32 s16, s14;
	s16 =	sadd.s32 s16, s18;
	s18 =	simm.s32 $0x2800  }
.LBB2_1:
0x16: {  	s29 =	simm.s32 $0x0;
	s30 =	simm.s32 $0x200  }
.LBB2_2:
0x17: {  	p0 =	sne.s32 s30, $0xFE00;
	[tilespmem:s29+$0x2870] =	vst v0  }
0x18: {  	[tilespmem:s29+$0x2800] =	vst v0  }
0x19: {  	[tilespmem:s29+$0x2810] =	vst v0  }
.Ltmp0:
0x1a: {  	[tilespmem:s29+$0x2820] =	vst v0;
	(pc) =	sbr.rel @p0 .LBB2_2-.Ltmp0, $4  }
0x1b: {  	[tilespmem:s29+$0x2830] =	vst v0  }
0x1c: {  	[tilespmem:s29+$0x2840] =	vst v0  }
0x1d: {  	[tilespmem:s29+$0x2850] =	vst v0  }
0x1e: {  	[tilespmem:s29+$0x2860] =	vst v0;
	s29 =	sshra.s32 s30, $0x2;
	s30 =	sadd.s32 $0x200, s30  }
0x1f: {  	[tilespmem:s29+$0x2870] =	vst v0  }
0x20: {  	[tilespmem:s29+$0x2800] =	vst v0  }
0x21: {  	[tilespmem:s29+$0x2810] =	vst v0  }
0x22: {  	[tilespmem:s29+$0x2820] =	vst v0  }
0x23: {  	[tilespmem:s29+$0x2830] =	vst v0  }
0x24: {  	[tilespmem:s29+$0x2840] =	vst v0  }
0x25: {  	[tilespmem:s29+$0x2850] =	vst v0  }
0x26: {  	[tilespmem:s29+$0x2860] =	vst v0  }
0x27: {  	[spmem:s5] =	stream.linear.scatter [tilespmem:s18], [sflag:$0x5], $0x4000, $0x38;
	[tilespmem:$0x1E800] =	vst v63  }
0x28: {  	_ =	swait.ge [sflag:s19], $0x4000  }
0x29: {  	[sflag:s19] =	ssyncset.done $0x0  }
0x2a: {  	[sflag:s19] =	ssyncadd.s32 $0xFFFFC000  }
0x2b: {  	[spmem:s6] =	stream.linear.scatter [tilespmem:s18], [sflag:$0x5], $0x4000, $0x38;
	[tilespmem:$0x1E800] =	vst v63  }
0x2c: {  	_ =	swait.ge [sflag:s19], $0x4000  }
0x2d: {  	[sflag:s19] =	ssyncset.done $0x0  }
0x2e: {  	[sflag:s19] =	ssyncadd.s32 $0xFFFFC000  }
0x2f: {  	[spmem:s7] =	stream.linear.scatter [tilespmem:s18], [sflag:$0x5], $0x4000, $0x38;
	[tilespmem:$0x1E800] =	vst v63  }
0x30: {  	_ =	swait.ge [sflag:s19], $0x4000  }
0x31: {  	[sflag:s19] =	ssyncset.done $0x0  }
0x32: {  	[sflag:s19] =	ssyncadd.s32 $0xFFFFC000  }
0x33: {  	[spmem:s8] =	stream.linear.scatter [tilespmem:s18], [sflag:$0x5], $0x4000, $0x38;
	[tilespmem:$0x1E800] =	vst v63  }
0x34: {  	_ =	swait.ge [sflag:s19], $0x4000  }
0x35: {  	[sflag:s19] =	ssyncset.done $0x0  }
0x36: {  	[sflag:s19] =	ssyncadd.s32 $0xFFFFC000  }
0x37: {  	[spmem:s9] =	stream.linear.scatter [tilespmem:s18], [sflag:$0x5], $0x4000, $0x38;
	[tilespmem:$0x1E800] =	vst v63  }
0x38: {  	_ =	swait.ge [sflag:s19], $0x4000  }
0x39: {  	[sflag:s19] =	ssyncset.done $0x0  }
0x3a: {  	[sflag:s19] =	ssyncadd.s32 $0xFFFFC000  }
0x3b: {  	s29 =	simm.s32 $0x0;
	[bflag:$0x0] =	sbarrier.arrive $0xFFFF  }
0x3c: {  	[tilespmem:s29], [sflag:$0x5] =	stream.linear.gather [hbm4b:s10+s29], $0x1400, $0x38;
	[tilespmem:$0x1E800] =	vst v63  }
0x3d: {  	_ =	swait.ge [sflag:s19], $0x1400  }
0x3e: {  	[sflag:s19] =	ssyncset.done $0x0  }
0x3f: {  	[sflag:s19] =	ssyncadd.s32 $0xFFFFEC00  }
0x40: {  	[tilespmem:s20], [sflag:$0x5] =	stream.linear.gather [hbm4b:s11+s29], $0x1400, $0x38;
	[tilespmem:$0x1E800] =	vst v63  }
0x41: {  	_ =	swait.ge [sflag:s19], $0x1400  }
0x42: {  	[sflag:s19] =	ssyncset.done $0x0  }
0x43: {  	s29 =	simm.s32 $0x0;
	[sflag:s19] =	ssyncadd.s32 $0xFFFFEC00  }
0x44: {  	[tilespmem:s18], [sflag:$0x1] =	stream.indirect.gather [hbm4b:s4+s21], $0x80, s29, s21, $0xb8;
	[tilespmem:$0x1E800] =	vst v63  }
0x45: {  	s29 =	simm.s32 $0x80  }
0x46: {  	[tilespmem:s22], [sflag:$0x2] =	stream.indirect.gather [hbm4b:s4+s21], $0x80, s29, s21, $0xb8;
	[tilespmem:$0x1E800] =	vst v63  }
0x47: {  	_ =	swait.ge [sflag:s23], $0x4000  }
0x48: {  	[sflag:s23] =	ssyncset.done $0x0  }
0x49: {  	s29 =	simm.s32 $0x1400;
	[sflag:s23] =	ssyncadd.s32 $0xFFFFC000  }
0x4a: {  	[spmem:s2] =	stream.indirect.scatter.add.f32 [tilespmem:s18], [sflag:$0x3], $0x80, s29, s21, $0xb8;
	[tilespmem:$0x1E800] =	vst v63  }
0x4b: {  	_ =	swait.ge [sflag:s24], $0x4000  }
0x4c: {  	[sflag:s24] =	ssyncset.done $0x0  }
0x4d: {  	s29 =	simm.s32 $0x1480;
	[sflag:s24] =	ssyncadd.s32 $0xFFFFC000  }
0x4e: {  	[spmem:s2] =	stream.indirect.scatter.add.f32 [tilespmem:s22], [sflag:$0x4], $0x80, s29, s21, $0xb8;
	[tilespmem:$0x1E800] =	vst v63  }
0x4f: {  	_ =	swait.ge [sflag:s25], $0x4000  }
0x50: {  	[sflag:s25] =	ssyncset.done $0x0  }
0x51: {  	[sflag:s25] =	ssyncadd.s32 $0xFFFFC000  }
0x52: {  	_ =	swait.ge [sflag:s26], $0x4000  }
0x53: {  	s30 =	simm.s32 $0x800;
	s29 =	simm.s32 $0x400;
	[sflag:s26] =	ssyncset.done $0x0  }
.LBB2_4:
0x54: {  	s31 =	sshra.s32 s29, $0x2  }
0x55: {  	[sflag:s26] =	ssyncadd.s32 $0xFFFFC000;
	s29 =	smov.u32 s30;
	s0 =	sadd.s32 $0x400, s30  }
0x56: {  	[tilespmem:s18], [sflag:$0x1] =	stream.indirect.gather [hbm4b:s4+s21], $0x80, s31, s21, $0xb8;
	[tilespmem:$0x1E800] =	vst v63  }
0x57: {  	p0 =	sne.s32 s30, $0x4C00;
	s30 =	sadd.s32 $0x80, s31  }
0x58: {  	[tilespmem:s22], [sflag:$0x2] =	stream.indirect.gather [hbm4b:s4+s21], $0x80, s30, s21, $0xb8;
	[tilespmem:$0x1E800] =	vst v63  }
0x59: {  	_ =	swait.ge [sflag:s23], $0x4000  }
0x5a: {  	[sflag:s23] =	ssyncset.done $0x0  }
0x5b: {  	s30 =	sadd.s32 $0x1400, s31;
	[sflag:s23] =	ssyncadd.s32 $0xFFFFC000  }
0x5c: {  	[spmem:s2] =	stream.indirect.scatter.add.f32 [tilespmem:s18], [sflag:$0x3], $0x80, s30, s21, $0xb8;
	[tilespmem:$0x1E800] =	vst v63  }
0x5d: {  	_ =	swait.ge [sflag:s24], $0x4000  }
0x5e: {  	[sflag:s24] =	ssyncset.done $0x0  }
0x5f: {  	s30 =	sadd.s32 $0x1480, s31;
	[sflag:s24] =	ssyncadd.s32 $0xFFFFC000  }
0x60: {  	[spmem:s2] =	stream.indirect.scatter.add.f32 [tilespmem:s22], [sflag:$0x4], $0x80, s30, s21, $0xb8;
	[tilespmem:$0x1E800] =	vst v63  }
.Ltmp1:
0x61: {  	_ =	swait.ge [sflag:s25], $0x4000;
	(pc) =	sbr.rel @p0 .LBB2_4-.Ltmp1, $4  }
0x62: {  	[sflag:s25] =	ssyncset.done $0x0  }
0x63: {  	[sflag:s25] =	ssyncadd.s32 $0xFFFFC000  }
0x64: {  	_ =	swait.ge [sflag:s26], $0x4000  }
0x65: {  	s30 =	smov.u32 s0;
	[sflag:s26] =	ssyncset.done $0x0  }
0x66: {  	s0 =	sshra.s32 s29, $0x2;
	[sflag:s26] =	ssyncadd.s32 $0xFFFFC000  }
0x67: {  	[tilespmem:s18], [sflag:$0x1] =	stream.indirect.gather [hbm4b:s4+s21], $0x80, s0, s21, $0xb8;
	[tilespmem:$0x1E800] =	vst v63  }
0x68: {  	s29 =	sadd.s32 $0x80, s0  }
0x69: {  	[tilespmem:s22], [sflag:$0x2] =	stream.indirect.gather [hbm4b:s4+s21], $0x80, s29, s21, $0xb8;
	[tilespmem:$0x1E800] =	vst v63  }
0x6a: {  	_ =	swait.ge [sflag:s23], $0x4000  }
0x6b: {  	[sflag:s23] =	ssyncset.done $0x0  }
0x6c: {  	s31 =	sadd.s32 $0x1400, s0;
	[sflag:s23] =	ssyncadd.s32 $0xFFFFC000  }
0x6d: {  	[spmem:s2] =	stream.indirect.scatter.add.f32 [tilespmem:s18], [sflag:$0x3], $0x80, s31, s21, $0xb8;
	[tilespmem:$0x1E800] =	vst v63  }
0x6e: {  	_ =	swait.ge [sflag:s24], $0x4000  }
0x6f: {  	[sflag:s24] =	ssyncset.done $0x0  }
0x70: {  	s0 =	sadd.s32 $0x1480, s0;
	[sflag:s24] =	ssyncadd.s32 $0xFFFFC000  }
0x71: {  	[spmem:s2] =	stream.indirect.scatter.add.f32 [tilespmem:s22], [sflag:$0x4], $0x80, s0, s21, $0xb8;
	[tilespmem:$0x1E800] =	vst v63  }
0x72: {  	_ =	swait.ge [sflag:s25], $0x4000  }
0x73: {  	[sflag:s25] =	ssyncset.done $0x0  }
0x74: {  	[sflag:s25] =	ssyncadd.s32 $0xFFFFC000  }
0x75: {  	_ =	swait.ge [sflag:s26], $0x4000  }
0x76: {  	[sflag:s26] =	ssyncset.done $0x0  }
0x77: {  	[sflag:s26] =	ssyncadd.s32 $0xFFFFC000  }
0x78: {  	[bflag:$0x0] =	sbarrier.arrive $0xFFFF  }
0x79: {  	[tilespmem:s18], [sflag:$0x5] =	stream.linear.gather [spmem:s5], $0x4000, $0x38;
	[tilespmem:$0x1E800] =	vst v63  }
0x7a: {  	_ =	swait.ge [sflag:s19], $0x4000  }
0x7b: {  	[sflag:s19] =	ssyncset.done $0x0  }
0x7c: {  	[sflag:s19] =	ssyncadd.s32 $0xFFFFC000  }
0x7d: {  	[hbm4b:s12+s3] =	stream.linear.scatter [tilespmem:s18], [sflag:$0x5], $0x4000, $0x38;
	[tilespmem:$0x1E800] =	vst v63  }
0x7e: {  	_ =	swait.ge [sflag:s19], $0x4000  }
0x7f: {  	[sflag:s19] =	ssyncset.done $0x0  }
0x80: {  	[sflag:s19] =	ssyncadd.s32 $0xFFFFC000  }
0x81: {  	[tilespmem:s18], [sflag:$0x5] =	stream.linear.gather [spmem:s6], $0x4000, $0x38;
	[tilespmem:$0x1E800] =	vst v63  }
0x82: {  	_ =	swait.ge [sflag:s19], $0x4000  }
0x83: {  	[sflag:s19] =	ssyncset.done $0x0  }
0x84: {  	[sflag:s19] =	ssyncadd.s32 $0xFFFFC000  }
0x85: {  	[hbm4b:s13+s3] =	stream.linear.scatter [tilespmem:s18], [sflag:$0x5], $0x4000, $0x38;
	[tilespmem:$0x1E800] =	vst v63  }
0x86: {  	_ =	swait.ge [sflag:s19], $0x4000  }
0x87: {  	[sflag:s19] =	ssyncset.done $0x0  }
0x88: {  	[sflag:s19] =	ssyncadd.s32 $0xFFFFC000  }
0x89: {  	[tilespmem:s18], [sflag:$0x5] =	stream.linear.gather [spmem:s7], $0x4000, $0x38;
	[tilespmem:$0x1E800] =	vst v63  }
0x8a: {  	_ =	swait.ge [sflag:s19], $0x4000  }
0x8b: {  	[sflag:s19] =	ssyncset.done $0x0  }
0x8c: {  	[sflag:s19] =	ssyncadd.s32 $0xFFFFC000  }
0x8d: {  	[hbm4b:s14+s3] =	stream.linear.scatter [tilespmem:s18], [sflag:$0x5], $0x4000, $0x38;
	[tilespmem:$0x1E800] =	vst v63  }
0x8e: {  	_ =	swait.ge [sflag:s19], $0x4000  }
0x8f: {  	[sflag:s19] =	ssyncset.done $0x0  }
0x90: {  	[sflag:s19] =	ssyncadd.s32 $0xFFFFC000  }
0x91: {  	[tilespmem:s18], [sflag:$0x5] =	stream.linear.gather [spmem:s8], $0x4000, $0x38;
	[tilespmem:$0x1E800] =	vst v63  }
0x92: {  	_ =	swait.ge [sflag:s19], $0x4000  }
0x93: {  	[sflag:s19] =	ssyncset.done $0x0  }
0x94: {  	[sflag:s19] =	ssyncadd.s32 $0xFFFFC000  }
0x95: {  	[hbm4b:s15+s3] =	stream.linear.scatter [tilespmem:s18], [sflag:$0x5], $0x4000, $0x38;
	[tilespmem:$0x1E800] =	vst v63  }
0x96: {  	_ =	swait.ge [sflag:s19], $0x4000  }
0x97: {  	[sflag:s19] =	ssyncset.done $0x0  }
0x98: {  	[sflag:s19] =	ssyncadd.s32 $0xFFFFC000  }
0x99: {  	[tilespmem:s18], [sflag:$0x5] =	stream.linear.gather [spmem:s9], $0x4000, $0x38;
	[tilespmem:$0x1E800] =	vst v63  }
0x9a: {  	s28 =	sadd.s32 $0x1, s28;
	_ =	swait.ge [sflag:s19], $0x4000  }
0x9b: {  	p0 =	sne.s32 s28, s17;
	[sflag:s19] =	ssyncset.done $0x0  }
.Ltmp2:
0x9c: {  	[sflag:s19] =	ssyncadd.s32 $0xFFFFC000;
	(pc) =	sbr.rel @p0 .LBB2_1-.Ltmp2, $4  }
0x9d: {  	[hbm4b:s16+s3] =	stream.linear.scatter [tilespmem:s18], [sflag:$0x5], $0x4000, $0x38;
	[tilespmem:$0x1E800] =	vst v63  }
0x9e: {  	_ =	swait.ge [sflag:s19], $0x4000  }
0x9f: {  	[sflag:s19] =	ssyncset.done $0x0  }
0xa0: {  	[sflag:s19] =	ssyncadd.s32 $0xFFFFC000  }
0xa1: {  	_ =	sfence.sel $0x180000  }
0xa2: {  	[bflag:$0x0] =	sbarrier.arrive $0xFFFF  }
0xa3: {  	_ =	strace $0x9000004D  }
0xa4: {  	[bflag:$0x2] =	sbarrier.arrive $0xFFFF  }
0xa5: {  	p0 =	sne.s32 s1, $0x0;
	s0 =	rddreg [dreg:$0x3]  }
0xa6: {  	s0 =	sadd.s32 @!p0 $0x100000, s0  }
0xa7: {  	[sflag:s0] =	ssyncadd.tile.s32 @!p0 $0x1;
	_ =	shalt  }
.Lfunc_end2:
_tile_overlayer_lowered:
.L_overlay_start_2:
0xa8: {  	(tag) =	ssettag $0x2  }
0xa9: {  	s0 =	rddreg [dreg:$0x0];
	s2 =	stileid.u32  }
0xaa: {  	s1 =	rddreg [dreg:$0x1];
	p0 =	sne.s32 s2, $0x0  }
0xab: {  	s3 =	rddreg [dreg:$0x2];
	[bflag:$0x3] =	sbarrier.arrive $0xFFFF;
	s2 =	simm.s32 @!p0 $0x1C05  }
0xac: {  	[timem:s3], [sflag:s2] =	dma.local @!p0 [hbm:s0], s1  }
0xad: {  	s0 =	simm.s32 @!p0 $0x5  }
0xae: {  	_ =	swait.ge @!p0 [sflag:s0], s1  }
0xaf: {  	s1 =	ssub.s32 @!p0 $0x0, s1;
	[sflag:s0] =	ssyncset.done @!p0 $0x0  }
0xb0: {  	[sflag:s0] =	ssyncadd.s32 @!p0 s1  }
0xb1: {  	[bflag:$0x3] =	sbarrier.arrive $0xFFFF  }
0xb2: {  	_ =	shalt  }

// kernel: kernel.8.cloned.1.call-start
scs
__scs_entry_jumppad:
0x0: {  	(pc) =	sbr.rel $0x88, $3  }
0x1: {  	(tag) =	ssettag $0x0;
	lr =	simm.s32 $0x1  }
0x2: {  	[smem:$0x3F9B] =	sst lr;
	_ =	strace $0xD0000000  }
0x3: {  	_ = 	snop  }
0x4: {  	_ = 	snop  }
0x5: {  	_ = 	snop  }
0x6: {  	_ = 	snop  }
0x7: {  	_ = 	snop  }
__scs_overlays_trampoline_lowered:
0x8: {  	[smem:$0x3FAA] =	sst s0  }
0x9: {  	[smem:$0x3FAB] =	sst s1  }
0xa: {  	[smem:$0x3FAC] =	sst s2  }
0xb: {  	[smem:$0x3FAD] =	sst s3  }
0xc: {  	[smem:$0x3FAE] =	sst s4  }
0xd: {  	[smem:$0x3FAF] =	sst s5  }
0xe: {  	[smem:$0x3FB0] =	sst s6  }
0xf: {  	[smem:$0x3FB1] =	sst s7  }
0x10: {  	[smem:$0x3FB2] =	sst s8  }
0x11: {  	[smem:$0x3FB3] =	sst s9;
	s0 =	simm.s32 @!p0 $0x0  }
0x12: {  	s1 =	sld [smem:$0x3F99];
	s0 =	simm.s32 @p0 $0x1  }
0x13: {  	[smem:$0x3FB4] =	sst s0;
	s0 =	simm.s32 @!p1 $0x0  }
0x14: {  	s2 =	sld [smem:$0x3F98];
	s0 =	simm.s32 @p1 $0x1  }
0x15: {  	[smem:$0x3FB5] =	sst s0;
	s0 =	simm.s32 @!p2 $0x0  }
0x16: {  	s3 =	sld [smem:$0x3FDB];
	s0 =	simm.s32 @p2 $0x1  }
0x17: {  	s4 =	simm.s32 $0x1BF5;
	[smem:$0x3FB7] =	sst s0  }
0x18: {  	s0 =	sld [smem:$0x3F9A];
	_ =	swait.ge [sflag:s4], $0x0  }
0x19: {  	s7 =	sld [smem:$0x3F9B]  }
0x1a: {  	s8 =	sadd.s32 $0xFFFFE003, lr  }
0x1b: {  	s9 =	sadd.s32 $0xFFFFFEF7, lr;
	s5 =	simm.s32 $0xFFFFFFFF;
	p2 =	slt.u32 s8, $0xFFFFF086  }
0x1c: {  	p1 =	slt.u32 s9, $0xF7A;
	s5 =	simm.s32 @!p2 $0x0  }
0x1d: {  	s5 =	simm.s32 @p1 $0x1;
	p0 =	seq.s32 s7, s2  }
0x1e: {  	s7 =	smul.u32 @!p0 $0xF7A, s2;
	p2 =	seq.s32 @!p0 s5, $0x0  }
0x1f: {  	s9 =	smul.u32 $0xF7A, s1;
	s8 =	simm.s32 @!p0 $0x1BF5;
	p2 =	por !p2, p0  }
0x20: {  	[sflag:s8] =	ssyncset.s32 @!p0 $0xFFFFF086;
	s6 =	sadd.s32 @!p0 s3, s7;
	s7 =	simm.s32 @!p0 $0x108  }
0x21: {  	s3 =	sadd.s32 s3, s9;
	s6 =	sadd.s32 @!p0 $0x88, s6;
	s7 =	simm.s32 @p2 $0x1082  }
0x22: {  	[simem:s7], [sflag:s8] =	dma.local @!p0 [hbm:s6], $0xF7A  }
0x23: {  	s9 =	sor.u32 $0xD0000000, s2;
	s6 =	simm.s32 $0x108;
	_ =	swait.ge @!p0 [sflag:s8], $0x0  }
0x24: {  	s3 =	sadd.s32 $0x88, s3;
	s6 =	simm.s32 @!p1 $0x1082;
	[sflag:s4] =	ssyncset.s32 $0xFFFFF086  }
0x25: {  	[simem:s6], [sflag:s4] =	dma.local [hbm:s3], $0xF7A  }
0x26: {  	[smem:$0x3F9B] =	sst s1;
	(tag) =	ssettag s2;
	_ =	strace s9  }
0x27: {  	s1 =	sld [smem:$0x3FAB]  }
0x28: {  	s2 =	sld [smem:$0x3FAC]  }
0x29: {  	s4 =	sld [smem:$0x3FAE]  }
0x2a: {  	p0 =	seq.s32 s5, $0x0;
	s5 =	sld [smem:$0x3FAF]  }
0x2b: {  	s6 =	sld [smem:$0x3FB0]  }
0x2c: {  	s7 =	sld [smem:$0x3FB1]  }
0x2d: {  	s3 =	simm.s32 $0x108;
	s8 =	sld [smem:$0x3FB2]  }
0x2e: {  	s3 =	simm.s32 @!p0 $0x1082;
	s9 =	sld [smem:$0x3FB3]  }
0x2f: {  	lr =	sadd.s32 s0, s3;
	s0 =	sld [smem:$0x3FAA]  }
0x30: {  	s3 =	sld [smem:$0x3FAD]  }
0x31: {  	[smem:$0x3FB6] =	sst s10  }
0x32: {  	s10 =	sld [smem:$0x3FB4];
	_ =	sdelay $0x3  }
0x33: {  	p0 =	seq.s32 s10, $0x1;
	s10 =	sld [smem:$0x3FB6];
	_ =	sdelay $0x3  }
0x34: {  	[smem:$0x3FB6] =	sst s10  }
0x35: {  	s10 =	sld [smem:$0x3FB5];
	_ =	sdelay $0x3  }
0x36: {  	p1 =	seq.s32 s10, $0x1;
	s10 =	sld [smem:$0x3FB6];
	_ =	sdelay $0x3  }
0x37: {  	[smem:$0x3FB6] =	sst s10  }
0x38: {  	s10 =	sld [smem:$0x3FB7]  }
0x39: {  	_ = 	snop;
	(pc) =	sbr.ind lr, $3  }
0x3a: {  	_ = 	snop  }
0x3b: {  	_ = 	snop  }
0x3c: {  	p2 =	seq.s32 s10, $0x1;
	s10 =	sld [smem:$0x3FB6]  }
0x3d: {  	_ =	shalt  }
0x3e: {  	_ =	shalt  }
0x3f: {  	_ =	shalt  }
0x40: {  	_ =	shalt  }
0x41: {  	_ =	shalt  }
0x42: {  	_ =	shalt  }
0x43: {  	_ =	shalt  }
0x44: {  	_ =	shalt  }
0x45: {  	_ =	shalt  }
0x46: {  	_ =	shalt  }
0x47: {  	_ =	shalt  }
0x48: {  	_ =	shalt  }
0x49: {  	_ =	shalt  }
0x4a: {  	_ =	shalt  }
0x4b: {  	_ =	shalt  }
0x4c: {  	_ =	shalt  }
0x4d: {  	_ =	shalt  }
0x4e: {  	_ =	shalt  }
0x4f: {  	_ =	shalt  }
0x50: {  	_ =	shalt  }
0x51: {  	_ =	shalt  }
0x52: {  	_ =	shalt  }
0x53: {  	_ =	shalt  }
0x54: {  	_ =	shalt  }
0x55: {  	_ =	shalt  }
0x56: {  	_ =	shalt  }
0x57: {  	_ =	shalt  }
0x58: {  	_ =	shalt  }
0x59: {  	_ =	shalt  }
0x5a: {  	_ =	shalt  }
0x5b: {  	_ =	shalt  }
0x5c: {  	_ =	shalt  }
0x5d: {  	_ =	shalt  }
0x5e: {  	_ =	shalt  }
0x5f: {  	_ =	shalt  }
0x60: {  	_ =	shalt  }
0x61: {  	_ =	shalt  }
0x62: {  	_ =	shalt  }
0x63: {  	_ =	shalt  }
0x64: {  	_ =	shalt  }
0x65: {  	_ =	shalt  }
0x66: {  	_ =	shalt  }
0x67: {  	_ =	shalt  }
0x68: {  	_ =	shalt  }
0x69: {  	_ =	shalt  }
0x6a: {  	_ =	shalt  }
0x6b: {  	_ =	shalt  }
0x6c: {  	_ =	shalt  }
0x6d: {  	_ =	shalt  }
0x6e: {  	_ =	shalt  }
0x6f: {  	_ =	shalt  }
0x70: {  	_ =	shalt  }
0x71: {  	_ =	shalt  }
0x72: {  	_ =	shalt  }
0x73: {  	_ =	shalt  }
0x74: {  	_ =	shalt  }
0x75: {  	_ =	shalt  }
0x76: {  	_ =	shalt  }
0x77: {  	_ =	shalt  }
0x78: {  	_ =	shalt  }
0x79: {  	_ =	shalt  }
0x7a: {  	_ =	shalt  }
0x7b: {  	_ =	shalt  }
0x7c: {  	_ =	shalt  }
0x7d: {  	_ =	shalt  }
0x7e: {  	_ =	shalt  }
0x7f: {  	_ =	shalt  }
0x80: {  	_ =	shalt  }
0x81: {  	_ =	shalt  }
0x82: {  	_ =	shalt  }
0x83: {  	_ =	shalt  }
0x84: {  	_ =	shalt  }
0x85: {  	_ =	shalt  }
0x86: {  	_ =	shalt  }
0x87: {  	_ =	shalt  }
.Lfunc_end0:
.L_simem_size_0:
called_computation_lowered:
.L_overlay_start_0:
0x88: {  	s2 =	sld [smem:$0x3FD9]  }
0x89: {  	s3 =	sld [smem:$0x3FFE];
	_ =	sdelay $0x1  }
0x8a: {  	s1 =	srdreg.scid  }
0x8b: {  	s0 =	sand.u32 $0x1, s1  }
0x8c: {  	s16 =	sshll.u32 s0, $0xA;
	s2 =	sadd.s32 s3, s2  }
0x8d: {  	s2 =	sadd.s32 s2, s16  }
0x8e: {  	[smem:$0x3FC2] =	sst s2  }
0x8f: {  	_ = 	snop  }
0x90: {  	(tm) =	ssettm $0x1  }
0x91: {  	s17 =	sld [smem:$0x3FFB];
	_ =	sdelay $0x3  }
0x92: {  	_ =	strace s17  }
0x93: {  	s2 =	sld [smem:$0x3FFC];
	_ =	sdelay $0x3  }
0x94: {  	_ =	strace s2  }
0x95: {  	s2 =	sld [smem:$0x3FFD];
	_ =	sdelay $0x3  }
0x96: {  	_ =	strace s2  }
0x97: {  	_ =	strace $0x8FFFFFFF  }
0x98: {  	s18 =	sld [smem:$0x3FDB];
	_ =	sdelay $0x1  }
0x99: {  	s19 =	simm.s32 $_scs_section_size  }
0x9a: {  	s4 =	simm.s32 $_size__tile_overlayer_lowered;
	s5 =	simm.s32 $_tile_overlayer_lowered  }
0x9b: {  	s22 =	simm.s32 $0x1BFF;
	s21 =	sshll.u32 s5, $0x1;
	s2 =	sadd.s32 s19, s18  }
0x9c: {  	s6 =	simm.s32 $0x0;
	s20 =	sshll.u32 s4, $0x1;
	s4 =	sadd.s32 s21, s2  }
0x9d: {  	[timem:s6], [sflag:s22] =	dma.local [hbm:s4], s20  }
0x9e: {  	_ =	swait.ge [sflag:s22], s20  }
0x9f: {  	s3 =	ssub.s32 $0x0, s20;
	[sflag:s22] =	ssyncset.done $0x0  }
0xa0: {  	[sflag:s22] =	ssyncadd.s32 s3;
	_ =	sdelay $0x1  }
0xa1: {  	s23 =	simm.s32 $0x1B8B  }
0xa2: {  	_ =	swait.ge [sflag:s23], $0x1  }
0xa3: {  	[sflag:s23] =	ssyncset.done $0x0  }
0xa4: {  	s25 =	simm.s32 $0x1B8E;
	s24 =	sld [smem:$0x3FFE];
	[sflag:s23] =	ssyncadd.s32 $0xFFFFFFFF  }
0xa5: {  	s26 =	simm.s32 $execute0_lowered;
	[smem:$0x3FD2] =	sst s25  }
0xa6: {  	s4 =	sshll.u32 s26, $0x1;
	_ =	strace $0x80000046;
	[dreg:$0x1] =	wrdreg $0xFFFFFFFF  }
0xa7: {  	s28 =	simm.s32 $_size_execute0_lowered;
	s2 =	sadd.s32 s2, s4;
	[dreg:$0x0] =	wrdreg $0x0  }
0xa8: {  	s4 =	sshll.u32 s28, $0x1;
	[dreg:$0x2] =	wrdreg s2  }
0xa9: {  	[dreg:$0x3] =	wrdreg s4  }
0xaa: {  	[dreg:$0x4] =	wrdreg $0xC0  }
0xab: {  	_ =	task [dreg:s6], $0x5FFFF  }
0xac: {  	[dreg:$0x1] =	wrdreg $0xFFFFFFFF  }
0xad: {  	[dreg:$0x0] =	wrdreg $0x60  }
0xae: {  	[dreg:$0x2] =	wrdreg s24  }
0xaf: {  	[dreg:$0x3] =	wrdreg $0x54000  }
0xb0: {  	[dreg:$0x4] =	wrdreg $0x9  }
0xb1: {  	_ =	task.clear_ibuf [dreg:s6], $0x5FFFF;
	_ =	strace $0x90000046  }
0xb2: {  	s29 =	simm.s32 $0x9;
	_ =	strace $0x80000048  }
0xb3: {  	_ =	swait.ge [sflag:s29], $0x1  }
0xb4: {  	[sflag:s29] =	ssyncadd.s32 $0xFFFFFFFF  }
0xb5: {  	_ =	strace $0x90000048  }
0xb6: {  	_ =	sfence  }
0xb7: {  	s30 =	sld [smem:$0x0];
	_ =	sdelay $0x2  }
0xb8: {  	s31 =	sshll.u32 s1, $0xD;
	s1 =	sshrl.u32 s1, $0x2  }
0xb9: {  	s3 =	sand.u32 $0x4000, s31;
	s1 =	sadd.s32 s1, s30  }
0xba: {  	s0 =	sor.u32 s3, s0;
	s1 =	sshll.u32 s1, $0x11  }
0xbb: {  	s0 =	sor.u32 s1, s0  }
0xbc: {  	s0 =	sadd.s32 $0x8F2B, s0  }
0xbd: {  	[sflag:s0] =	ssyncadd.remote.s32 $0x1  }
0xbe: {  	_ =	sfence.sel $0xFFFF  }
0xbf: {  	[dreg:$0x0] =	wrdreg $0xFFFFFFFF;
	(pc) =	sbr.abs _section_cstart, $3  }
0xc0: {  	[dreg:$0x1] =	wrdreg $0xFFFFFFFF  }
0xc1: {  	_ =	task.clear_ibuf [dreg:s6], $0x2FFFF;
	_ =	strace $0x9FFFFFFF  }
0xc2: {  	(tm) =	ssettm $0x7FFFFFFF  }
0xc3: {  	_ =	shalt  }
tec
execute0_lowered:
.L_overlay_start_1:
0x0: {  	(tag) =	ssettag $0x1  }
0x1: {  	s0 =	srdreg.scid;
	s1 =	rddreg [dreg:$0x0]  }
0x2: {  	s7 =	stileid.u32;
	s2 =	rddreg [dreg:$0x1]  }
0x3: {  	s17 =	simm.s32 $0x2;
	s18 =	simm.s32 $0x80;
	s21 =	simm.s32 $0xF00  }
0x4: {  	s22 =	simm.s32 $0xF80;
	s23 =	simm.s32 $0x1000;
	s24 =	simm.s32 $0x1080  }
0x5: {  	s28 =	simm.s32 $0x1180;
	s29 =	simm.s32 $0x1200;
	s30 =	simm.s32 $0x1280  }
0x6: {  	s31 =	simm.s32 $0x1300;
	s0 =	sand.u32 $0x1, s0;
	s5 =	smul.u32 $0x50000, s7  }
0x7: {  	s8 =	smul.u32 $0x14000, s7;
	s3 =	sshll.u32 s0, $0x4;
	s25 =	ssub.s32 $0x2, s0  }
0x8: {  	s0 =	smul.u32 $0x140000, s0;
	s4 =	sor.u32 s7, s3;
	s3 =	simm.s32 $0x0  }
0x9: {  	s6 =	sshrl.u32 s25, $0x1;
	s5 =	sshrl.u32 s5, $0x2;
	s10 =	sadd.s32 $0x4000, s8  }
0xa: {  	s12 =	sadd.s32 $0x8000, s8;
	s13 =	sadd.s32 $0xC000, s8;
	s14 =	sadd.s32 $0x10000, s8  }
0xb: {  	s4 =	smul.u32 $0x280, s4;
	[smem:$0x7FF] =	sst s3;
	s15 =	ssub.s32 s25, s6  }
0xc: {  	s6 =	sadd.s32 s12, s2;
	s7 =	sadd.s32 s13, s2;
	s11 =	sadd.s32 s8, s0  }
0xd: {  	s8 =	sadd.s32 s14, s2;
	s16 =	sadd.s32 s0, s10;
	s12 =	sadd.s32 s0, s12  }
0xe: {  	s13 =	sadd.s32 s0, s13;
	s0 =	sadd.s32 s0, s14;
	s25 =	simm.s32 $0x1  }
0xf: {  	_ =	strace $0x80000047;
	s11 =	sshrl.u32 s11, $0x3;
	s26 =	sshrl.u32 s16, $0x3  }
0x10: {  	s12 =	sshrl.u32 s12, $0x3;
	s13 =	sshrl.u32 s13, $0x3;
	s0 =	sshrl.u32 s0, $0x3  }
0x11: {  	s15 =	smax.u32 s15, $0x1;
	s16 =	simm.s32 $0x1400;
	s9 =	sadd.s32 s4, s1  }
0x12: {  	s1 =	sadd.s32 $0x6800, s1;
	s4 =	sadd.s32 s5, s2;
	s5 =	sadd.s32 s10, s2  }
0x13: {  	s9 =	sadd.s32 $0x1800, s9;
	s10 =	sadd.s32 s1, s11;
	s11 =	sadd.s32 s1, s26  }
0x14: {  	s12 =	sadd.s32 s1, s12;
	s13 =	sadd.s32 s1, s13;
	s14 =	sadd.s32 s1, s0  }
0x15: {  	v0 =	vimm.f32 $0.0e+00;
	v1 =	vimm.f32 $1.000000000e+00;
	s26 =	simm.s32 $0x1100;
	s1 =	simm.s32 $0x1380;
	s0 =	simm.s32 $0x0  }
.LBB2_1:
0x16: {  	s19 =	simm.s32 $0x200;
	s20 =	simm.s32 $0x0  }
.LBB2_2:
0x17: {  	p0 =	sne.s32 s19, $0xFE00;
	[tilespmem:s20+$0x1400] =	vst v0;
	s20 =	smov.u32 s19;
	s19 =	sadd.s32 $0x200, s19  }
.Ltmp0:
0x18: {  	(pc) =	sbr.rel @p0 .LBB2_2-.Ltmp0, $2  }
0x19: {  	_ =	sdelay $0x2  }
0x1a: {  	s20 =	sshra.s32 s20, $0x2  }
0x1b: {  	[tilespmem:s20+$0x1400] =	vst v0  }
0x1c: {  	[spmem:s4] =	stream.linear.scatter [tilespmem:s16], [sflag:$0x2], $0x4000, $0x38;
	[tilespmem:$0x7C00] =	vst v63  }
0x1d: {  	_ =	swait.ge [sflag:s17], $0x4000  }
0x1e: {  	[sflag:s17] =	ssyncset.done $0x0  }
0x1f: {  	[sflag:s17] =	ssyncadd.s32 $0xFFFFC000  }
0x20: {  	[spmem:s5] =	stream.linear.scatter [tilespmem:s16], [sflag:$0x2], $0x4000, $0x38;
	[tilespmem:$0x7C00] =	vst v63  }
0x21: {  	_ =	swait.ge [sflag:s17], $0x4000  }
0x22: {  	[sflag:s17] =	ssyncset.done $0x0  }
0x23: {  	[sflag:s17] =	ssyncadd.s32 $0xFFFFC000  }
0x24: {  	[spmem:s6] =	stream.linear.scatter [tilespmem:s16], [sflag:$0x2], $0x4000, $0x38;
	[tilespmem:$0x7C00] =	vst v63  }
0x25: {  	_ =	swait.ge [sflag:s17], $0x4000  }
0x26: {  	[sflag:s17] =	ssyncset.done $0x0  }
0x27: {  	[sflag:s17] =	ssyncadd.s32 $0xFFFFC000  }
0x28: {  	[spmem:s7] =	stream.linear.scatter [tilespmem:s16], [sflag:$0x2], $0x4000, $0x38;
	[tilespmem:$0x7C00] =	vst v63  }
0x29: {  	_ =	swait.ge [sflag:s17], $0x4000  }
0x2a: {  	[sflag:s17] =	ssyncset.done $0x0  }
0x2b: {  	[sflag:s17] =	ssyncadd.s32 $0xFFFFC000  }
0x2c: {  	[spmem:s8] =	stream.linear.scatter [tilespmem:s16], [sflag:$0x2], $0x4000, $0x38;
	[tilespmem:$0x7C00] =	vst v63  }
0x2d: {  	_ =	swait.ge [sflag:s17], $0x4000  }
0x2e: {  	[sflag:s17] =	ssyncset.done $0x0  }
0x2f: {  	[sflag:s17] =	ssyncadd.s32 $0xFFFFC000  }
0x30: {  	s19 =	simm.s32 $0x0;
	[bflag:$0x0] =	sbarrier.arrive $0xFFFF  }
0x31: {  	[tilespmem:s19], [sflag:$0x2] =	stream.linear.gather [hbm4b:s9+s19], $0x1400, $0x38;
	[tilespmem:$0x7C00] =	vst v63  }
0x32: {  	_ =	swait.ge [sflag:s17], $0x1400  }
0x33: {  	[sflag:s17] =	ssyncset.done $0x0  }
0x34: {  	s20 =	simm.s32 $0x0;
	s19 =	simm.s32 $0x200;
	[sflag:s17] =	ssyncadd.s32 $0xFFFFEC00  }
.LBB2_4:
0x35: {  	p0 =	sne.s32 s19, $0xFE00;
	[tilespmem:s20+$0x1400] =	vst v1;
	s20 =	smov.u32 s19;
	s19 =	sadd.s32 $0x200, s19  }
.Ltmp1:
0x36: {  	(pc) =	sbr.rel @p0 .LBB2_4-.Ltmp1, $2  }
0x37: {  	_ =	sdelay $0x2  }
0x38: {  	s20 =	sshra.s32 s20, $0x2  }
0x39: {  	[tilespmem:s20+$0x1400] =	vst v1  }
0x3a: {  	[spmem:s2] =	stream.indirect.scatter.add.f32 [tilespmem:s16], [sflag:$0x1], $0x10, s3, s18, $0xb8;
	[tilespmem:$0x7C00] =	vst v63  }
0x3b: {  	_ = 	snop  }
0x3c: {  	[spmem:s2] =	stream.indirect.scatter.add.f32 [tilespmem:s16], [sflag:$0x1], $0x10, s18, s18, $0xb8;
	[tilespmem:$0x7C00] =	vst v63  }
0x3d: {  	s19 =	simm.s32 $0x100  }
0x3e: {  	[spmem:s2] =	stream.indirect.scatter.add.f32 [tilespmem:s16], [sflag:$0x1], $0x10, s19, s18, $0xb8;
	[tilespmem:$0x7C00] =	vst v63  }
0x3f: {  	s20 =	simm.s32 $0x180  }
0x40: {  	[spmem:s2] =	stream.indirect.scatter.add.f32 [tilespmem:s16], [sflag:$0x1], $0x10, s20, s18, $0xb8;
	[tilespmem:$0x7C00] =	vst v63  }
0x41: {  	s20 =	simm.s32 $0x200  }
0x42: {  	[spmem:s2] =	stream.indirect.scatter.add.f32 [tilespmem:s16], [sflag:$0x1], $0x10, s20, s18, $0xb8;
	[tilespmem:$0x7C00] =	vst v63  }
0x43: {  	s20 =	simm.s32 $0x280  }
0x44: {  	[spmem:s2] =	stream.indirect.scatter.add.f32 [tilespmem:s16], [sflag:$0x1], $0x10, s20, s18, $0xb8;
	[tilespmem:$0x7C00] =	vst v63  }
0x45: {  	s20 =	simm.s32 $0x300  }
0x46: {  	[spmem:s2] =	stream.indirect.scatter.add.f32 [tilespmem:s16], [sflag:$0x1], $0x10, s20, s18, $0xb8;
	[tilespmem:$0x7C00] =	vst v63  }
0x47: {  	s20 =	simm.s32 $0x380  }
0x48: {  	[spmem:s2] =	stream.indirect.scatter.add.f32 [tilespmem:s16], [sflag:$0x1], $0x10, s20, s18, $0xb8;
	[tilespmem:$0x7C00] =	vst v63  }
0x49: {  	_ =	swait.ge [sflag:s25], $0x800  }
0x4a: {  	[sflag:s25] =	ssyncset.done $0x0  }
0x4b: {  	[sflag:s25] =	ssyncadd.s32 $0xFFFFF800  }
0x4c: {  	_ =	swait.ge [sflag:s25], $0x800  }
0x4d: {  	[sflag:s25] =	ssyncset.done $0x0  }
0x4e: {  	[sflag:s25] =	ssyncadd.s32 $0xFFFFF800  }
0x4f: {  	_ =	swait.ge [sflag:s25], $0x800  }
0x50: {  	[sflag:s25] =	ssyncset.done $0x0  }
0x51: {  	[sflag:s25] =	ssyncadd.s32 $0xFFFFF800  }
0x52: {  	_ =	swait.ge [sflag:s25], $0x800  }
0x53: {  	[sflag:s25] =	ssyncset.done $0x0  }
0x54: {  	[sflag:s25] =	ssyncadd.s32 $0xFFFFF800  }
0x55: {  	_ =	swait.ge [sflag:s25], $0x800  }
0x56: {  	[sflag:s25] =	ssyncset.done $0x0  }
0x57: {  	[sflag:s25] =	ssyncadd.s32 $0xFFFFF800  }
0x58: {  	_ =	swait.ge [sflag:s25], $0x800  }
0x59: {  	[sflag:s25] =	ssyncset.done $0x0  }
0x5a: {  	[sflag:s25] =	ssyncadd.s32 $0xFFFFF800  }
0x5b: {  	_ =	swait.ge [sflag:s25], $0x800  }
0x5c: {  	[sflag:s25] =	ssyncset.done $0x0  }
0x5d: {  	[sflag:s25] =	ssyncadd.s32 $0xFFFFF800  }
0x5e: {  	_ =	swait.ge [sflag:s25], $0x800  }
0x5f: {  	[sflag:s25] =	ssyncset.done $0x0  }
0x60: {  	s20 =	simm.s32 $0x400;
	[sflag:s25] =	ssyncadd.s32 $0xFFFFF800  }
0x61: {  	[spmem:s2] =	stream.indirect.scatter.add.f32 [tilespmem:s16], [sflag:$0x1], $0x10, s20, s18, $0xb8;
	[tilespmem:$0x7C00] =	vst v63  }
0x62: {  	s20 =	simm.s32 $0x480  }
0x63: {  	[spmem:s2] =	stream.indirect.scatter.add.f32 [tilespmem:s16], [sflag:$0x1], $0x10, s20, s18, $0xb8;
	[tilespmem:$0x7C00] =	vst v63  }
0x64: {  	s20 =	simm.s32 $0x500  }
0x65: {  	[spmem:s2] =	stream.indirect.scatter.add.f32 [tilespmem:s16], [sflag:$0x1], $0x10, s20, s18, $0xb8;
	[tilespmem:$0x7C00] =	vst v63  }
0x66: {  	s20 =	simm.s32 $0x580  }
0x67: {  	[spmem:s2] =	stream.indirect.scatter.add.f32 [tilespmem:s16], [sflag:$0x1], $0x10, s20, s18, $0xb8;
	[tilespmem:$0x7C00] =	vst v63  }
0x68: {  	s20 =	simm.s32 $0x600  }
0x69: {  	[spmem:s2] =	stream.indirect.scatter.add.f32 [tilespmem:s16], [sflag:$0x1], $0x10, s20, s18, $0xb8;
	[tilespmem:$0x7C00] =	vst v63  }
0x6a: {  	s20 =	simm.s32 $0x680  }
0x6b: {  	[spmem:s2] =	stream.indirect.scatter.add.f32 [tilespmem:s16], [sflag:$0x1], $0x10, s20, s18, $0xb8;
	[tilespmem:$0x7C00] =	vst v63  }
0x6c: {  	s20 =	simm.s32 $0x700  }
0x6d: {  	[spmem:s2] =	stream.indirect.scatter.add.f32 [tilespmem:s16], [sflag:$0x1], $0x10, s20, s18, $0xb8;
	[tilespmem:$0x7C00] =	vst v63  }
0x6e: {  	s20 =	simm.s32 $0x780  }
0x6f: {  	[spmem:s2] =	stream.indirect.scatter.add.f32 [tilespmem:s16], [sflag:$0x1], $0x10, s20, s18, $0xb8;
	[tilespmem:$0x7C00] =	vst v63  }
0x70: {  	_ =	swait.ge [sflag:s25], $0x800  }
0x71: {  	[sflag:s25] =	ssyncset.done $0x0  }
0x72: {  	[sflag:s25] =	ssyncadd.s32 $0xFFFFF800  }
0x73: {  	_ =	swait.ge [sflag:s25], $0x800  }
0x74: {  	[sflag:s25] =	ssyncset.done $0x0  }
0x75: {  	[sflag:s25] =	ssyncadd.s32 $0xFFFFF800  }
0x76: {  	_ =	swait.ge [sflag:s25], $0x800  }
0x77: {  	[sflag:s25] =	ssyncset.done $0x0  }
0x78: {  	[sflag:s25] =	ssyncadd.s32 $0xFFFFF800  }
0x79: {  	_ =	swait.ge [sflag:s25], $0x800  }
0x7a: {  	[sflag:s25] =	ssyncset.done $0x0  }
0x7b: {  	[sflag:s25] =	ssyncadd.s32 $0xFFFFF800  }
0x7c: {  	_ =	swait.ge [sflag:s25], $0x800  }
0x7d: {  	[sflag:s25] =	ssyncset.done $0x0  }
0x7e: {  	[sflag:s25] =	ssyncadd.s32 $0xFFFFF800  }
0x7f: {  	_ =	swait.ge [sflag:s25], $0x800  }
0x80: {  	[sflag:s25] =	ssyncset.done $0x0  }
0x81: {  	[sflag:s25] =	ssyncadd.s32 $0xFFFFF800  }
0x82: {  	_ =	swait.ge [sflag:s25], $0x800  }
0x83: {  	[sflag:s25] =	ssyncset.done $0x0  }
0x84: {  	[sflag:s25] =	ssyncadd.s32 $0xFFFFF800  }
0x85: {  	_ =	swait.ge [sflag:s25], $0x800  }
0x86: {  	[sflag:s25] =	ssyncset.done $0x0  }
0x87: {  	s20 =	simm.s32 $0x800;
	[sflag:s25] =	ssyncadd.s32 $0xFFFFF800  }
0x88: {  	[spmem:s2] =	stream.indirect.scatter.add.f32 [tilespmem:s16], [sflag:$0x1], $0x10, s20, s18, $0xb8;
	[tilespmem:$0x7C00] =	vst v63  }
0x89: {  	s20 =	simm.s32 $0x880  }
0x8a: {  	[spmem:s2] =	stream.indirect.scatter.add.f32 [tilespmem:s16], [sflag:$0x1], $0x10, s20, s18, $0xb8;
	[tilespmem:$0x7C00] =	vst v63  }
0x8b: {  	s20 =	simm.s32 $0x900  }
0x8c: {  	[spmem:s2] =	stream.indirect.scatter.add.f32 [tilespmem:s16], [sflag:$0x1], $0x10, s20, s18, $0xb8;
	[tilespmem:$0x7C00] =	vst v63  }
0x8d: {  	s20 =	simm.s32 $0x980  }
0x8e: {  	[spmem:s2] =	stream.indirect.scatter.add.f32 [tilespmem:s16], [sflag:$0x1], $0x10, s20, s18, $0xb8;
	[tilespmem:$0x7C00] =	vst v63  }
0x8f: {  	s20 =	simm.s32 $0xA00  }
0x90: {  	[spmem:s2] =	stream.indirect.scatter.add.f32 [tilespmem:s16], [sflag:$0x1], $0x10, s20, s18, $0xb8;
	[tilespmem:$0x7C00] =	vst v63  }
0x91: {  	s20 =	simm.s32 $0xA80  }
0x92: {  	[spmem:s2] =	stream.indirect.scatter.add.f32 [tilespmem:s16], [sflag:$0x1], $0x10, s20, s18, $0xb8;
	[tilespmem:$0x7C00] =	vst v63  }
0x93: {  	s20 =	simm.s32 $0xB00  }
0x94: {  	[spmem:s2] =	stream.indirect.scatter.add.f32 [tilespmem:s16], [sflag:$0x1], $0x10, s20, s18, $0xb8;
	[tilespmem:$0x7C00] =	vst v63  }
0x95: {  	s20 =	simm.s32 $0xB80  }
0x96: {  	[spmem:s2] =	stream.indirect.scatter.add.f32 [tilespmem:s16], [sflag:$0x1], $0x10, s20, s18, $0xb8;
	[tilespmem:$0x7C00] =	vst v63  }
0x97: {  	_ =	swait.ge [sflag:s25], $0x800  }
0x98: {  	[sflag:s25] =	ssyncset.done $0x0  }
0x99: {  	[sflag:s25] =	ssyncadd.s32 $0xFFFFF800  }
0x9a: {  	_ =	swait.ge [sflag:s25], $0x800  }
0x9b: {  	[sflag:s25] =	ssyncset.done $0x0  }
0x9c: {  	[sflag:s25] =	ssyncadd.s32 $0xFFFFF800  }
0x9d: {  	_ =	swait.ge [sflag:s25], $0x800  }
0x9e: {  	[sflag:s25] =	ssyncset.done $0x0  }
0x9f: {  	[sflag:s25] =	ssyncadd.s32 $0xFFFFF800  }
0xa0: {  	_ =	swait.ge [sflag:s25], $0x800  }
0xa1: {  	[sflag:s25] =	ssyncset.done $0x0  }
0xa2: {  	[sflag:s25] =	ssyncadd.s32 $0xFFFFF800  }
0xa3: {  	_ =	swait.ge [sflag:s25], $0x800  }
0xa4: {  	[sflag:s25] =	ssyncset.done $0x0  }
0xa5: {  	[sflag:s25] =	ssyncadd.s32 $0xFFFFF800  }
0xa6: {  	_ =	swait.ge [sflag:s25], $0x800  }
0xa7: {  	[sflag:s25] =	ssyncset.done $0x0  }
0xa8: {  	[sflag:s25] =	ssyncadd.s32 $0xFFFFF800  }
0xa9: {  	_ =	swait.ge [sflag:s25], $0x800  }
0xaa: {  	[sflag:s25] =	ssyncset.done $0x0  }
0xab: {  	[sflag:s25] =	ssyncadd.s32 $0xFFFFF800  }
0xac: {  	_ =	swait.ge [sflag:s25], $0x800  }
0xad: {  	[sflag:s25] =	ssyncset.done $0x0  }
0xae: {  	s20 =	simm.s32 $0xC00;
	[sflag:s25] =	ssyncadd.s32 $0xFFFFF800  }
0xaf: {  	[spmem:s2] =	stream.indirect.scatter.add.f32 [tilespmem:s16], [sflag:$0x1], $0x10, s20, s18, $0xb8;
	[tilespmem:$0x7C00] =	vst v63  }
0xb0: {  	s20 =	simm.s32 $0xC80  }
0xb1: {  	[spmem:s2] =	stream.indirect.scatter.add.f32 [tilespmem:s16], [sflag:$0x1], $0x10, s20, s18, $0xb8;
	[tilespmem:$0x7C00] =	vst v63  }
0xb2: {  	s20 =	simm.s32 $0xD00  }
0xb3: {  	[spmem:s2] =	stream.indirect.scatter.add.f32 [tilespmem:s16], [sflag:$0x1], $0x10, s20, s18, $0xb8;
	[tilespmem:$0x7C00] =	vst v63  }
0xb4: {  	s20 =	simm.s32 $0xD80  }
0xb5: {  	[spmem:s2] =	stream.indirect.scatter.add.f32 [tilespmem:s16], [sflag:$0x1], $0x10, s20, s18, $0xb8;
	[tilespmem:$0x7C00] =	vst v63  }
0xb6: {  	s20 =	simm.s32 $0xE00  }
0xb7: {  	[spmem:s2] =	stream.indirect.scatter.add.f32 [tilespmem:s16], [sflag:$0x1], $0x10, s20, s18, $0xb8;
	[tilespmem:$0x7C00] =	vst v63  }
0xb8: {  	s20 =	simm.s32 $0xE80  }
0xb9: {  	[spmem:s2] =	stream.indirect.scatter.add.f32 [tilespmem:s16], [sflag:$0x1], $0x10, s20, s18, $0xb8;
	[tilespmem:$0x7C00] =	vst v63  }
0xba: {  	_ = 	snop  }
0xbb: {  	[spmem:s2] =	stream.indirect.scatter.add.f32 [tilespmem:s16], [sflag:$0x1], $0x10, s21, s18, $0xb8;
	[tilespmem:$0x7C00] =	vst v63  }
0xbc: {  	_ = 	snop  }
0xbd: {  	[spmem:s2] =	stream.indirect.scatter.add.f32 [tilespmem:s16], [sflag:$0x1], $0x10, s22, s18, $0xb8;
	[tilespmem:$0x7C00] =	vst v63  }
0xbe: {  	_ =	swait.ge [sflag:s25], $0x800  }
0xbf: {  	[sflag:s25] =	ssyncset.done $0x0  }
0xc0: {  	[sflag:s25] =	ssyncadd.s32 $0xFFFFF800  }
0xc1: {  	_ =	swait.ge [sflag:s25], $0x800  }
0xc2: {  	[sflag:s25] =	ssyncset.done $0x0  }
0xc3: {  	[sflag:s25] =	ssyncadd.s32 $0xFFFFF800  }
0xc4: {  	_ =	swait.ge [sflag:s25], $0x800  }
0xc5: {  	[sflag:s25] =	ssyncset.done $0x0  }
0xc6: {  	[sflag:s25] =	ssyncadd.s32 $0xFFFFF800  }
0xc7: {  	_ =	swait.ge [sflag:s25], $0x800  }
0xc8: {  	[sflag:s25] =	ssyncset.done $0x0  }
0xc9: {  	[sflag:s25] =	ssyncadd.s32 $0xFFFFF800  }
0xca: {  	_ =	swait.ge [sflag:s25], $0x800  }
0xcb: {  	[sflag:s25] =	ssyncset.done $0x0  }
0xcc: {  	[sflag:s25] =	ssyncadd.s32 $0xFFFFF800  }
0xcd: {  	_ =	swait.ge [sflag:s25], $0x800  }
0xce: {  	[sflag:s25] =	ssyncset.done $0x0  }
0xcf: {  	[sflag:s25] =	ssyncadd.s32 $0xFFFFF800  }
0xd0: {  	_ =	swait.ge [sflag:s25], $0x800  }
0xd1: {  	[sflag:s25] =	ssyncset.done $0x0  }
0xd2: {  	[sflag:s25] =	ssyncadd.s32 $0xFFFFF800  }
0xd3: {  	_ =	swait.ge [sflag:s25], $0x800  }
0xd4: {  	[sflag:s25] =	ssyncset.done $0x0  }
0xd5: {  	[sflag:s25] =	ssyncadd.s32 $0xFFFFF800  }
0xd6: {  	[spmem:s2] =	stream.indirect.scatter.add.f32 [tilespmem:s16], [sflag:$0x1], $0x10, s23, s18, $0xb8;
	[tilespmem:$0x7C00] =	vst v63  }
0xd7: {  	_ = 	snop  }
0xd8: {  	[spmem:s2] =	stream.indirect.scatter.add.f32 [tilespmem:s16], [sflag:$0x1], $0x10, s24, s18, $0xb8;
	[tilespmem:$0x7C00] =	vst v63  }
0xd9: {  	_ = 	snop  }
0xda: {  	[spmem:s2] =	stream.indirect.scatter.add.f32 [tilespmem:s16], [sflag:$0x1], $0x10, s26, s18, $0xb8;
	[tilespmem:$0x7C00] =	vst v63  }
0xdb: {  	_ = 	snop  }
0xdc: {  	[spmem:s2] =	stream.indirect.scatter.add.f32 [tilespmem:s16], [sflag:$0x1], $0x10, s28, s18, $0xb8;
	[tilespmem:$0x7C00] =	vst v63  }
0xdd: {  	_ = 	snop  }
0xde: {  	[spmem:s2] =	stream.indirect.scatter.add.f32 [tilespmem:s16], [sflag:$0x1], $0x10, s29, s18, $0xb8;
	[tilespmem:$0x7C00] =	vst v63  }
0xdf: {  	_ = 	snop  }
0xe0: {  	[spmem:s2] =	stream.indirect.scatter.add.f32 [tilespmem:s16], [sflag:$0x1], $0x10, s30, s18, $0xb8;
	[tilespmem:$0x7C00] =	vst v63  }
0xe1: {  	_ = 	snop  }
0xe2: {  	[spmem:s2] =	stream.indirect.scatter.add.f32 [tilespmem:s16], [sflag:$0x1], $0x10, s31, s18, $0xb8;
	[tilespmem:$0x7C00] =	vst v63  }
0xe3: {  	_ = 	snop  }
0xe4: {  	[spmem:s2] =	stream.indirect.scatter.add.f32 [tilespmem:s16], [sflag:$0x1], $0x10, s1, s18, $0xb8;
	[tilespmem:$0x7C00] =	vst v63  }
0xe5: {  	_ =	swait.ge [sflag:s25], $0x800  }
0xe6: {  	[sflag:s25] =	ssyncset.done $0x0  }
0xe7: {  	[sflag:s25] =	ssyncadd.s32 $0xFFFFF800  }
0xe8: {  	_ =	swait.ge [sflag:s25], $0x800  }
0xe9: {  	[sflag:s25] =	ssyncset.done $0x0  }
0xea: {  	[sflag:s25] =	ssyncadd.s32 $0xFFFFF800  }
0xeb: {  	_ =	swait.ge [sflag:s25], $0x800  }
0xec: {  	[sflag:s25] =	ssyncset.done $0x0  }
0xed: {  	[sflag:s25] =	ssyncadd.s32 $0xFFFFF800  }
0xee: {  	_ =	swait.ge [sflag:s25], $0x800  }
0xef: {  	[sflag:s25] =	ssyncset.done $0x0  }
0xf0: {  	[sflag:s25] =	ssyncadd.s32 $0xFFFFF800  }
0xf1: {  	_ =	swait.ge [sflag:s25], $0x800  }
0xf2: {  	[sflag:s25] =	ssyncset.done $0x0  }
0xf3: {  	[sflag:s25] =	ssyncadd.s32 $0xFFFFF800  }
0xf4: {  	_ =	swait.ge [sflag:s25], $0x800  }
0xf5: {  	[sflag:s25] =	ssyncset.done $0x0  }
0xf6: {  	[sflag:s25] =	ssyncadd.s32 $0xFFFFF800  }
0xf7: {  	_ =	swait.ge [sflag:s25], $0x800  }
0xf8: {  	[sflag:s25] =	ssyncset.done $0x0  }
0xf9: {  	[sflag:s25] =	ssyncadd.s32 $0xFFFFF800  }
0xfa: {  	_ =	swait.ge [sflag:s25], $0x800  }
0xfb: {  	[sflag:s25] =	ssyncset.done $0x0  }
0xfc: {  	[sflag:s25] =	ssyncadd.s32 $0xFFFFF800  }
0xfd: {  	[bflag:$0x0] =	sbarrier.arrive $0xFFFF  }
0xfe: {  	[tilespmem:s16], [sflag:$0x2] =	stream.linear.gather [spmem:s4], $0x4000, $0x38;
	[tilespmem:$0x7C00] =	vst v63  }
0xff: {  	_ =	swait.ge [sflag:s17], $0x4000  }
0x100: {  	[sflag:s17] =	ssyncset.done $0x0  }
0x101: {  	[sflag:s17] =	ssyncadd.s32 $0xFFFFC000  }
0x102: {  	[hbm4b:s10+s3] =	stream.linear.scatter [tilespmem:s16], [sflag:$0x2], $0x4000, $0x38;
	[tilespmem:$0x7C00] =	vst v63  }
0x103: {  	_ =	swait.ge [sflag:s17], $0x4000  }
0x104: {  	[sflag:s17] =	ssyncset.done $0x0  }
0x105: {  	[sflag:s17] =	ssyncadd.s32 $0xFFFFC000  }
0x106: {  	[tilespmem:s16], [sflag:$0x2] =	stream.linear.gather [spmem:s5], $0x4000, $0x38;
	[tilespmem:$0x7C00] =	vst v63  }
0x107: {  	_ =	swait.ge [sflag:s17], $0x4000  }
0x108: {  	[sflag:s17] =	ssyncset.done $0x0  }
0x109: {  	[sflag:s17] =	ssyncadd.s32 $0xFFFFC000  }
0x10a: {  	[hbm4b:s11+s3] =	stream.linear.scatter [tilespmem:s16], [sflag:$0x2], $0x4000, $0x38;
	[tilespmem:$0x7C00] =	vst v63  }
0x10b: {  	_ =	swait.ge [sflag:s17], $0x4000  }
0x10c: {  	[sflag:s17] =	ssyncset.done $0x0  }
0x10d: {  	[sflag:s17] =	ssyncadd.s32 $0xFFFFC000  }
0x10e: {  	[tilespmem:s16], [sflag:$0x2] =	stream.linear.gather [spmem:s6], $0x4000, $0x38;
	[tilespmem:$0x7C00] =	vst v63  }
0x10f: {  	_ =	swait.ge [sflag:s17], $0x4000  }
0x110: {  	[sflag:s17] =	ssyncset.done $0x0  }
0x111: {  	[sflag:s17] =	ssyncadd.s32 $0xFFFFC000  }
0x112: {  	[hbm4b:s12+s3] =	stream.linear.scatter [tilespmem:s16], [sflag:$0x2], $0x4000, $0x38;
	[tilespmem:$0x7C00] =	vst v63  }
0x113: {  	_ =	swait.ge [sflag:s17], $0x4000  }
0x114: {  	[sflag:s17] =	ssyncset.done $0x0  }
0x115: {  	[sflag:s17] =	ssyncadd.s32 $0xFFFFC000  }
0x116: {  	[tilespmem:s16], [sflag:$0x2] =	stream.linear.gather [spmem:s7], $0x4000, $0x38;
	[tilespmem:$0x7C00] =	vst v63  }
0x117: {  	_ =	swait.ge [sflag:s17], $0x4000  }
0x118: {  	[sflag:s17] =	ssyncset.done $0x0  }
0x119: {  	[sflag:s17] =	ssyncadd.s32 $0xFFFFC000  }
0x11a: {  	[hbm4b:s13+s3] =	stream.linear.scatter [tilespmem:s16], [sflag:$0x2], $0x4000, $0x38;
	[tilespmem:$0x7C00] =	vst v63  }
0x11b: {  	_ =	swait.ge [sflag:s17], $0x4000  }
0x11c: {  	[sflag:s17] =	ssyncset.done $0x0  }
0x11d: {  	[sflag:s17] =	ssyncadd.s32 $0xFFFFC000  }
0x11e: {  	[tilespmem:s16], [sflag:$0x2] =	stream.linear.gather [spmem:s8], $0x4000, $0x38;
	[tilespmem:$0x7C00] =	vst v63  }
0x11f: {  	s0 =	sadd.s32 $0x1, s0;
	_ =	swait.ge [sflag:s17], $0x4000  }
0x120: {  	p0 =	sne.s32 s0, s15;
	[sflag:s17] =	ssyncset.done $0x0  }
.Ltmp2:
0x121: {  	[sflag:s17] =	ssyncadd.s32 $0xFFFFC000;
	(pc) =	sbr.rel @p0 .LBB2_1-.Ltmp2, $4  }
0x122: {  	[hbm4b:s14+s3] =	stream.linear.scatter [tilespmem:s16], [sflag:$0x2], $0x4000, $0x38;
	[tilespmem:$0x7C00] =	vst v63  }
0x123: {  	_ =	swait.ge [sflag:s17], $0x4000  }
0x124: {  	[sflag:s17] =	ssyncset.done $0x0  }
0x125: {  	[sflag:s17] =	ssyncadd.s32 $0xFFFFC000  }
0x126: {  	_ =	sfence.sel $0x180000  }
0x127: {  	[bflag:$0x0] =	sbarrier.arrive $0xFFFF  }
0x128: {  	_ =	strace $0x90000047  }
0x129: {  	s0 =	stileid.u32;
	[bflag:$0x2] =	sbarrier.arrive $0xFFFF  }
0x12a: {  	p0 =	sne.s32 s0, $0x0;
	s0 =	rddreg [dreg:$0x2]  }
0x12b: {  	s0 =	sadd.s32 @!p0 $0x100000, s0  }
0x12c: {  	[sflag:s0] =	ssyncadd.tile.s32 @!p0 $0x1;
	_ =	shalt  }
.Lfunc_end2:
_tile_overlayer_lowered:
.L_overlay_start_2:
0x12d: {  	(tag) =	ssettag $0x2  }
0x12e: {  	s0 =	rddreg [dreg:$0x0];
	s2 =	stileid.u32  }
0x12f: {  	s1 =	rddreg [dreg:$0x1];
	p0 =	sne.s32 s2, $0x0  }
0x130: {  	s3 =	rddreg [dreg:$0x2];
	[bflag:$0x3] =	sbarrier.arrive $0xFFFF;
	s2 =	simm.s32 @!p0 $0x1C02  }
0x131: {  	[timem:s3], [sflag:s2] =	dma.local @!p0 [hbm:s0], s1  }
0x132: {  	s0 =	simm.s32 @!p0 $0x2  }
0x133: {  	_ =	swait.ge @!p0 [sflag:s0], s1  }
0x134: {  	s1 =	ssub.s32 @!p0 $0x0, s1;
	[sflag:s0] =	ssyncset.done @!p0 $0x0  }
0x135: {  	[sflag:s0] =	ssyncadd.s32 @!p0 s1  }
0x136: {  	[bflag:$0x3] =	sbarrier.arrive $0xFFFF  }
0x137: {  	_ =	shalt  }

</sc_bundles>
